<compile_context>
chip_gen: v7x
topology: tpu7x:2x2x1
jax: 0.10.2.dev20260603
libtpu: 0.0.44.dev20260713+nightly
codegen_flags: <defaults>
</compile_context>

<pallas_src>
import functools
import math

import jax
import jax.numpy as jnp
from jax import lax
from jax.experimental import pallas as pl
from jax.experimental.pallas import tpu as pltpu
from jax.experimental.pallas import tpu_sc as plsc

H = 1024
W = 2048

NC = 2
NS = 16
NW = NC * NS
LANES = 16

LP = 128
CROWS = 8
CHUNK = LP * CROWS


def _coords_body(x_ref, y_ref, z_ref, par_ref, i00, i10,
                 w00, w10, w01, w11, *, n_valid, block_rows):
    pid = pl.program_id(0)
    x = x_ref[...]
    y = y_ref[...]
    z = z_ref[...]
    r00 = par_ref[0, 0]
    r01 = par_ref[0, 1]
    r02 = par_ref[0, 2]
    r10 = par_ref[0, 3]
    r11 = par_ref[0, 4]
    r12 = par_ref[0, 5]
    r20 = par_ref[0, 6]
    r21 = par_ref[0, 7]
    r22 = par_ref[0, 8]
    t0 = par_ref[0, 9]
    t1 = par_ref[0, 10]
    t2 = par_ref[0, 11]
    px = x - t0
    py = y - t1
    pz = z - t2
    nx = r00 * px + r01 * py + r02 * pz
    ny = r10 * px + r11 * py + r12 * pz
    nz = r20 * px + r21 * py + r22 * pz
    theta = jnp.arctan2(jnp.sqrt(nx * nx + ny * ny), nz)
    phi = jnp.arctan2(ny, nx) + jnp.float32(math.pi)
    xp = (jnp.float32(1.0) - phi * jnp.float32(1.0 / (2.0 * math.pi))) \
        * jnp.float32(W) - jnp.float32(0.5)
    yp = theta * jnp.float32(1.0 / math.pi) * jnp.float32(H) - jnp.float32(0.5)
    x0f = jnp.floor(xp)
    y0f = jnp.floor(yp)
    fx = xp - x0f
    fy = yp - y0f
    x0 = x0f.astype(jnp.int32)
    y0 = y0f.astype(jnp.int32)
    x1 = x0 + 1
    y1 = y0 + 1
    vx0 = jnp.logical_and(x0 >= 0, x0 <= W - 1)
    vx1 = jnp.logical_and(x1 >= 0, x1 <= W - 1)
    vy0 = jnp.logical_and(y0 >= 0, y0 <= H - 1)
    vy1 = jnp.logical_and(y1 >= 0, y1 <= H - 1)
    rows = jax.lax.broadcasted_iota(jnp.int32, (block_rows, 128), 0)
    lanec = jax.lax.broadcasted_iota(jnp.int32, (block_rows, 128), 1)
    gidx = (pid * block_rows + rows) * 128 + lanec
    inb = gidx < n_valid
    wx0 = jnp.float32(1.0) - fx
    wy0 = jnp.float32(1.0) - fy
    zero = jnp.float32(0.0)
    w00[...] = jnp.where(jnp.logical_and(jnp.logical_and(vx0, vy0), inb),
                         wx0 * wy0, zero)
    w10[...] = jnp.where(jnp.logical_and(jnp.logical_and(vx1, vy0), inb),
                         fx * wy0, zero)
    w01[...] = jnp.where(jnp.logical_and(jnp.logical_and(vx0, vy1), inb),
                         wx0 * fy, zero)
    w11[...] = jnp.where(jnp.logical_and(jnp.logical_and(vx1, vy1), inb),
                         fx * fy, zero)
    y0c = jnp.clip(y0, 0, H - 1)
    y1c = jnp.clip(y1, 0, H - 1)
    i00[...] = y0c * W + x0
    i10[...] = y1c * W + x0


BCHUNK = 4096


def _build_body(rp, gp, bp, wp, p4, pl_v, out_pix, *, pix_per_worker):
    cid = lax.axis_index("c")
    sid = lax.axis_index("s")
    wid = sid * NC + cid
    lane = jax.lax.iota(jnp.int32, LANES)
    planes = (rp, gp, bp, wp)
    n_chunks = pix_per_worker // BCHUNK

    def chunk_body(k, carry):
        base = wid * pix_per_worker + k * BCHUNK
        for c in range(4):
            pltpu.sync_copy(planes[c].at[pl.ds(base, BCHUNK)], pl_v.at[c])

        def group_body(g, inner):
            off = g * LANES
            tgt = lane * 4 + g * (LANES * 4)
            for c in range(4):
                v = pl_v[c, pl.ds(off, LANES)]
                plsc.store_scatter(out_pix, [tgt + c], v)
            return inner

        lax.fori_loop(0, BCHUNK // LANES, group_body, 0)
        pltpu.sync_copy(out_pix, p4.at[pl.ds(base * 4, BCHUNK * 4)])
        return carry

    lax.fori_loop(0, n_chunks, chunk_body, 0)

    @pl.when(wid == 0)
    def _():
        zeros = jnp.zeros((LANES,), jnp.float32)
        for q in range(4):
            out_pix[pl.ds(q * LANES, LANES)] = zeros
        pltpu.sync_copy(out_pix.at[pl.ds(0, 64)],
                        p4.at[pl.ds(4 * H * W, 64)])


def _make_build(hw, pix_per_worker):
    mesh = plsc.VectorSubcoreMesh(core_axis_name="c", subcore_axis_name="s")
    return functools.partial(
        pl.kernel,
        out_type=jax.ShapeDtypeStruct((4 * hw + 64,), jnp.float32),
        mesh=mesh,
        compiler_params=pltpu.CompilerParams(
            needs_layout_passes=False, use_tc_tiling_on_sc=False),
        scratch_types=[
            pltpu.VMEM((4, BCHUNK), jnp.float32),
            pltpu.VMEM((4 * BCHUNK,), jnp.float32),
        ],
    )(functools.partial(_build_body, pix_per_worker=pix_per_worker))


def _gather_body(table, i00, i10, wh00, wh10, wh01, wh11,
                 sr, sg, sb, sw, idx_v, gidx_v, w_v, rows_v, out_v,
                 ssem, gsem, osem, *, points_per_worker):
    cid = lax.axis_index("c")
    sid = lax.axis_index("s")
    wid = sid * NC + cid
    idx_hbm = (i00, i10)
    w_hbm = (wh00, wh10, wh01, wh11)
    out_hbm = (sr, sg, sb, sw)
    n_chunks = points_per_worker // CHUNK
    lane = jax.lax.iota(jnp.int32, LANES)
    def chunk_body(k, carry):
        base_pt = wid * points_per_worker + k * CHUNK
        for c in range(2):
            pltpu.sync_copy(idx_hbm[c].at[pl.ds(base_pt, CHUNK)],
                            idx_v.at[0, c])
        for c in range(4):
            pltpu.sync_copy(w_hbm[c].at[pl.ds(base_pt, CHUNK)],
                            w_v.at[0, c])

        def idx_body(g, inner):
            off = g * LANES
            for yr in range(2):
                b = idx_v[0, yr, pl.ds(off, LANES)]
                g1 = jnp.maximum(lax.shift_right_arithmetic(b, 1), 0)
                g2 = lax.shift_right_arithmetic(b + 1, 1)
                gidx_v[2 * yr, pl.ds(off, LANES)] = g1
                gidx_v[2 * yr + 1, pl.ds(off, LANES)] = g2
            return inner

        lax.fori_loop(0, CHUNK // LANES, idx_body, 0)
        handles = []
        for q in range(4):
            for j in range(CROWS):
                handles.append(pltpu.async_copy(
                    table.at[gidx_v.at[q, pl.ds(j * LP, LP)]],
                    rows_v.at[q, pl.ds(j * LP, LP)], gsem))
        for h in handles:
            h.wait()

        def group_body(g, inner):
            off = g * LANES
            pts = off + lane
            wv = [w_v[0, a, pl.ds(off, LANES)] for a in range(4)]
            par4 = (idx_v[0, 0, pl.ds(off, LANES)] & 1) * 4
            for ch in range(4):
                colx0 = par4 + ch
                colx1 = (4 + ch) - par4
                acc = (wv[0] * plsc.load_gather(rows_v.at[0], [pts, colx0])
                       + wv[1] * plsc.load_gather(rows_v.at[1], [pts, colx1])
                       + wv[2] * plsc.load_gather(rows_v.at[2], [pts, colx0])
                       + wv[3] * plsc.load_gather(rows_v.at[3], [pts, colx1]))
                out_v[0, ch, pl.ds(off, LANES)] = acc
            return inner

        lax.fori_loop(0, CHUNK // LANES, group_body, 0)
        for ch in range(4):
            pltpu.sync_copy(out_v.at[0, ch],
                            out_hbm[ch].at[pl.ds(base_pt, CHUNK)])
        return carry

    lax.fori_loop(0, n_chunks, chunk_body, 0)


def _make_gather(n_pad, points_per_worker):
    mesh = plsc.VectorSubcoreMesh(core_axis_name="c", subcore_axis_name="s")
    return functools.partial(
        pl.kernel,
        out_type=[jax.ShapeDtypeStruct((n_pad,), jnp.float32)] * 4,
        mesh=mesh,
        compiler_params=pltpu.CompilerParams(
            needs_layout_passes=False, use_tc_tiling_on_sc=False),
        scratch_types=[
            pltpu.VMEM((1, 2, CHUNK), jnp.int32),
            pltpu.VMEM((4, CHUNK), jnp.int32),
            pltpu.VMEM((1, 4, CHUNK), jnp.float32),
            pltpu.VMEM((4, CHUNK, 8), jnp.float32),
            pltpu.VMEM((1, 4, CHUNK), jnp.float32),
            pltpu.SemaphoreType.DMA,
            pltpu.SemaphoreType.DMA,
            pltpu.SemaphoreType.DMA,
        ],
    )(functools.partial(_gather_body, points_per_worker=points_per_worker))


def _loss_body(sr, sg, sb, sw, cr, cg, cb, pw, num_ref, den_ref):
    pid = pl.program_id(0)
    r = sr[...]
    g = sg[...]
    b = sb[...]
    dr = r - cr[...]
    dg = g - cg[...]
    db = b - cb[...]
    raw = jnp.sqrt(dr * dr + dg * dg + db * db)
    zero = jnp.float32(0.0)
    mask = jnp.where(
        jnp.logical_or(jnp.logical_or(r != zero, g != zero), b != zero),
        jnp.float32(1.0), zero)
    loss = jnp.float32(0.5) * (sw[...] + pw[...]) * raw * mask
    pnum = jnp.sum(loss)
    pden = jnp.sum(mask)

    @pl.when(pid == 0)
    def _():
        num_ref[0, 0] = zero
        den_ref[0, 0] = zero

    num_ref[0, 0] += pnum
    den_ref[0, 0] += pden


def kernel(xyz, rgb, img, img_weight, pcd_weight, translation, yaw, pitch,
           roll):
    n = xyz.shape[0]
    unit = NW * CHUNK
    n_chunks_total = -(-n // unit)
    n_pad = n_chunks_total * unit
    nr = n_pad // 128
    rows_per_worker = nr // NW
    pad = n_pad - n

    f32 = jnp.float32
    t0 = jnp.zeros(1, dtype=f32)
    t1 = jnp.ones(1, dtype=f32)
    rx = jnp.stack([jnp.stack([t1, t0, t0]),
                    jnp.stack([t0, jnp.cos(roll), -jnp.sin(roll)]),
                    jnp.stack([t0, jnp.sin(roll), jnp.cos(roll)])]).reshape(3, 3)
    ry = jnp.stack([jnp.stack([jnp.cos(pitch), t0, jnp.sin(pitch)]),
                    jnp.stack([t0, t1, t0]),
                    jnp.stack([-jnp.sin(pitch), t0, jnp.cos(pitch)])]).reshape(3, 3)
    rz = jnp.stack([jnp.stack([jnp.cos(yaw), -jnp.sin(yaw), t0]),
                    jnp.stack([jnp.sin(yaw), jnp.cos(yaw), t0]),
                    jnp.stack([t0, t0, t1])]).reshape(3, 3)
    rot = jnp.matmul(jnp.matmul(rz, ry), rx)
    params = jnp.zeros((1, 128), f32)
    params = params.at[0, :9].set(rot.reshape(9))
    params = params.at[0, 9:12].set(translation.reshape(3))

    xyzp = jnp.pad(xyz, ((0, pad), (0, 0)))
    xa = xyzp[:, 0].reshape(nr, 128)
    ya = xyzp[:, 1].reshape(nr, 128)
    za = xyzp[:, 2].reshape(nr, 128)

    br = nr // n_chunks_total
    grid_a = n_chunks_total
    idx_shape = jax.ShapeDtypeStruct((nr, 128), jnp.int32)
    w_shape = jax.ShapeDtypeStruct((nr, 128), f32)
    bspec = pl.BlockSpec((br, 128), lambda i: (i, 0))
    pspec = pl.BlockSpec((1, 128), lambda i: (0, 0))
    i00, i10, w00, w10, w01, w11 = pl.pallas_call(
        functools.partial(_coords_body, n_valid=n, block_rows=br),
        grid=(grid_a,),
        in_specs=[bspec, bspec, bspec, pspec],
        out_specs=[bspec] * 6,
        out_shape=[idx_shape] * 2 + [w_shape] * 4,
    )(xa, ya, za, params)

    hw = H * W
    p4 = _make_build(hw, hw // NW)(
        img[:, :, 0].reshape(hw), img[:, :, 1].reshape(hw),
        img[:, :, 2].reshape(hw), img_weight.reshape(hw))
    table = p4.reshape(hw // 2 + 8, 8)

    sr1, sg1, sb1, sw1 = _make_gather(n_pad, n_pad // NW)(
        table,
        i00.reshape(n_pad), i10.reshape(n_pad),
        w00.reshape(n_pad), w10.reshape(n_pad),
        w01.reshape(n_pad), w11.reshape(n_pad))
    sr = sr1.reshape(nr, 128)
    sg = sg1.reshape(nr, 128)
    sb = sb1.reshape(nr, 128)
    sw = sw1.reshape(nr, 128)

    rgbp = jnp.pad(rgb, ((0, pad), (0, 0)))
    cr = rgbp[:, 0].reshape(nr, 128)
    cg = rgbp[:, 1].reshape(nr, 128)
    cb = rgbp[:, 2].reshape(nr, 128)
    pw = jnp.pad(pcd_weight, (0, pad)).reshape(nr, 128)

    sshape = jax.ShapeDtypeStruct((1, 1), f32)
    sspec = pl.BlockSpec((1, 1), lambda i: (0, 0),
                         memory_space=pltpu.SMEM)
    num, den = pl.pallas_call(
        _loss_body,
        grid=(grid_a,),
        in_specs=[bspec] * 8,
        out_specs=[sspec, sspec],
        out_shape=[sshape, sshape],
    )(sr, sg, sb, sw, cr, cg, cb, pw)
    return num[0, 0] / den[0, 0]

# --- scband reference (transcript-rebuilt; emitter-appended) ---
"""Pipeline reference for scband-sampling-loss-31104153158230 (READ-ONLY COPY).

The authoritative reference and input builder live on the scoring server;
editing this copy changes nothing except your own understanding.
"""

import jax, jax.numpy as jnp
import numpy as np

N = 1000000
H, W = 1024, 2048


def cloud2idx(xyz):
    theta = jnp.arctan2(jnp.sqrt(xyz[:, 0] ** 2 + xyz[:, 1] ** 2), xyz[:, 2])
    phi = jnp.arctan2(xyz[:, 1], xyz[:, 0]) + np.pi
    coord = jnp.stack([1.0 - phi / (2.0 * np.pi), theta / np.pi], axis=-1)
    return 2.0 * coord - 1.0


def sample_from_img(img, coord):
    # bilinear grid_sample with align_corners=False, zeros padding
    Hh, Ww, C = img.shape
    x = (coord[:, 0] + 1.0) * Ww / 2.0 - 0.5
    y = (coord[:, 1] + 1.0) * Hh / 2.0 - 0.5
    x0 = jnp.floor(x)
    y0 = jnp.floor(y)
    x1 = x0 + 1.0
    y1 = y0 + 1.0
    wx1 = x - x0
    wx0 = 1.0 - wx1
    wy1 = y - y0
    wy0 = 1.0 - wy1

    def g(xi, yi):
        valid = ((xi >= 0) & (xi <= Ww - 1) & (yi >= 0) & (yi <= Hh - 1)).astype(img.dtype)
        xc = jnp.clip(xi, 0, Ww - 1).astype(jnp.int32)
        yc = jnp.clip(yi, 0, Hh - 1).astype(jnp.int32)
        return img[yc, xc] * valid[:, None]

    out = (g(x0, y0) * (wx0 * wy0)[:, None]
           + g(x1, y0) * (wx1 * wy0)[:, None]
           + g(x0, y1) * (wx0 * wy1)[:, None]
           + g(x1, y1) * (wx1 * wy1)[:, None])
    return out


def setup_inputs(seed: int = 0):
    key = jax.random.key(seed)
    ks = jax.random.split(key, 9)
    xyz = jax.random.normal(ks[0], (N, 3), dtype=jnp.float32) * 5.0
    rgb = jax.random.uniform(ks[1], (N, 3), dtype=jnp.float32)
    img = jax.random.uniform(ks[2], (H, W, 3), dtype=jnp.float32)
    img_weight = jax.random.uniform(ks[3], (H, W, 1), dtype=jnp.float32)
    pcd_weight = jax.random.uniform(ks[4], (N,), dtype=jnp.float32)
    translation = jax.random.normal(ks[5], (3, 1), dtype=jnp.float32)
    yaw = jax.random.normal(ks[6], (1,), dtype=jnp.float32)
    pitch = jax.random.normal(ks[7], (1,), dtype=jnp.float32)
    roll = jax.random.normal(ks[8], (1,), dtype=jnp.float32)
    return {"xyz": xyz, "rgb": rgb, "img": img, "img_weight": img_weight,
            "pcd_weight": pcd_weight, "translation": translation,
            "yaw": yaw, "pitch": pitch, "roll": roll}


def reference(xyz, rgb, img, img_weight, pcd_weight, translation, yaw, pitch, roll):
    t0 = jnp.zeros(1, dtype=xyz.dtype)
    t1 = jnp.ones(1, dtype=xyz.dtype)
    RX = jnp.stack([jnp.stack([t1, t0, t0]),
                    jnp.stack([t0, jnp.cos(roll), -jnp.sin(roll)]),
                    jnp.stack([t0, jnp.sin(roll), jnp.cos(roll)])]).reshape(3, 3)
    RY = jnp.stack([jnp.stack([jnp.cos(pitch), t0, jnp.sin(pitch)]),
                    jnp.stack([t0, t1, t0]),
                    jnp.stack([-jnp.sin(pitch), t0, jnp.cos(pitch)])]).reshape(3, 3)
    RZ = jnp.stack([jnp.stack([jnp.cos(yaw), -jnp.sin(yaw), t0]),
                    jnp.stack([jnp.sin(yaw), jnp.cos(yaw), t0]),
                    jnp.stack([t0, t0, t1])]).reshape(3, 3)
    R = jnp.matmul(jnp.matmul(RZ, RY), RX)
    new_xyz = jnp.transpose(xyz, (1, 0)) - translation
    new_xyz = jnp.transpose(jnp.matmul(R, new_xyz), (1, 0))
    coord_arr = cloud2idx(new_xyz)
    in_rgb = rgb
    sample_rgb = sample_from_img(img, coord_arr)
    raw_loss = jnp.linalg.norm(sample_rgb - in_rgb, axis=-1)
    loss_img_weight = jax.lax.stop_gradient(sample_from_img(img_weight, coord_arr)).squeeze()
    raw_loss = 0.5 * (loss_img_weight + pcd_weight.squeeze()) * raw_loss
    mask = (jnp.sum((sample_rgb == 0).astype(jnp.int32), axis=1) != 3).astype(raw_loss.dtype)
    rgb_loss = (raw_loss * mask).sum() / mask.sum()
    return rgb_loss

if __name__ == "__main__":
    import jax
    _d = setup_inputs()
    print(jax.jit(kernel)(*tuple(_d.values())))

</pallas_src>

<mosaic_0001>
#map = affine_map<(d0, d1) -> (0, 0)>
#map1 = affine_map<(d0, d1) -> (0)>
module attributes {stable_mosaic.version = 14 : i64} {
  func.func @_gather_body(%arg0: i32, %arg1: i32, %arg2: memref<1048584x8xf32, #tpu.memory_space<hbm>>, %arg3: memref<1015808xi32, #tpu.memory_space<hbm>>, %arg4: memref<1015808xi32, #tpu.memory_space<hbm>>, %arg5: memref<1015808xf32, #tpu.memory_space<hbm>>, %arg6: memref<1015808xf32, #tpu.memory_space<hbm>>, %arg7: memref<1015808xf32, #tpu.memory_space<hbm>>, %arg8: memref<1015808xf32, #tpu.memory_space<hbm>>, %arg9: memref<1015808xf32, #tpu.memory_space<hbm>>, %arg10: memref<1015808xf32, #tpu.memory_space<hbm>>, %arg11: memref<1015808xf32, #tpu.memory_space<hbm>>, %arg12: memref<1015808xf32, #tpu.memory_space<hbm>>, %arg13: memref<1x2x1024xi32, #tpu.memory_space<vmem>>, %arg14: memref<4x1024xi32, #tpu.memory_space<vmem>>, %arg15: memref<1x4x1024xf32, #tpu.memory_space<vmem>>, %arg16: memref<4x1024x8xf32, #tpu.memory_space<vmem>>, %arg17: memref<1x4x1024xf32, #tpu.memory_space<vmem>>, %arg18: memref<!tpu.dma_semaphore, #tpu.memory_space<semaphore_mem>>, %arg19: memref<!tpu.dma_semaphore, #tpu.memory_space<semaphore_mem>>, %arg20: memref<!tpu.dma_semaphore, #tpu.memory_space<semaphore_mem>>) attributes {dimension_semantics = [#tpu.dimension_semantics<core_parallel>, #tpu.dimension_semantics<subcore_parallel>], iteration_bounds = array<i64: 2, 16>, scalar_prefetch = 0 : i64, scratch_operands = 8 : i64, tpu.core_type = #tpu.core_type<sc_vector_subcore>, window_params = [{transform_indices = #map}, {transform_indices = #map1}, {transform_indices = #map1}, {transform_indices = #map1}, {transform_indices = #map1}, {transform_indices = #map1}, {transform_indices = #map1}, {transform_indices = #map1}, {transform_indices = #map1}, {transform_indices = #map1}, {transform_indices = #map1}]} {
    %mul3A = arith.constant 2 : i32
    %mul3A_0 = arith.muli %arg1, %mul3A : i32
    %add3A = arith.addi %mul3A_0, %arg0 : i32
    %iota3A = tpu.iota {dimensions = array<i32: 0>} : vector<16xi32>
    %scan3A = arith.constant 0 : i32
    %scan3A_1 = arith.constant 0 : i32
    %scan3A_2 = arith.constant 31 : i32
    %scan3A_3 = arith.addi %scan3A_1, %scan3A_2 : i32
    %scan3A_4 = arith.constant 1 : i32
    scf.for %scan3A_6 = %scan3A_1 to %scan3A_3 step %scan3A_4  : i32 {
      %mul3A_7 = arith.constant 31744 : i32
      %mul3A_8 = arith.muli %add3A, %mul3A_7 : i32
      %mul3A_9 = arith.constant 1024 : i32
      %mul3A_10 = arith.muli %scan3A_6, %mul3A_9 : i32
      %add3A_11 = arith.addi %mul3A_8, %mul3A_10 : i32
      %run_scoped3A = arith.constant 0 : i32
      %run_scoped3A_12 = arith.constant 0 : i32
      "tpu.region"() ({
        %run_scoped3A_809 = tpu.sem_alloc : memref<!tpu.dma_semaphore, #tpu.memory_space<semaphore_mem>>
        %dma_start3A_810 = arith.constant 0 : i32
        %dma_start3A_811 = tpu.memref_slice %arg13[%run_scoped3A, %run_scoped3A_12, %dma_start3A_810] : memref<1x2x1024xi32, #tpu.memory_space<vmem>> -> memref<1x1x1024xi32, #tpu.memory_space<vmem>>
        %dma_start3A_812 = tpu.memref_squeeze %dma_start3A_811 : memref<1x1x1024xi32, #tpu.memory_space<vmem>> -> memref<1024xi32, #tpu.memory_space<vmem>>
        %dma_start3A_813 = tpu.memref_slice %arg3[%add3A_11] : memref<1015808xi32, #tpu.memory_space<hbm>> -> memref<1024xi32, #tpu.memory_space<hbm>>
        %dma_start3A_814 = arith.constant 0 : i32
        %dma_start3A_815 = tpu.memref_slice %arg13[%run_scoped3A, %run_scoped3A_12, %dma_start3A_814] : memref<1x2x1024xi32, #tpu.memory_space<vmem>> -> memref<1x1x1024xi32, #tpu.memory_space<vmem>>
        %dma_start3A_816 = tpu.memref_squeeze %dma_start3A_815 : memref<1x1x1024xi32, #tpu.memory_space<vmem>> -> memref<1024xi32, #tpu.memory_space<vmem>>
        %dma_start3A_817 = tpu.memref_slice %arg3[%add3A_11] : memref<1015808xi32, #tpu.memory_space<hbm>> -> memref<1024xi32, #tpu.memory_space<hbm>>
        tpu.enqueue_dma source(%dma_start3A_817 : memref<1024xi32, #tpu.memory_space<hbm>>) target(%dma_start3A_816 : memref<1024xi32, #tpu.memory_space<vmem>>) target_semaphore(%run_scoped3A_809 : memref<!tpu.dma_semaphore, #tpu.memory_space<semaphore_mem>>)
        %dma_wait3A_818 = arith.constant 0 : i32
        %dma_wait3A_819 = tpu.memref_slice %arg13[%run_scoped3A, %run_scoped3A_12, %dma_wait3A_818] : memref<1x2x1024xi32, #tpu.memory_space<vmem>> -> memref<1x1x1024xi32, #tpu.memory_space<vmem>>
        %dma_wait3A_820 = tpu.memref_squeeze %dma_wait3A_819 : memref<1x1x1024xi32, #tpu.memory_space<vmem>> -> memref<1024xi32, #tpu.memory_space<vmem>>
        %dma_wait3A_821 = tpu.memref_slice %arg3[%add3A_11] : memref<1015808xi32, #tpu.memory_space<hbm>> -> memref<1024xi32, #tpu.memory_space<hbm>>
        %dma_wait3A_822 = arith.constant 0 : i32
        %dma_wait3A_823 = tpu.memref_slice %arg13[%run_scoped3A, %run_scoped3A_12, %dma_wait3A_822] : memref<1x2x1024xi32, #tpu.memory_space<vmem>> -> memref<1x1x1024xi32, #tpu.memory_space<vmem>>
        %dma_wait3A_824 = tpu.memref_squeeze %dma_wait3A_823 : memref<1x1x1024xi32, #tpu.memory_space<vmem>> -> memref<1024xi32, #tpu.memory_space<vmem>>
        %dma_wait3A_825 = tpu.memref_slice %arg3[%add3A_11] : memref<1015808xi32, #tpu.memory_space<hbm>> -> memref<1024xi32, #tpu.memory_space<hbm>>
        tpu.wait_dma2 semaphore(%run_scoped3A_809 : memref<!tpu.dma_semaphore, #tpu.memory_space<semaphore_mem>>) src(%dma_wait3A_825 : memref<1024xi32, #tpu.memory_space<hbm>>) dst(%dma_wait3A_824 : memref<1024xi32, #tpu.memory_space<vmem>>)
        tpu.yield
      }) : () -> ()
      %run_scoped3A_13 = arith.constant 0 : i32
      %run_scoped3A_14 = arith.constant 1 : i32
      "tpu.region"() ({
        %run_scoped3A_809 = tpu.sem_alloc : memref<!tpu.dma_semaphore, #tpu.memory_space<semaphore_mem>>
        %dma_start3A_810 = arith.constant 0 : i32
        %dma_start3A_811 = tpu.memref_slice %arg13[%run_scoped3A_13, %run_scoped3A_14, %dma_start3A_810] : memref<1x2x1024xi32, #tpu.memory_space<vmem>> -> memref<1x1x1024xi32, #tpu.memory_space<vmem>>
        %dma_start3A_812 = tpu.memref_squeeze %dma_start3A_811 : memref<1x1x1024xi32, #tpu.memory_space<vmem>> -> memref<1024xi32, #tpu.memory_space<vmem>>
        %dma_start3A_813 = tpu.memref_slice %arg4[%add3A_11] : memref<1015808xi32, #tpu.memory_space<hbm>> -> memref<1024xi32, #tpu.memory_space<hbm>>
        %dma_start3A_814 = arith.constant 0 : i32
        %dma_start3A_815 = tpu.memref_slice %arg13[%run_scoped3A_13, %run_scoped3A_14, %dma_start3A_814] : memref<1x2x1024xi32, #tpu.memory_space<vmem>> -> memref<1x1x1024xi32, #tpu.memory_space<vmem>>
        %dma_start3A_816 = tpu.memref_squeeze %dma_start3A_815 : memref<1x1x1024xi32, #tpu.memory_space<vmem>> -> memref<1024xi32, #tpu.memory_space<vmem>>
        %dma_start3A_817 = tpu.memref_slice %arg4[%add3A_11] : memref<1015808xi32, #tpu.memory_space<hbm>> -> memref<1024xi32, #tpu.memory_space<hbm>>
        tpu.enqueue_dma source(%dma_start3A_817 : memref<1024xi32, #tpu.memory_space<hbm>>) target(%dma_start3A_816 : memref<1024xi32, #tpu.memory_space<vmem>>) target_semaphore(%run_scoped3A_809 : memref<!tpu.dma_semaphore, #tpu.memory_space<semaphore_mem>>)
        %dma_wait3A_818 = arith.constant 0 : i32
        %dma_wait3A_819 = tpu.memref_slice %arg13[%run_scoped3A_13, %run_scoped3A_14, %dma_wait3A_818] : memref<1x2x1024xi32, #tpu.memory_space<vmem>> -> memref<1x1x1024xi32, #tpu.memory_space<vmem>>
        %dma_wait3A_820 = tpu.memref_squeeze %dma_wait3A_819 : memref<1x1x1024xi32, #tpu.memory_space<vmem>> -> memref<1024xi32, #tpu.memory_space<vmem>>
        %dma_wait3A_821 = tpu.memref_slice %arg4[%add3A_11] : memref<1015808xi32, #tpu.memory_space<hbm>> -> memref<1024xi32, #tpu.memory_space<hbm>>
        %dma_wait3A_822 = arith.constant 0 : i32
        %dma_wait3A_823 = tpu.memref_slice %arg13[%run_scoped3A_13, %run_scoped3A_14, %dma_wait3A_822] : memref<1x2x1024xi32, #tpu.memory_space<vmem>> -> memref<1x1x1024xi32, #tpu.memory_space<vmem>>
        %dma_wait3A_824 = tpu.memref_squeeze %dma_wait3A_823 : memref<1x1x1024xi32, #tpu.memory_space<vmem>> -> memref<1024xi32, #tpu.memory_space<vmem>>
        %dma_wait3A_825 = tpu.memref_slice %arg4[%add3A_11] : memref<1015808xi32, #tpu.memory_space<hbm>> -> memref<1024xi32, #tpu.memory_space<hbm>>
        tpu.wait_dma2 semaphore(%run_scoped3A_809 : memref<!tpu.dma_semaphore, #tpu.memory_space<semaphore_mem>>) src(%dma_wait3A_825 : memref<1024xi32, #tpu.memory_space<hbm>>) dst(%dma_wait3A_824 : memref<1024xi32, #tpu.memory_space<vmem>>)
        tpu.yield
      }) : () -> ()
      %run_scoped3A_15 = arith.constant 0 : i32
      %run_scoped3A_16 = arith.constant 0 : i32
      "tpu.region"() ({
        %run_scoped3A_809 = tpu.sem_alloc : memref<!tpu.dma_semaphore, #tpu.memory_space<semaphore_mem>>
        %dma_start3A_810 = arith.constant 0 : i32
        %dma_start3A_811 = tpu.memref_slice %arg15[%run_scoped3A_15, %run_scoped3A_16, %dma_start3A_810] : memref<1x4x1024xf32, #tpu.memory_space<vmem>> -> memref<1x1x1024xf32, #tpu.memory_space<vmem>>
        %dma_start3A_812 = tpu.memref_squeeze %dma_start3A_811 : memref<1x1x1024xf32, #tpu.memory_space<vmem>> -> memref<1024xf32, #tpu.memory_space<vmem>>
        %dma_start3A_813 = tpu.memref_slice %arg5[%add3A_11] : memref<1015808xf32, #tpu.memory_space<hbm>> -> memref<1024xf32, #tpu.memory_space<hbm>>
        %dma_start3A_814 = arith.constant 0 : i32
        %dma_start3A_815 = tpu.memref_slice %arg15[%run_scoped3A_15, %run_scoped3A_16, %dma_start3A_814] : memref<1x4x1024xf32, #tpu.memory_space<vmem>> -> memref<1x1x1024xf32, #tpu.memory_space<vmem>>
        %dma_start3A_816 = tpu.memref_squeeze %dma_start3A_815 : memref<1x1x1024xf32, #tpu.memory_space<vmem>> -> memref<1024xf32, #tpu.memory_space<vmem>>
        %dma_start3A_817 = tpu.memref_slice %arg5[%add3A_11] : memref<1015808xf32, #tpu.memory_space<hbm>> -> memref<1024xf32, #tpu.memory_space<hbm>>
        tpu.enqueue_dma source(%dma_start3A_817 : memref<1024xf32, #tpu.memory_space<hbm>>) target(%dma_start3A_816 : memref<1024xf32, #tpu.memory_space<vmem>>) target_semaphore(%run_scoped3A_809 : memref<!tpu.dma_semaphore, #tpu.memory_space<semaphore_mem>>)
        %dma_wait3A_818 = arith.constant 0 : i32
        %dma_wait3A_819 = tpu.memref_slice %arg15[%run_scoped3A_15, %run_scoped3A_16, %dma_wait3A_818] : memref<1x4x1024xf32, #tpu.memory_space<vmem>> -> memref<1x1x1024xf32, #tpu.memory_space<vmem>>
        %dma_wait3A_820 = tpu.memref_squeeze %dma_wait3A_819 : memref<1x1x1024xf32, #tpu.memory_space<vmem>> -> memref<1024xf32, #tpu.memory_space<vmem>>
        %dma_wait3A_821 = tpu.memref_slice %arg5[%add3A_11] : memref<1015808xf32, #tpu.memory_space<hbm>> -> memref<1024xf32, #tpu.memory_space<hbm>>
        %dma_wait3A_822 = arith.constant 0 : i32
        %dma_wait3A_823 = tpu.memref_slice %arg15[%run_scoped3A_15, %run_scoped3A_16, %dma_wait3A_822] : memref<1x4x1024xf32, #tpu.memory_space<vmem>> -> memref<1x1x1024xf32, #tpu.memory_space<vmem>>
        %dma_wait3A_824 = tpu.memref_squeeze %dma_wait3A_823 : memref<1x1x1024xf32, #tpu.memory_space<vmem>> -> memref<1024xf32, #tpu.memory_space<vmem>>
        %dma_wait3A_825 = tpu.memref_slice %arg5[%add3A_11] : memref<1015808xf32, #tpu.memory_space<hbm>> -> memref<1024xf32, #tpu.memory_space<hbm>>
        tpu.wait_dma2 semaphore(%run_scoped3A_809 : memref<!tpu.dma_semaphore, #tpu.memory_space<semaphore_mem>>) src(%dma_wait3A_825 : memref<1024xf32, #tpu.memory_space<hbm>>) dst(%dma_wait3A_824 : memref<1024xf32, #tpu.memory_space<vmem>>)
        tpu.yield
      }) : () -> ()
      %run_scoped3A_17 = arith.constant 0 : i32
      %run_scoped3A_18 = arith.constant 1 : i32
      "tpu.region"() ({
        %run_scoped3A_809 = tpu.sem_alloc : memref<!tpu.dma_semaphore, #tpu.memory_space<semaphore_mem>>
        %dma_start3A_810 = arith.constant 0 : i32
        %dma_start3A_811 = tpu.memref_slice %arg15[%run_scoped3A_17, %run_scoped3A_18, %dma_start3A_810] : memref<1x4x1024xf32, #tpu.memory_space<vmem>> -> memref<1x1x1024xf32, #tpu.memory_space<vmem>>
        %dma_start3A_812 = tpu.memref_squeeze %dma_start3A_811 : memref<1x1x1024xf32, #tpu.memory_space<vmem>> -> memref<1024xf32, #tpu.memory_space<vmem>>
        %dma_start3A_813 = tpu.memref_slice %arg6[%add3A_11] : memref<1015808xf32, #tpu.memory_space<hbm>> -> memref<1024xf32, #tpu.memory_space<hbm>>
        %dma_start3A_814 = arith.constant 0 : i32
        %dma_start3A_815 = tpu.memref_slice %arg15[%run_scoped3A_17, %run_scoped3A_18, %dma_start3A_814] : memref<1x4x1024xf32, #tpu.memory_space<vmem>> -> memref<1x1x1024xf32, #tpu.memory_space<vmem>>
        %dma_start3A_816 = tpu.memref_squeeze %dma_start3A_815 : memref<1x1x1024xf32, #tpu.memory_space<vmem>> -> memref<1024xf32, #tpu.memory_space<vmem>>
        %dma_start3A_817 = tpu.memref_slice %arg6[%add3A_11] : memref<1015808xf32, #tpu.memory_space<hbm>> -> memref<1024xf32, #tpu.memory_space<hbm>>
        tpu.enqueue_dma source(%dma_start3A_817 : memref<1024xf32, #tpu.memory_space<hbm>>) target(%dma_start3A_816 : memref<1024xf32, #tpu.memory_space<vmem>>) target_semaphore(%run_scoped3A_809 : memref<!tpu.dma_semaphore, #tpu.memory_space<semaphore_mem>>)
        %dma_wait3A_818 = arith.constant 0 : i32
        %dma_wait3A_819 = tpu.memref_slice %arg15[%run_scoped3A_17, %run_scoped3A_18, %dma_wait3A_818] : memref<1x4x1024xf32, #tpu.memory_space<vmem>> -> memref<1x1x1024xf32, #tpu.memory_space<vmem>>
        %dma_wait3A_820 = tpu.memref_squeeze %dma_wait3A_819 : memref<1x1x1024xf32, #tpu.memory_space<vmem>> -> memref<1024xf32, #tpu.memory_space<vmem>>
        %dma_wait3A_821 = tpu.memref_slice %arg6[%add3A_11] : memref<1015808xf32, #tpu.memory_space<hbm>> -> memref<1024xf32, #tpu.memory_space<hbm>>
        %dma_wait3A_822 = arith.constant 0 : i32
        %dma_wait3A_823 = tpu.memref_slice %arg15[%run_scoped3A_17, %run_scoped3A_18, %dma_wait3A_822] : memref<1x4x1024xf32, #tpu.memory_space<vmem>> -> memref<1x1x1024xf32, #tpu.memory_space<vmem>>
        %dma_wait3A_824 = tpu.memref_squeeze %dma_wait3A_823 : memref<1x1x1024xf32, #tpu.memory_space<vmem>> -> memref<1024xf32, #tpu.memory_space<vmem>>
        %dma_wait3A_825 = tpu.memref_slice %arg6[%add3A_11] : memref<1015808xf32, #tpu.memory_space<hbm>> -> memref<1024xf32, #tpu.memory_space<hbm>>
        tpu.wait_dma2 semaphore(%run_scoped3A_809 : memref<!tpu.dma_semaphore, #tpu.memory_space<semaphore_mem>>) src(%dma_wait3A_825 : memref<1024xf32, #tpu.memory_space<hbm>>) dst(%dma_wait3A_824 : memref<1024xf32, #tpu.memory_space<vmem>>)
        tpu.yield
      }) : () -> ()
      %run_scoped3A_19 = arith.constant 0 : i32
      %run_scoped3A_20 = arith.constant 2 : i32
      "tpu.region"() ({
        %run_scoped3A_809 = tpu.sem_alloc : memref<!tpu.dma_semaphore, #tpu.memory_space<semaphore_mem>>
        %dma_start3A_810 = arith.constant 0 : i32
        %dma_start3A_811 = tpu.memref_slice %arg15[%run_scoped3A_19, %run_scoped3A_20, %dma_start3A_810] : memref<1x4x1024xf32, #tpu.memory_space<vmem>> -> memref<1x1x1024xf32, #tpu.memory_space<vmem>>
        %dma_start3A_812 = tpu.memref_squeeze %dma_start3A_811 : memref<1x1x1024xf32, #tpu.memory_space<vmem>> -> memref<1024xf32, #tpu.memory_space<vmem>>
        %dma_start3A_813 = tpu.memref_slice %arg7[%add3A_11] : memref<1015808xf32, #tpu.memory_space<hbm>> -> memref<1024xf32, #tpu.memory_space<hbm>>
        %dma_start3A_814 = arith.constant 0 : i32
        %dma_start3A_815 = tpu.memref_slice %arg15[%run_scoped3A_19, %run_scoped3A_20, %dma_start3A_814] : memref<1x4x1024xf32, #tpu.memory_space<vmem>> -> memref<1x1x1024xf32, #tpu.memory_space<vmem>>
        %dma_start3A_816 = tpu.memref_squeeze %dma_start3A_815 : memref<1x1x1024xf32, #tpu.memory_space<vmem>> -> memref<1024xf32, #tpu.memory_space<vmem>>
        %dma_start3A_817 = tpu.memref_slice %arg7[%add3A_11] : memref<1015808xf32, #tpu.memory_space<hbm>> -> memref<1024xf32, #tpu.memory_space<hbm>>
        tpu.enqueue_dma source(%dma_start3A_817 : memref<1024xf32, #tpu.memory_space<hbm>>) target(%dma_start3A_816 : memref<1024xf32, #tpu.memory_space<vmem>>) target_semaphore(%run_scoped3A_809 : memref<!tpu.dma_semaphore, #tpu.memory_space<semaphore_mem>>)
        %dma_wait3A_818 = arith.constant 0 : i32
        %dma_wait3A_819 = tpu.memref_slice %arg15[%run_scoped3A_19, %run_scoped3A_20, %dma_wait3A_818] : memref<1x4x1024xf32, #tpu.memory_space<vmem>> -> memref<1x1x1024xf32, #tpu.memory_space<vmem>>
        %dma_wait3A_820 = tpu.memref_squeeze %dma_wait3A_819 : memref<1x1x1024xf32, #tpu.memory_space<vmem>> -> memref<1024xf32, #tpu.memory_space<vmem>>
        %dma_wait3A_821 = tpu.memref_slice %arg7[%add3A_11] : memref<1015808xf32, #tpu.memory_space<hbm>> -> memref<1024xf32, #tpu.memory_space<hbm>>
        %dma_wait3A_822 = arith.constant 0 : i32
        %dma_wait3A_823 = tpu.memref_slice %arg15[%run_scoped3A_19, %run_scoped3A_20, %dma_wait3A_822] : memref<1x4x1024xf32, #tpu.memory_space<vmem>> -> memref<1x1x1024xf32, #tpu.memory_space<vmem>>
        %dma_wait3A_824 = tpu.memref_squeeze %dma_wait3A_823 : memref<1x1x1024xf32, #tpu.memory_space<vmem>> -> memref<1024xf32, #tpu.memory_space<vmem>>
        %dma_wait3A_825 = tpu.memref_slice %arg7[%add3A_11] : memref<1015808xf32, #tpu.memory_space<hbm>> -> memref<1024xf32, #tpu.memory_space<hbm>>
        tpu.wait_dma2 semaphore(%run_scoped3A_809 : memref<!tpu.dma_semaphore, #tpu.memory_space<semaphore_mem>>) src(%dma_wait3A_825 : memref<1024xf32, #tpu.memory_space<hbm>>) dst(%dma_wait3A_824 : memref<1024xf32, #tpu.memory_space<vmem>>)
        tpu.yield
      }) : () -> ()
      %run_scoped3A_21 = arith.constant 0 : i32
      %run_scoped3A_22 = arith.constant 3 : i32
      "tpu.region"() ({
        %run_scoped3A_809 = tpu.sem_alloc : memref<!tpu.dma_semaphore, #tpu.memory_space<semaphore_mem>>
        %dma_start3A_810 = arith.constant 0 : i32
        %dma_start3A_811 = tpu.memref_slice %arg15[%run_scoped3A_21, %run_scoped3A_22, %dma_start3A_810] : memref<1x4x1024xf32, #tpu.memory_space<vmem>> -> memref<1x1x1024xf32, #tpu.memory_space<vmem>>
        %dma_start3A_812 = tpu.memref_squeeze %dma_start3A_811 : memref<1x1x1024xf32, #tpu.memory_space<vmem>> -> memref<1024xf32, #tpu.memory_space<vmem>>
        %dma_start3A_813 = tpu.memref_slice %arg8[%add3A_11] : memref<1015808xf32, #tpu.memory_space<hbm>> -> memref<1024xf32, #tpu.memory_space<hbm>>
        %dma_start3A_814 = arith.constant 0 : i32
        %dma_start3A_815 = tpu.memref_slice %arg15[%run_scoped3A_21, %run_scoped3A_22, %dma_start3A_814] : memref<1x4x1024xf32, #tpu.memory_space<vmem>> -> memref<1x1x1024xf32, #tpu.memory_space<vmem>>
        %dma_start3A_816 = tpu.memref_squeeze %dma_start3A_815 : memref<1x1x1024xf32, #tpu.memory_space<vmem>> -> memref<1024xf32, #tpu.memory_space<vmem>>
        %dma_start3A_817 = tpu.memref_slice %arg8[%add3A_11] : memref<1015808xf32, #tpu.memory_space<hbm>> -> memref<1024xf32, #tpu.memory_space<hbm>>
        tpu.enqueue_dma source(%dma_start3A_817 : memref<1024xf32, #tpu.memory_space<hbm>>) target(%dma_start3A_816 : memref<1024xf32, #tpu.memory_space<vmem>>) target_semaphore(%run_scoped3A_809 : memref<!tpu.dma_semaphore, #tpu.memory_space<semaphore_mem>>)
        %dma_wait3A_818 = arith.constant 0 : i32
        %dma_wait3A_819 = tpu.memref_slice %arg15[%run_scoped3A_21, %run_scoped3A_22, %dma_wait3A_818] : memref<1x4x1024xf32, #tpu.memory_space<vmem>> -> memref<1x1x1024xf32, #tpu.memory_space<vmem>>
        %dma_wait3A_820 = tpu.memref_squeeze %dma_wait3A_819 : memref<1x1x1024xf32, #tpu.memory_space<vmem>> -> memref<1024xf32, #tpu.memory_space<vmem>>
        %dma_wait3A_821 = tpu.memref_slice %arg8[%add3A_11] : memref<1015808xf32, #tpu.memory_space<hbm>> -> memref<1024xf32, #tpu.memory_space<hbm>>
        %dma_wait3A_822 = arith.constant 0 : i32
        %dma_wait3A_823 = tpu.memref_slice %arg15[%run_scoped3A_21, %run_scoped3A_22, %dma_wait3A_822] : memref<1x4x1024xf32, #tpu.memory_space<vmem>> -> memref<1x1x1024xf32, #tpu.memory_space<vmem>>
        %dma_wait3A_824 = tpu.memref_squeeze %dma_wait3A_823 : memref<1x1x1024xf32, #tpu.memory_space<vmem>> -> memref<1024xf32, #tpu.memory_space<vmem>>
        %dma_wait3A_825 = tpu.memref_slice %arg8[%add3A_11] : memref<1015808xf32, #tpu.memory_space<hbm>> -> memref<1024xf32, #tpu.memory_space<hbm>>
        tpu.wait_dma2 semaphore(%run_scoped3A_809 : memref<!tpu.dma_semaphore, #tpu.memory_space<semaphore_mem>>) src(%dma_wait3A_825 : memref<1024xf32, #tpu.memory_space<hbm>>) dst(%dma_wait3A_824 : memref<1024xf32, #tpu.memory_space<vmem>>)
        tpu.yield
      }) : () -> ()
      %scan3A_23 = arith.constant 0 : i32
      %scan3A_24 = arith.constant 0 : i32
      %scan3A_25 = arith.constant 64 : i32
      %scan3A_26 = arith.addi %scan3A_24, %scan3A_25 : i32
      %scan3A_27 = arith.constant 1 : i32
      scf.for %scan3A_809 = %scan3A_24 to %scan3A_26 step %scan3A_27  : i32 {
        %mul3A_810 = arith.constant 16 : i32
        %mul3A_811 = arith.muli %scan3A_809, %mul3A_810 : i32
        %get3A = arith.constant 0 : i32
        %get3A_812 = arith.constant 0 : i32
        %get3A_813 = arith.index_cast %get3A : i32 to index
        %get3A_814 = arith.index_cast %get3A_812 : i32 to index
        %get3A_815 = arith.index_cast %mul3A_811 : i32 to index
        %get3A_816 = tpu.vector_load %arg13[%get3A_813, %get3A_814, %get3A_815] {strides = array<i32>} : memref<1x2x1024xi32, #tpu.memory_space<vmem>>, vector<16xi32>,
        %shift_right_arithmetic3A = arith.constant 1 : i32
        %shift_right_arithmetic3A_817 = vector.broadcast %shift_right_arithmetic3A : i32 to vector<16xi32>
        %shift_right_arithmetic3A_818 = arith.shrsi %get3A_816, %shift_right_arithmetic3A_817 : vector<16xi32>
        %max3A = arith.constant 0 : i32
        %max3A_819 = vector.broadcast %max3A : i32 to vector<16xi32>
        %max3A_820 = arith.maxsi %shift_right_arithmetic3A_818, %max3A_819 : vector<16xi32>
        %add3A_821 = arith.constant 1 : i32
        %add3A_822 = vector.broadcast %add3A_821 : i32 to vector<16xi32>
        %add3A_823 = arith.addi %get3A_816, %add3A_822 : vector<16xi32>
        %shift_right_arithmetic3A_824 = arith.constant 1 : i32
        %shift_right_arithmetic3A_825 = vector.broadcast %shift_right_arithmetic3A_824 : i32 to vector<16xi32>
        %shift_right_arithmetic3A_826 = arith.shrsi %add3A_823, %shift_right_arithmetic3A_825 : vector<16xi32>
        %swap3A = arith.constant 0 : i32
        %swap3A_827 = arith.index_cast %swap3A : i32 to index
        %swap3A_828 = arith.index_cast %mul3A_811 : i32 to index
        %swap3A_829 = tpu.vector_load %arg14[%swap3A_827, %swap3A_828] {strides = array<i32>} : memref<4x1024xi32, #tpu.memory_space<vmem>>, vector<16xi32>,
        tpu.vector_store %arg14[%swap3A_827, %swap3A_828], %max3A_820 {strides = array<i32>} : memref<4x1024xi32, #tpu.memory_space<vmem>>, vector<16xi32>,
        %swap3A_830 = arith.constant 1 : i32
        %swap3A_831 = arith.index_cast %swap3A_830 : i32 to index
        %swap3A_832 = arith.index_cast %mul3A_811 : i32 to index
        %swap3A_833 = tpu.vector_load %arg14[%swap3A_831, %swap3A_832] {strides = array<i32>} : memref<4x1024xi32, #tpu.memory_space<vmem>>, vector<16xi32>,
        tpu.vector_store %arg14[%swap3A_831, %swap3A_832], %shift_right_arithmetic3A_826 {strides = array<i32>} : memref<4x1024xi32, #tpu.memory_space<vmem>>, vector<16xi32>,
        %get3A_834 = arith.constant 0 : i32
        %get3A_835 = arith.constant 1 : i32
        %get3A_836 = arith.index_cast %get3A_834 : i32 to index
        %get3A_837 = arith.index_cast %get3A_835 : i32 to index
        %get3A_838 = arith.index_cast %mul3A_811 : i32 to index
        %get3A_839 = tpu.vector_load %arg13[%get3A_836, %get3A_837, %get3A_838] {strides = array<i32>} : memref<1x2x1024xi32, #tpu.memory_space<vmem>>, vector<16xi32>,
        %shift_right_arithmetic3A_840 = arith.constant 1 : i32
        %shift_right_arithmetic3A_841 = vector.broadcast %shift_right_arithmetic3A_840 : i32 to vector<16xi32>
        %shift_right_arithmetic3A_842 = arith.shrsi %get3A_839, %shift_right_arithmetic3A_841 : vector<16xi32>
        %max3A_843 = arith.constant 0 : i32
        %max3A_844 = vector.broadcast %max3A_843 : i32 to vector<16xi32>
        %max3A_845 = arith.maxsi %shift_right_arithmetic3A_842, %max3A_844 : vector<16xi32>
        %add3A_846 = arith.constant 1 : i32
        %add3A_847 = vector.broadcast %add3A_846 : i32 to vector<16xi32>
        %add3A_848 = arith.addi %get3A_839, %add3A_847 : vector<16xi32>
        %shift_right_arithmetic3A_849 = arith.constant 1 : i32
        %shift_right_arithmetic3A_850 = vector.broadcast %shift_right_arithmetic3A_849 : i32 to vector<16xi32>
        %shift_right_arithmetic3A_851 = arith.shrsi %add3A_848, %shift_right_arithmetic3A_850 : vector<16xi32>
        %swap3A_852 = arith.constant 2 : i32
        %swap3A_853 = arith.index_cast %swap3A_852 : i32 to index
        %swap3A_854 = arith.index_cast %mul3A_811 : i32 to index
        %swap3A_855 = tpu.vector_load %arg14[%swap3A_853, %swap3A_854] {strides = array<i32>} : memref<4x1024xi32, #tpu.memory_space<vmem>>, vector<16xi32>,
        tpu.vector_store %arg14[%swap3A_853, %swap3A_854], %max3A_845 {strides = array<i32>} : memref<4x1024xi32, #tpu.memory_space<vmem>>, vector<16xi32>,
        %swap3A_856 = arith.constant 3 : i32
        %swap3A_857 = arith.index_cast %swap3A_856 : i32 to index
        %swap3A_858 = arith.index_cast %mul3A_811 : i32 to index
        %swap3A_859 = tpu.vector_load %arg14[%swap3A_857, %swap3A_858] {strides = array<i32>} : memref<4x1024xi32, #tpu.memory_space<vmem>>, vector<16xi32>,
        tpu.vector_store %arg14[%swap3A_857, %swap3A_858], %shift_right_arithmetic3A_851 {strides = array<i32>} : memref<4x1024xi32, #tpu.memory_space<vmem>>, vector<16xi32>,
      }
      %scan3A_28 = arith.constant 64 : i32
      %dma_start3A = arith.constant 0 : i32
      %dma_start3A_29 = arith.constant 0 : i32
      %dma_start3A_30 = arith.constant 0 : i32
      %dma_start3A_31 = arith.constant 0 : i32
      %dma_start3A_32 = tpu.memref_slice %arg16[%dma_start3A_29, %dma_start3A_30, %dma_start3A_31] : memref<4x1024x8xf32, #tpu.memory_space<vmem>> -> memref<1x128x8xf32, #tpu.memory_space<vmem>>
      %dma_start3A_33 = tpu.memref_squeeze %dma_start3A_32 : memref<1x128x8xf32, #tpu.memory_space<vmem>> -> memref<128x8xf32, #tpu.memory_space<vmem>>
      %dma_start3A_34 = arith.constant 0 : i32
      %dma_start3A_35 = tpu.memref_slice %arg14[%dma_start3A, %dma_start3A_34] : memref<4x1024xi32, #tpu.memory_space<vmem>> -> memref<1x128xi32, #tpu.memory_space<vmem>>
      %dma_start3A_36 = tpu.memref_squeeze %dma_start3A_35 : memref<1x128xi32, #tpu.memory_space<vmem>> -> memref<128xi32, #tpu.memory_space<vmem>>
      %dma_start3A_37 = arith.constant 0 : i32
      %dma_start3A_38 = arith.constant 0 : i32
      %dma_start3A_39 = tpu.memref_slice %arg2[%dma_start3A_37, %dma_start3A_38] : memref<1048584x8xf32, #tpu.memory_space<hbm>> -> memref<1048584x8xf32, #tpu.memory_space<hbm>>
      tpu.enqueue_indirect_dma source(%dma_start3A_39 : memref<1048584x8xf32, #tpu.memory_space<hbm>>) target(%dma_start3A_33 : memref<128x8xf32, #tpu.memory_space<vmem>>) offsets(%dma_start3A_36 : memref<128xi32, #tpu.memory_space<vmem>>) semaphore(%arg19 : memref<!tpu.dma_semaphore, #tpu.memory_space<semaphore_mem>>)
      %dma_start3A_40 = arith.constant 0 : i32
      %dma_start3A_41 = arith.constant 0 : i32
      %dma_start3A_42 = arith.constant 128 : i32
      %dma_start3A_43 = arith.constant 0 : i32
      %dma_start3A_44 = tpu.memref_slice %arg16[%dma_start3A_41, %dma_start3A_42, %dma_start3A_43] : memref<4x1024x8xf32, #tpu.memory_space<vmem>> -> memref<1x128x8xf32, #tpu.memory_space<vmem>>
      %dma_start3A_45 = tpu.memref_squeeze %dma_start3A_44 : memref<1x128x8xf32, #tpu.memory_space<vmem>> -> memref<128x8xf32, #tpu.memory_space<vmem>>
      %dma_start3A_46 = arith.constant 128 : i32
      %dma_start3A_47 = tpu.memref_slice %arg14[%dma_start3A_40, %dma_start3A_46] : memref<4x1024xi32, #tpu.memory_space<vmem>> -> memref<1x128xi32, #tpu.memory_space<vmem>>
      %dma_start3A_48 = tpu.memref_squeeze %dma_start3A_47 : memref<1x128xi32, #tpu.memory_space<vmem>> -> memref<128xi32, #tpu.memory_space<vmem>>
      %dma_start3A_49 = arith.constant 0 : i32
      %dma_start3A_50 = arith.constant 0 : i32
      %dma_start3A_51 = tpu.memref_slice %arg2[%dma_start3A_49, %dma_start3A_50] : memref<1048584x8xf32, #tpu.memory_space<hbm>> -> memref<1048584x8xf32, #tpu.memory_space<hbm>>
      tpu.enqueue_indirect_dma source(%dma_start3A_51 : memref<1048584x8xf32, #tpu.memory_space<hbm>>) target(%dma_start3A_45 : memref<128x8xf32, #tpu.memory_space<vmem>>) offsets(%dma_start3A_48 : memref<128xi32, #tpu.memory_space<vmem>>) semaphore(%arg19 : memref<!tpu.dma_semaphore, #tpu.memory_space<semaphore_mem>>)
      %dma_start3A_52 = arith.constant 0 : i32
      %dma_start3A_53 = arith.constant 0 : i32
      %dma_start3A_54 = arith.constant 256 : i32
      %dma_start3A_55 = arith.constant 0 : i32
      %dma_start3A_56 = tpu.memref_slice %arg16[%dma_start3A_53, %dma_start3A_54, %dma_start3A_55] : memref<4x1024x8xf32, #tpu.memory_space<vmem>> -> memref<1x128x8xf32, #tpu.memory_space<vmem>>
      %dma_start3A_57 = tpu.memref_squeeze %dma_start3A_56 : memref<1x128x8xf32, #tpu.memory_space<vmem>> -> memref<128x8xf32, #tpu.memory_space<vmem>>
      %dma_start3A_58 = arith.constant 256 : i32
      %dma_start3A_59 = tpu.memref_slice %arg14[%dma_start3A_52, %dma_start3A_58] : memref<4x1024xi32, #tpu.memory_space<vmem>> -> memref<1x128xi32, #tpu.memory_space<vmem>>
      %dma_start3A_60 = tpu.memref_squeeze %dma_start3A_59 : memref<1x128xi32, #tpu.memory_space<vmem>> -> memref<128xi32, #tpu.memory_space<vmem>>
      %dma_start3A_61 = arith.constant 0 : i32
      %dma_start3A_62 = arith.constant 0 : i32
      %dma_start3A_63 = tpu.memref_slice %arg2[%dma_start3A_61, %dma_start3A_62] : memref<1048584x8xf32, #tpu.memory_space<hbm>> -> memref<1048584x8xf32, #tpu.memory_space<hbm>>
      tpu.enqueue_indirect_dma source(%dma_start3A_63 : memref<1048584x8xf32, #tpu.memory_space<hbm>>) target(%dma_start3A_57 : memref<128x8xf32, #tpu.memory_space<vmem>>) offsets(%dma_start3A_60 : memref<128xi32, #tpu.memory_space<vmem>>) semaphore(%arg19 : memref<!tpu.dma_semaphore, #tpu.memory_space<semaphore_mem>>)
      %dma_start3A_64 = arith.constant 0 : i32
      %dma_start3A_65 = arith.constant 0 : i32
      %dma_start3A_66 = arith.constant 384 : i32
      %dma_start3A_67 = arith.constant 0 : i32
      %dma_start3A_68 = tpu.memref_slice %arg16[%dma_start3A_65, %dma_start3A_66, %dma_start3A_67] : memref<4x1024x8xf32, #tpu.memory_space<vmem>> -> memref<1x128x8xf32, #tpu.memory_space<vmem>>
      %dma_start3A_69 = tpu.memref_squeeze %dma_start3A_68 : memref<1x128x8xf32, #tpu.memory_space<vmem>> -> memref<128x8xf32, #tpu.memory_space<vmem>>
      %dma_start3A_70 = arith.constant 384 : i32
      %dma_start3A_71 = tpu.memref_slice %arg14[%dma_start3A_64, %dma_start3A_70] : memref<4x1024xi32, #tpu.memory_space<vmem>> -> memref<1x128xi32, #tpu.memory_space<vmem>>
      %dma_start3A_72 = tpu.memref_squeeze %dma_start3A_71 : memref<1x128xi32, #tpu.memory_space<vmem>> -> memref<128xi32, #tpu.memory_space<vmem>>
      %dma_start3A_73 = arith.constant 0 : i32
      %dma_start3A_74 = arith.constant 0 : i32
      %dma_start3A_75 = tpu.memref_slice %arg2[%dma_start3A_73, %dma_start3A_74] : memref<1048584x8xf32, #tpu.memory_space<hbm>> -> memref<1048584x8xf32, #tpu.memory_space<hbm>>
      tpu.enqueue_indirect_dma source(%dma_start3A_75 : memref<1048584x8xf32, #tpu.memory_space<hbm>>) target(%dma_start3A_69 : memref<128x8xf32, #tpu.memory_space<vmem>>) offsets(%dma_start3A_72 : memref<128xi32, #tpu.memory_space<vmem>>) semaphore(%arg19 : memref<!tpu.dma_semaphore, #tpu.memory_space<semaphore_mem>>)
      %dma_start3A_76 = arith.constant 0 : i32
      %dma_start3A_77 = arith.constant 0 : i32
      %dma_start3A_78 = arith.constant 512 : i32
      %dma_start3A_79 = arith.constant 0 : i32
      %dma_start3A_80 = tpu.memref_slice %arg16[%dma_start3A_77, %dma_start3A_78, %dma_start3A_79] : memref<4x1024x8xf32, #tpu.memory_space<vmem>> -> memref<1x128x8xf32, #tpu.memory_space<vmem>>
      %dma_start3A_81 = tpu.memref_squeeze %dma_start3A_80 : memref<1x128x8xf32, #tpu.memory_space<vmem>> -> memref<128x8xf32, #tpu.memory_space<vmem>>
      %dma_start3A_82 = arith.constant 512 : i32
      %dma_start3A_83 = tpu.memref_slice %arg14[%dma_start3A_76, %dma_start3A_82] : memref<4x1024xi32, #tpu.memory_space<vmem>> -> memref<1x128xi32, #tpu.memory_space<vmem>>
      %dma_start3A_84 = tpu.memref_squeeze %dma_start3A_83 : memref<1x128xi32, #tpu.memory_space<vmem>> -> memref<128xi32, #tpu.memory_space<vmem>>
      %dma_start3A_85 = arith.constant 0 : i32
      %dma_start3A_86 = arith.constant 0 : i32
      %dma_start3A_87 = tpu.memref_slice %arg2[%dma_start3A_85, %dma_start3A_86] : memref<1048584x8xf32, #tpu.memory_space<hbm>> -> memref<1048584x8xf32, #tpu.memory_space<hbm>>
      tpu.enqueue_indirect_dma source(%dma_start3A_87 : memref<1048584x8xf32, #tpu.memory_space<hbm>>) target(%dma_start3A_81 : memref<128x8xf32, #tpu.memory_space<vmem>>) offsets(%dma_start3A_84 : memref<128xi32, #tpu.memory_space<vmem>>) semaphore(%arg19 : memref<!tpu.dma_semaphore, #tpu.memory_space<semaphore_mem>>)
      %dma_start3A_88 = arith.constant 0 : i32
      %dma_start3A_89 = arith.constant 0 : i32
      %dma_start3A_90 = arith.constant 640 : i32
      %dma_start3A_91 = arith.constant 0 : i32
      %dma_start3A_92 = tpu.memref_slice %arg16[%dma_start3A_89, %dma_start3A_90, %dma_start3A_91] : memref<4x1024x8xf32, #tpu.memory_space<vmem>> -> memref<1x128x8xf32, #tpu.memory_space<vmem>>
      %dma_start3A_93 = tpu.memref_squeeze %dma_start3A_92 : memref<1x128x8xf32, #tpu.memory_space<vmem>> -> memref<128x8xf32, #tpu.memory_space<vmem>>
      %dma_start3A_94 = arith.constant 640 : i32
      %dma_start3A_95 = tpu.memref_slice %arg14[%dma_start3A_88, %dma_start3A_94] : memref<4x1024xi32, #tpu.memory_space<vmem>> -> memref<1x128xi32, #tpu.memory_space<vmem>>
      %dma_start3A_96 = tpu.memref_squeeze %dma_start3A_95 : memref<1x128xi32, #tpu.memory_space<vmem>> -> memref<128xi32, #tpu.memory_space<vmem>>
      %dma_start3A_97 = arith.constant 0 : i32
      %dma_start3A_98 = arith.constant 0 : i32
      %dma_start3A_99 = tpu.memref_slice %arg2[%dma_start3A_97, %dma_start3A_98] : memref<1048584x8xf32, #tpu.memory_space<hbm>> -> memref<1048584x8xf32, #tpu.memory_space<hbm>>
      tpu.enqueue_indirect_dma source(%dma_start3A_99 : memref<1048584x8xf32, #tpu.memory_space<hbm>>) target(%dma_start3A_93 : memref<128x8xf32, #tpu.memory_space<vmem>>) offsets(%dma_start3A_96 : memref<128xi32, #tpu.memory_space<vmem>>) semaphore(%arg19 : memref<!tpu.dma_semaphore, #tpu.memory_space<semaphore_mem>>)
      %dma_start3A_100 = arith.constant 0 : i32
      %dma_start3A_101 = arith.constant 0 : i32
      %dma_start3A_102 = arith.constant 768 : i32
      %dma_start3A_103 = arith.constant 0 : i32
      %dma_start3A_104 = tpu.memref_slice %arg16[%dma_start3A_101, %dma_start3A_102, %dma_start3A_103] : memref<4x1024x8xf32, #tpu.memory_space<vmem>> -> memref<1x128x8xf32, #tpu.memory_space<vmem>>
      %dma_start3A_105 = tpu.memref_squeeze %dma_start3A_104 : memref<1x128x8xf32, #tpu.memory_space<vmem>> -> memref<128x8xf32, #tpu.memory_space<vmem>>
      %dma_start3A_106 = arith.constant 768 : i32
      %dma_start3A_107 = tpu.memref_slice %arg14[%dma_start3A_100, %dma_start3A_106] : memref<4x1024xi32, #tpu.memory_space<vmem>> -> memref<1x128xi32, #tpu.memory_space<vmem>>
      %dma_start3A_108 = tpu.memref_squeeze %dma_start3A_107 : memref<1x128xi32, #tpu.memory_space<vmem>> -> memref<128xi32, #tpu.memory_space<vmem>>
      %dma_start3A_109 = arith.constant 0 : i32
      %dma_start3A_110 = arith.constant 0 : i32
      %dma_start3A_111 = tpu.memref_slice %arg2[%dma_start3A_109, %dma_start3A_110] : memref<1048584x8xf32, #tpu.memory_space<hbm>> -> memref<1048584x8xf32, #tpu.memory_space<hbm>>
      tpu.enqueue_indirect_dma source(%dma_start3A_111 : memref<1048584x8xf32, #tpu.memory_space<hbm>>) target(%dma_start3A_105 : memref<128x8xf32, #tpu.memory_space<vmem>>) offsets(%dma_start3A_108 : memref<128xi32, #tpu.memory_space<vmem>>) semaphore(%arg19 : memref<!tpu.dma_semaphore, #tpu.memory_space<semaphore_mem>>)
      %dma_start3A_112 = arith.constant 0 : i32
      %dma_start3A_113 = arith.constant 0 : i32
      %dma_start3A_114 = arith.constant 896 : i32
      %dma_start3A_115 = arith.constant 0 : i32
      %dma_start3A_116 = tpu.memref_slice %arg16[%dma_start3A_113, %dma_start3A_114, %dma_start3A_115] : memref<4x1024x8xf32, #tpu.memory_space<vmem>> -> memref<1x128x8xf32, #tpu.memory_space<vmem>>
      %dma_start3A_117 = tpu.memref_squeeze %dma_start3A_116 : memref<1x128x8xf32, #tpu.memory_space<vmem>> -> memref<128x8xf32, #tpu.memory_space<vmem>>
      %dma_start3A_118 = arith.constant 896 : i32
      %dma_start3A_119 = tpu.memref_slice %arg14[%dma_start3A_112, %dma_start3A_118] : memref<4x1024xi32, #tpu.memory_space<vmem>> -> memref<1x128xi32, #tpu.memory_space<vmem>>
      %dma_start3A_120 = tpu.memref_squeeze %dma_start3A_119 : memref<1x128xi32, #tpu.memory_space<vmem>> -> memref<128xi32, #tpu.memory_space<vmem>>
      %dma_start3A_121 = arith.constant 0 : i32
      %dma_start3A_122 = arith.constant 0 : i32
      %dma_start3A_123 = tpu.memref_slice %arg2[%dma_start3A_121, %dma_start3A_122] : memref<1048584x8xf32, #tpu.memory_space<hbm>> -> memref<1048584x8xf32, #tpu.memory_space<hbm>>
      tpu.enqueue_indirect_dma source(%dma_start3A_123 : memref<1048584x8xf32, #tpu.memory_space<hbm>>) target(%dma_start3A_117 : memref<128x8xf32, #tpu.memory_space<vmem>>) offsets(%dma_start3A_120 : memref<128xi32, #tpu.memory_space<vmem>>) semaphore(%arg19 : memref<!tpu.dma_semaphore, #tpu.memory_space<semaphore_mem>>)
      %dma_start3A_124 = arith.constant 1 : i32
      %dma_start3A_125 = arith.constant 1 : i32
      %dma_start3A_126 = arith.constant 0 : i32
      %dma_start3A_127 = arith.constant 0 : i32
      %dma_start3A_128 = tpu.memref_slice %arg16[%dma_start3A_125, %dma_start3A_126, %dma_start3A_127] : memref<4x1024x8xf32, #tpu.memory_space<vmem>> -> memref<1x128x8xf32, #tpu.memory_space<vmem>>
      %dma_start3A_129 = tpu.memref_squeeze %dma_start3A_128 : memref<1x128x8xf32, #tpu.memory_space<vmem>> -> memref<128x8xf32, #tpu.memory_space<vmem>>
      %dma_start3A_130 = arith.constant 0 : i32
      %dma_start3A_131 = tpu.memref_slice %arg14[%dma_start3A_124, %dma_start3A_130] : memref<4x1024xi32, #tpu.memory_space<vmem>> -> memref<1x128xi32, #tpu.memory_space<vmem>>
      %dma_start3A_132 = tpu.memref_squeeze %dma_start3A_131 : memref<1x128xi32, #tpu.memory_space<vmem>> -> memref<128xi32, #tpu.memory_space<vmem>>
      %dma_start3A_133 = arith.constant 0 : i32
      %dma_start3A_134 = arith.constant 0 : i32
      %dma_start3A_135 = tpu.memref_slice %arg2[%dma_start3A_133, %dma_start3A_134] : memref<1048584x8xf32, #tpu.memory_space<hbm>> -> memref<1048584x8xf32, #tpu.memory_space<hbm>>
      tpu.enqueue_indirect_dma source(%dma_start3A_135 : memref<1048584x8xf32, #tpu.memory_space<hbm>>) target(%dma_start3A_129 : memref<128x8xf32, #tpu.memory_space<vmem>>) offsets(%dma_start3A_132 : memref<128xi32, #tpu.memory_space<vmem>>) semaphore(%arg19 : memref<!tpu.dma_semaphore, #tpu.memory_space<semaphore_mem>>)
      %dma_start3A_136 = arith.constant 1 : i32
      %dma_start3A_137 = arith.constant 1 : i32
      %dma_start3A_138 = arith.constant 128 : i32
      %dma_start3A_139 = arith.constant 0 : i32
      %dma_start3A_140 = tpu.memref_slice %arg16[%dma_start3A_137, %dma_start3A_138, %dma_start3A_139] : memref<4x1024x8xf32, #tpu.memory_space<vmem>> -> memref<1x128x8xf32, #tpu.memory_space<vmem>>
      %dma_start3A_141 = tpu.memref_squeeze %dma_start3A_140 : memref<1x128x8xf32, #tpu.memory_space<vmem>> -> memref<128x8xf32, #tpu.memory_space<vmem>>
      %dma_start3A_142 = arith.constant 128 : i32
      %dma_start3A_143 = tpu.memref_slice %arg14[%dma_start3A_136, %dma_start3A_142] : memref<4x1024xi32, #tpu.memory_space<vmem>> -> memref<1x128xi32, #tpu.memory_space<vmem>>
      %dma_start3A_144 = tpu.memref_squeeze %dma_start3A_143 : memref<1x128xi32, #tpu.memory_space<vmem>> -> memref<128xi32, #tpu.memory_space<vmem>>
      %dma_start3A_145 = arith.constant 0 : i32
      %dma_start3A_146 = arith.constant 0 : i32
      %dma_start3A_147 = tpu.memref_slice %arg2[%dma_start3A_145, %dma_start3A_146] : memref<1048584x8xf32, #tpu.memory_space<hbm>> -> memref<1048584x8xf32, #tpu.memory_space<hbm>>
      tpu.enqueue_indirect_dma source(%dma_start3A_147 : memref<1048584x8xf32, #tpu.memory_space<hbm>>) target(%dma_start3A_141 : memref<128x8xf32, #tpu.memory_space<vmem>>) offsets(%dma_start3A_144 : memref<128xi32, #tpu.memory_space<vmem>>) semaphore(%arg19 : memref<!tpu.dma_semaphore, #tpu.memory_space<semaphore_mem>>)
      %dma_start3A_148 = arith.constant 1 : i32
      %dma_start3A_149 = arith.constant 1 : i32
      %dma_start3A_150 = arith.constant 256 : i32
      %dma_start3A_151 = arith.constant 0 : i32
      %dma_start3A_152 = tpu.memref_slice %arg16[%dma_start3A_149, %dma_start3A_150, %dma_start3A_151] : memref<4x1024x8xf32, #tpu.memory_space<vmem>> -> memref<1x128x8xf32, #tpu.memory_space<vmem>>
      %dma_start3A_153 = tpu.memref_squeeze %dma_start3A_152 : memref<1x128x8xf32, #tpu.memory_space<vmem>> -> memref<128x8xf32, #tpu.memory_space<vmem>>
      %dma_start3A_154 = arith.constant 256 : i32
      %dma_start3A_155 = tpu.memref_slice %arg14[%dma_start3A_148, %dma_start3A_154] : memref<4x1024xi32, #tpu.memory_space<vmem>> -> memref<1x128xi32, #tpu.memory_space<vmem>>
      %dma_start3A_156 = tpu.memref_squeeze %dma_start3A_155 : memref<1x128xi32, #tpu.memory_space<vmem>> -> memref<128xi32, #tpu.memory_space<vmem>>
      %dma_start3A_157 = arith.constant 0 : i32
      %dma_start3A_158 = arith.constant 0 : i32
      %dma_start3A_159 = tpu.memref_slice %arg2[%dma_start3A_157, %dma_start3A_158] : memref<1048584x8xf32, #tpu.memory_space<hbm>> -> memref<1048584x8xf32, #tpu.memory_space<hbm>>
      tpu.enqueue_indirect_dma source(%dma_start3A_159 : memref<1048584x8xf32, #tpu.memory_space<hbm>>) target(%dma_start3A_153 : memref<128x8xf32, #tpu.memory_space<vmem>>) offsets(%dma_start3A_156 : memref<128xi32, #tpu.memory_space<vmem>>) semaphore(%arg19 : memref<!tpu.dma_semaphore, #tpu.memory_space<semaphore_mem>>)
      %dma_start3A_160 = arith.constant 1 : i32
      %dma_start3A_161 = arith.constant 1 : i32
      %dma_start3A_162 = arith.constant 384 : i32
      %dma_start3A_163 = arith.constant 0 : i32
      %dma_start3A_164 = tpu.memref_slice %arg16[%dma_start3A_161, %dma_start3A_162, %dma_start3A_163] : memref<4x1024x8xf32, #tpu.memory_space<vmem>> -> memref<1x128x8xf32, #tpu.memory_space<vmem>>
      %dma_start3A_165 = tpu.memref_squeeze %dma_start3A_164 : memref<1x128x8xf32, #tpu.memory_space<vmem>> -> memref<128x8xf32, #tpu.memory_space<vmem>>
      %dma_start3A_166 = arith.constant 384 : i32
      %dma_start3A_167 = tpu.memref_slice %arg14[%dma_start3A_160, %dma_start3A_166] : memref<4x1024xi32, #tpu.memory_space<vmem>> -> memref<1x128xi32, #tpu.memory_space<vmem>>
      %dma_start3A_168 = tpu.memref_squeeze %dma_start3A_167 : memref<1x128xi32, #tpu.memory_space<vmem>> -> memref<128xi32, #tpu.memory_space<vmem>>
      %dma_start3A_169 = arith.constant 0 : i32
      %dma_start3A_170 = arith.constant 0 : i32
      %dma_start3A_171 = tpu.memref_slice %arg2[%dma_start3A_169, %dma_start3A_170] : memref<1048584x8xf32, #tpu.memory_space<hbm>> -> memref<1048584x8xf32, #tpu.memory_space<hbm>>
      tpu.enqueue_indirect_dma source(%dma_start3A_171 : memref<1048584x8xf32, #tpu.memory_space<hbm>>) target(%dma_start3A_165 : memref<128x8xf32, #tpu.memory_space<vmem>>) offsets(%dma_start3A_168 : memref<128xi32, #tpu.memory_space<vmem>>) semaphore(%arg19 : memref<!tpu.dma_semaphore, #tpu.memory_space<semaphore_mem>>)
      %dma_start3A_172 = arith.constant 1 : i32
      %dma_start3A_173 = arith.constant 1 : i32
      %dma_start3A_174 = arith.constant 512 : i32
      %dma_start3A_175 = arith.constant 0 : i32
      %dma_start3A_176 = tpu.memref_slice %arg16[%dma_start3A_173, %dma_start3A_174, %dma_start3A_175] : memref<4x1024x8xf32, #tpu.memory_space<vmem>> -> memref<1x128x8xf32, #tpu.memory_space<vmem>>
      %dma_start3A_177 = tpu.memref_squeeze %dma_start3A_176 : memref<1x128x8xf32, #tpu.memory_space<vmem>> -> memref<128x8xf32, #tpu.memory_space<vmem>>
      %dma_start3A_178 = arith.constant 512 : i32
      %dma_start3A_179 = tpu.memref_slice %arg14[%dma_start3A_172, %dma_start3A_178] : memref<4x1024xi32, #tpu.memory_space<vmem>> -> memref<1x128xi32, #tpu.memory_space<vmem>>
      %dma_start3A_180 = tpu.memref_squeeze %dma_start3A_179 : memref<1x128xi32, #tpu.memory_space<vmem>> -> memref<128xi32, #tpu.memory_space<vmem>>
      %dma_start3A_181 = arith.constant 0 : i32
      %dma_start3A_182 = arith.constant 0 : i32
      %dma_start3A_183 = tpu.memref_slice %arg2[%dma_start3A_181, %dma_start3A_182] : memref<1048584x8xf32, #tpu.memory_space<hbm>> -> memref<1048584x8xf32, #tpu.memory_space<hbm>>
      tpu.enqueue_indirect_dma source(%dma_start3A_183 : memref<1048584x8xf32, #tpu.memory_space<hbm>>) target(%dma_start3A_177 : memref<128x8xf32, #tpu.memory_space<vmem>>) offsets(%dma_start3A_180 : memref<128xi32, #tpu.memory_space<vmem>>) semaphore(%arg19 : memref<!tpu.dma_semaphore, #tpu.memory_space<semaphore_mem>>)
      %dma_start3A_184 = arith.constant 1 : i32
      %dma_start3A_185 = arith.constant 1 : i32
      %dma_start3A_186 = arith.constant 640 : i32
      %dma_start3A_187 = arith.constant 0 : i32
      %dma_start3A_188 = tpu.memref_slice %arg16[%dma_start3A_185, %dma_start3A_186, %dma_start3A_187] : memref<4x1024x8xf32, #tpu.memory_space<vmem>> -> memref<1x128x8xf32, #tpu.memory_space<vmem>>
      %dma_start3A_189 = tpu.memref_squeeze %dma_start3A_188 : memref<1x128x8xf32, #tpu.memory_space<vmem>> -> memref<128x8xf32, #tpu.memory_space<vmem>>
      %dma_start3A_190 = arith.constant 640 : i32
      %dma_start3A_191 = tpu.memref_slice %arg14[%dma_start3A_184, %dma_start3A_190] : memref<4x1024xi32, #tpu.memory_space<vmem>> -> memref<1x128xi32, #tpu.memory_space<vmem>>
      %dma_start3A_192 = tpu.memref_squeeze %dma_start3A_191 : memref<1x128xi32, #tpu.memory_space<vmem>> -> memref<128xi32, #tpu.memory_space<vmem>>
      %dma_start3A_193 = arith.constant 0 : i32
      %dma_start3A_194 = arith.constant 0 : i32
      %dma_start3A_195 = tpu.memref_slice %arg2[%dma_start3A_193, %dma_start3A_194] : memref<1048584x8xf32, #tpu.memory_space<hbm>> -> memref<1048584x8xf32, #tpu.memory_space<hbm>>
      tpu.enqueue_indirect_dma source(%dma_start3A_195 : memref<1048584x8xf32, #tpu.memory_space<hbm>>) target(%dma_start3A_189 : memref<128x8xf32, #tpu.memory_space<vmem>>) offsets(%dma_start3A_192 : memref<128xi32, #tpu.memory_space<vmem>>) semaphore(%arg19 : memref<!tpu.dma_semaphore, #tpu.memory_space<semaphore_mem>>)
      %dma_start3A_196 = arith.constant 1 : i32
      %dma_start3A_197 = arith.constant 1 : i32
      %dma_start3A_198 = arith.constant 768 : i32
      %dma_start3A_199 = arith.constant 0 : i32
      %dma_start3A_200 = tpu.memref_slice %arg16[%dma_start3A_197, %dma_start3A_198, %dma_start3A_199] : memref<4x1024x8xf32, #tpu.memory_space<vmem>> -> memref<1x128x8xf32, #tpu.memory_space<vmem>>
      %dma_start3A_201 = tpu.memref_squeeze %dma_start3A_200 : memref<1x128x8xf32, #tpu.memory_space<vmem>> -> memref<128x8xf32, #tpu.memory_space<vmem>>
      %dma_start3A_202 = arith.constant 768 : i32
      %dma_start3A_203 = tpu.memref_slice %arg14[%dma_start3A_196, %dma_start3A_202] : memref<4x1024xi32, #tpu.memory_space<vmem>> -> memref<1x128xi32, #tpu.memory_space<vmem>>
      %dma_start3A_204 = tpu.memref_squeeze %dma_start3A_203 : memref<1x128xi32, #tpu.memory_space<vmem>> -> memref<128xi32, #tpu.memory_space<vmem>>
      %dma_start3A_205 = arith.constant 0 : i32
      %dma_start3A_206 = arith.constant 0 : i32
      %dma_start3A_207 = tpu.memref_slice %arg2[%dma_start3A_205, %dma_start3A_206] : memref<1048584x8xf32, #tpu.memory_space<hbm>> -> memref<1048584x8xf32, #tpu.memory_space<hbm>>
      tpu.enqueue_indirect_dma source(%dma_start3A_207 : memref<1048584x8xf32, #tpu.memory_space<hbm>>) target(%dma_start3A_201 : memref<128x8xf32, #tpu.memory_space<vmem>>) offsets(%dma_start3A_204 : memref<128xi32, #tpu.memory_space<vmem>>) semaphore(%arg19 : memref<!tpu.dma_semaphore, #tpu.memory_space<semaphore_mem>>)
      %dma_start3A_208 = arith.constant 1 : i32
      %dma_start3A_209 = arith.constant 1 : i32
      %dma_start3A_210 = arith.constant 896 : i32
      %dma_start3A_211 = arith.constant 0 : i32
      %dma_start3A_212 = tpu.memref_slice %arg16[%dma_start3A_209, %dma_start3A_210, %dma_start3A_211] : memref<4x1024x8xf32, #tpu.memory_space<vmem>> -> memref<1x128x8xf32, #tpu.memory_space<vmem>>
      %dma_start3A_213 = tpu.memref_squeeze %dma_start3A_212 : memref<1x128x8xf32, #tpu.memory_space<vmem>> -> memref<128x8xf32, #tpu.memory_space<vmem>>
      %dma_start3A_214 = arith.constant 896 : i32
      %dma_start3A_215 = tpu.memref_slice %arg14[%dma_start3A_208, %dma_start3A_214] : memref<4x1024xi32, #tpu.memory_space<vmem>> -> memref<1x128xi32, #tpu.memory_space<vmem>>
      %dma_start3A_216 = tpu.memref_squeeze %dma_start3A_215 : memref<1x128xi32, #tpu.memory_space<vmem>> -> memref<128xi32, #tpu.memory_space<vmem>>
      %dma_start3A_217 = arith.constant 0 : i32
      %dma_start3A_218 = arith.constant 0 : i32
      %dma_start3A_219 = tpu.memref_slice %arg2[%dma_start3A_217, %dma_start3A_218] : memref<1048584x8xf32, #tpu.memory_space<hbm>> -> memref<1048584x8xf32, #tpu.memory_space<hbm>>
      tpu.enqueue_indirect_dma source(%dma_start3A_219 : memref<1048584x8xf32, #tpu.memory_space<hbm>>) target(%dma_start3A_213 : memref<128x8xf32, #tpu.memory_space<vmem>>) offsets(%dma_start3A_216 : memref<128xi32, #tpu.memory_space<vmem>>) semaphore(%arg19 : memref<!tpu.dma_semaphore, #tpu.memory_space<semaphore_mem>>)
      %dma_start3A_220 = arith.constant 2 : i32
      %dma_start3A_221 = arith.constant 2 : i32
      %dma_start3A_222 = arith.constant 0 : i32
      %dma_start3A_223 = arith.constant 0 : i32
      %dma_start3A_224 = tpu.memref_slice %arg16[%dma_start3A_221, %dma_start3A_222, %dma_start3A_223] : memref<4x1024x8xf32, #tpu.memory_space<vmem>> -> memref<1x128x8xf32, #tpu.memory_space<vmem>>
      %dma_start3A_225 = tpu.memref_squeeze %dma_start3A_224 : memref<1x128x8xf32, #tpu.memory_space<vmem>> -> memref<128x8xf32, #tpu.memory_space<vmem>>
      %dma_start3A_226 = arith.constant 0 : i32
      %dma_start3A_227 = tpu.memref_slice %arg14[%dma_start3A_220, %dma_start3A_226] : memref<4x1024xi32, #tpu.memory_space<vmem>> -> memref<1x128xi32, #tpu.memory_space<vmem>>
      %dma_start3A_228 = tpu.memref_squeeze %dma_start3A_227 : memref<1x128xi32, #tpu.memory_space<vmem>> -> memref<128xi32, #tpu.memory_space<vmem>>
      %dma_start3A_229 = arith.constant 0 : i32
      %dma_start3A_230 = arith.constant 0 : i32
      %dma_start3A_231 = tpu.memref_slice %arg2[%dma_start3A_229, %dma_start3A_230] : memref<1048584x8xf32, #tpu.memory_space<hbm>> -> memref<1048584x8xf32, #tpu.memory_space<hbm>>
      tpu.enqueue_indirect_dma source(%dma_start3A_231 : memref<1048584x8xf32, #tpu.memory_space<hbm>>) target(%dma_start3A_225 : memref<128x8xf32, #tpu.memory_space<vmem>>) offsets(%dma_start3A_228 : memref<128xi32, #tpu.memory_space<vmem>>) semaphore(%arg19 : memref<!tpu.dma_semaphore, #tpu.memory_space<semaphore_mem>>)
      %dma_start3A_232 = arith.constant 2 : i32
      %dma_start3A_233 = arith.constant 2 : i32
      %dma_start3A_234 = arith.constant 128 : i32
      %dma_start3A_235 = arith.constant 0 : i32
      %dma_start3A_236 = tpu.memref_slice %arg16[%dma_start3A_233, %dma_start3A_234, %dma_start3A_235] : memref<4x1024x8xf32, #tpu.memory_space<vmem>> -> memref<1x128x8xf32, #tpu.memory_space<vmem>>
      %dma_start3A_237 = tpu.memref_squeeze %dma_start3A_236 : memref<1x128x8xf32, #tpu.memory_space<vmem>> -> memref<128x8xf32, #tpu.memory_space<vmem>>
      %dma_start3A_238 = arith.constant 128 : i32
      %dma_start3A_239 = tpu.memref_slice %arg14[%dma_start3A_232, %dma_start3A_238] : memref<4x1024xi32, #tpu.memory_space<vmem>> -> memref<1x128xi32, #tpu.memory_space<vmem>>
      %dma_start3A_240 = tpu.memref_squeeze %dma_start3A_239 : memref<1x128xi32, #tpu.memory_space<vmem>> -> memref<128xi32, #tpu.memory_space<vmem>>
      %dma_start3A_241 = arith.constant 0 : i32
      %dma_start3A_242 = arith.constant 0 : i32
      %dma_start3A_243 = tpu.memref_slice %arg2[%dma_start3A_241, %dma_start3A_242] : memref<1048584x8xf32, #tpu.memory_space<hbm>> -> memref<1048584x8xf32, #tpu.memory_space<hbm>>
      tpu.enqueue_indirect_dma source(%dma_start3A_243 : memref<1048584x8xf32, #tpu.memory_space<hbm>>) target(%dma_start3A_237 : memref<128x8xf32, #tpu.memory_space<vmem>>) offsets(%dma_start3A_240 : memref<128xi32, #tpu.memory_space<vmem>>) semaphore(%arg19 : memref<!tpu.dma_semaphore, #tpu.memory_space<semaphore_mem>>)
      %dma_start3A_244 = arith.constant 2 : i32
      %dma_start3A_245 = arith.constant 2 : i32
      %dma_start3A_246 = arith.constant 256 : i32
      %dma_start3A_247 = arith.constant 0 : i32
      %dma_start3A_248 = tpu.memref_slice %arg16[%dma_start3A_245, %dma_start3A_246, %dma_start3A_247] : memref<4x1024x8xf32, #tpu.memory_space<vmem>> -> memref<1x128x8xf32, #tpu.memory_space<vmem>>
      %dma_start3A_249 = tpu.memref_squeeze %dma_start3A_248 : memref<1x128x8xf32, #tpu.memory_space<vmem>> -> memref<128x8xf32, #tpu.memory_space<vmem>>
      %dma_start3A_250 = arith.constant 256 : i32
      %dma_start3A_251 = tpu.memref_slice %arg14[%dma_start3A_244, %dma_start3A_250] : memref<4x1024xi32, #tpu.memory_space<vmem>> -> memref<1x128xi32, #tpu.memory_space<vmem>>
      %dma_start3A_252 = tpu.memref_squeeze %dma_start3A_251 : memref<1x128xi32, #tpu.memory_space<vmem>> -> memref<128xi32, #tpu.memory_space<vmem>>
      %dma_start3A_253 = arith.constant 0 : i32
      %dma_start3A_254 = arith.constant 0 : i32
      %dma_start3A_255 = tpu.memref_slice %arg2[%dma_start3A_253, %dma_start3A_254] : memref<1048584x8xf32, #tpu.memory_space<hbm>> -> memref<1048584x8xf32, #tpu.memory_space<hbm>>
      tpu.enqueue_indirect_dma source(%dma_start3A_255 : memref<1048584x8xf32, #tpu.memory_space<hbm>>) target(%dma_start3A_249 : memref<128x8xf32, #tpu.memory_space<vmem>>) offsets(%dma_start3A_252 : memref<128xi32, #tpu.memory_space<vmem>>) semaphore(%arg19 : memref<!tpu.dma_semaphore, #tpu.memory_space<semaphore_mem>>)
      %dma_start3A_256 = arith.constant 2 : i32
      %dma_start3A_257 = arith.constant 2 : i32
      %dma_start3A_258 = arith.constant 384 : i32
      %dma_start3A_259 = arith.constant 0 : i32
      %dma_start3A_260 = tpu.memref_slice %arg16[%dma_start3A_257, %dma_start3A_258, %dma_start3A_259] : memref<4x1024x8xf32, #tpu.memory_space<vmem>> -> memref<1x128x8xf32, #tpu.memory_space<vmem>>
      %dma_start3A_261 = tpu.memref_squeeze %dma_start3A_260 : memref<1x128x8xf32, #tpu.memory_space<vmem>> -> memref<128x8xf32, #tpu.memory_space<vmem>>
      %dma_start3A_262 = arith.constant 384 : i32
      %dma_start3A_263 = tpu.memref_slice %arg14[%dma_start3A_256, %dma_start3A_262] : memref<4x1024xi32, #tpu.memory_space<vmem>> -> memref<1x128xi32, #tpu.memory_space<vmem>>
      %dma_start3A_264 = tpu.memref_squeeze %dma_start3A_263 : memref<1x128xi32, #tpu.memory_space<vmem>> -> memref<128xi32, #tpu.memory_space<vmem>>
      %dma_start3A_265 = arith.constant 0 : i32
      %dma_start3A_266 = arith.constant 0 : i32
      %dma_start3A_267 = tpu.memref_slice %arg2[%dma_start3A_265, %dma_start3A_266] : memref<1048584x8xf32, #tpu.memory_space<hbm>> -> memref<1048584x8xf32, #tpu.memory_space<hbm>>
      tpu.enqueue_indirect_dma source(%dma_start3A_267 : memref<1048584x8xf32, #tpu.memory_space<hbm>>) target(%dma_start3A_261 : memref<128x8xf32, #tpu.memory_space<vmem>>) offsets(%dma_start3A_264 : memref<128xi32, #tpu.memory_space<vmem>>) semaphore(%arg19 : memref<!tpu.dma_semaphore, #tpu.memory_space<semaphore_mem>>)
      %dma_start3A_268 = arith.constant 2 : i32
      %dma_start3A_269 = arith.constant 2 : i32
      %dma_start3A_270 = arith.constant 512 : i32
      %dma_start3A_271 = arith.constant 0 : i32
      %dma_start3A_272 = tpu.memref_slice %arg16[%dma_start3A_269, %dma_start3A_270, %dma_start3A_271] : memref<4x1024x8xf32, #tpu.memory_space<vmem>> -> memref<1x128x8xf32, #tpu.memory_space<vmem>>
      %dma_start3A_273 = tpu.memref_squeeze %dma_start3A_272 : memref<1x128x8xf32, #tpu.memory_space<vmem>> -> memref<128x8xf32, #tpu.memory_space<vmem>>
      %dma_start3A_274 = arith.constant 512 : i32
      %dma_start3A_275 = tpu.memref_slice %arg14[%dma_start3A_268, %dma_start3A_274] : memref<4x1024xi32, #tpu.memory_space<vmem>> -> memref<1x128xi32, #tpu.memory_space<vmem>>
      %dma_start3A_276 = tpu.memref_squeeze %dma_start3A_275 : memref<1x128xi32, #tpu.memory_space<vmem>> -> memref<128xi32, #tpu.memory_space<vmem>>
      %dma_start3A_277 = arith.constant 0 : i32
      %dma_start3A_278 = arith.constant 0 : i32
      %dma_start3A_279 = tpu.memref_slice %arg2[%dma_start3A_277, %dma_start3A_278] : memref<1048584x8xf32, #tpu.memory_space<hbm>> -> memref<1048584x8xf32, #tpu.memory_space<hbm>>
      tpu.enqueue_indirect_dma source(%dma_start3A_279 : memref<1048584x8xf32, #tpu.memory_space<hbm>>) target(%dma_start3A_273 : memref<128x8xf32, #tpu.memory_space<vmem>>) offsets(%dma_start3A_276 : memref<128xi32, #tpu.memory_space<vmem>>) semaphore(%arg19 : memref<!tpu.dma_semaphore, #tpu.memory_space<semaphore_mem>>)
      %dma_start3A_280 = arith.constant 2 : i32
      %dma_start3A_281 = arith.constant 2 : i32
      %dma_start3A_282 = arith.constant 640 : i32
      %dma_start3A_283 = arith.constant 0 : i32
      %dma_start3A_284 = tpu.memref_slice %arg16[%dma_start3A_281, %dma_start3A_282, %dma_start3A_283] : memref<4x1024x8xf32, #tpu.memory_space<vmem>> -> memref<1x128x8xf32, #tpu.memory_space<vmem>>
      %dma_start3A_285 = tpu.memref_squeeze %dma_start3A_284 : memref<1x128x8xf32, #tpu.memory_space<vmem>> -> memref<128x8xf32, #tpu.memory_space<vmem>>
      %dma_start3A_286 = arith.constant 640 : i32
      %dma_start3A_287 = tpu.memref_slice %arg14[%dma_start3A_280, %dma_start3A_286] : memref<4x1024xi32, #tpu.memory_space<vmem>> -> memref<1x128xi32, #tpu.memory_space<vmem>>
      %dma_start3A_288 = tpu.memref_squeeze %dma_start3A_287 : memref<1x128xi32, #tpu.memory_space<vmem>> -> memref<128xi32, #tpu.memory_space<vmem>>
      %dma_start3A_289 = arith.constant 0 : i32
      %dma_start3A_290 = arith.constant 0 : i32
      %dma_start3A_291 = tpu.memref_slice %arg2[%dma_start3A_289, %dma_start3A_290] : memref<1048584x8xf32, #tpu.memory_space<hbm>> -> memref<1048584x8xf32, #tpu.memory_space<hbm>>
      tpu.enqueue_indirect_dma source(%dma_start3A_291 : memref<1048584x8xf32, #tpu.memory_space<hbm>>) target(%dma_start3A_285 : memref<128x8xf32, #tpu.memory_space<vmem>>) offsets(%dma_start3A_288 : memref<128xi32, #tpu.memory_space<vmem>>) semaphore(%arg19 : memref<!tpu.dma_semaphore, #tpu.memory_space<semaphore_mem>>)
      %dma_start3A_292 = arith.constant 2 : i32
      %dma_start3A_293 = arith.constant 2 : i32
      %dma_start3A_294 = arith.constant 768 : i32
      %dma_start3A_295 = arith.constant 0 : i32
      %dma_start3A_296 = tpu.memref_slice %arg16[%dma_start3A_293, %dma_start3A_294, %dma_start3A_295] : memref<4x1024x8xf32, #tpu.memory_space<vmem>> -> memref<1x128x8xf32, #tpu.memory_space<vmem>>
      %dma_start3A_297 = tpu.memref_squeeze %dma_start3A_296 : memref<1x128x8xf32, #tpu.memory_space<vmem>> -> memref<128x8xf32, #tpu.memory_space<vmem>>
      %dma_start3A_298 = arith.constant 768 : i32
      %dma_start3A_299 = tpu.memref_slice %arg14[%dma_start3A_292, %dma_start3A_298] : memref<4x1024xi32, #tpu.memory_space<vmem>> -> memref<1x128xi32, #tpu.memory_space<vmem>>
      %dma_start3A_300 = tpu.memref_squeeze %dma_start3A_299 : memref<1x128xi32, #tpu.memory_space<vmem>> -> memref<128xi32, #tpu.memory_space<vmem>>
      %dma_start3A_301 = arith.constant 0 : i32
      %dma_start3A_302 = arith.constant 0 : i32
      %dma_start3A_303 = tpu.memref_slice %arg2[%dma_start3A_301, %dma_start3A_302] : memref<1048584x8xf32, #tpu.memory_space<hbm>> -> memref<1048584x8xf32, #tpu.memory_space<hbm>>
      tpu.enqueue_indirect_dma source(%dma_start3A_303 : memref<1048584x8xf32, #tpu.memory_space<hbm>>) target(%dma_start3A_297 : memref<128x8xf32, #tpu.memory_space<vmem>>) offsets(%dma_start3A_300 : memref<128xi32, #tpu.memory_space<vmem>>) semaphore(%arg19 : memref<!tpu.dma_semaphore, #tpu.memory_space<semaphore_mem>>)
      %dma_start3A_304 = arith.constant 2 : i32
      %dma_start3A_305 = arith.constant 2 : i32
      %dma_start3A_306 = arith.constant 896 : i32
      %dma_start3A_307 = arith.constant 0 : i32
      %dma_start3A_308 = tpu.memref_slice %arg16[%dma_start3A_305, %dma_start3A_306, %dma_start3A_307] : memref<4x1024x8xf32, #tpu.memory_space<vmem>> -> memref<1x128x8xf32, #tpu.memory_space<vmem>>
      %dma_start3A_309 = tpu.memref_squeeze %dma_start3A_308 : memref<1x128x8xf32, #tpu.memory_space<vmem>> -> memref<128x8xf32, #tpu.memory_space<vmem>>
      %dma_start3A_310 = arith.constant 896 : i32
      %dma_start3A_311 = tpu.memref_slice %arg14[%dma_start3A_304, %dma_start3A_310] : memref<4x1024xi32, #tpu.memory_space<vmem>> -> memref<1x128xi32, #tpu.memory_space<vmem>>
      %dma_start3A_312 = tpu.memref_squeeze %dma_start3A_311 : memref<1x128xi32, #tpu.memory_space<vmem>> -> memref<128xi32, #tpu.memory_space<vmem>>
      %dma_start3A_313 = arith.constant 0 : i32
      %dma_start3A_314 = arith.constant 0 : i32
      %dma_start3A_315 = tpu.memref_slice %arg2[%dma_start3A_313, %dma_start3A_314] : memref<1048584x8xf32, #tpu.memory_space<hbm>> -> memref<1048584x8xf32, #tpu.memory_space<hbm>>
      tpu.enqueue_indirect_dma source(%dma_start3A_315 : memref<1048584x8xf32, #tpu.memory_space<hbm>>) target(%dma_start3A_309 : memref<128x8xf32, #tpu.memory_space<vmem>>) offsets(%dma_start3A_312 : memref<128xi32, #tpu.memory_space<vmem>>) semaphore(%arg19 : memref<!tpu.dma_semaphore, #tpu.memory_space<semaphore_mem>>)
      %dma_start3A_316 = arith.constant 3 : i32
      %dma_start3A_317 = arith.constant 3 : i32
      %dma_start3A_318 = arith.constant 0 : i32
      %dma_start3A_319 = arith.constant 0 : i32
      %dma_start3A_320 = tpu.memref_slice %arg16[%dma_start3A_317, %dma_start3A_318, %dma_start3A_319] : memref<4x1024x8xf32, #tpu.memory_space<vmem>> -> memref<1x128x8xf32, #tpu.memory_space<vmem>>
      %dma_start3A_321 = tpu.memref_squeeze %dma_start3A_320 : memref<1x128x8xf32, #tpu.memory_space<vmem>> -> memref<128x8xf32, #tpu.memory_space<vmem>>
      %dma_start3A_322 = arith.constant 0 : i32
      %dma_start3A_323 = tpu.memref_slice %arg14[%dma_start3A_316, %dma_start3A_322] : memref<4x1024xi32, #tpu.memory_space<vmem>> -> memref<1x128xi32, #tpu.memory_space<vmem>>
      %dma_start3A_324 = tpu.memref_squeeze %dma_start3A_323 : memref<1x128xi32, #tpu.memory_space<vmem>> -> memref<128xi32, #tpu.memory_space<vmem>>
      %dma_start3A_325 = arith.constant 0 : i32
      %dma_start3A_326 = arith.constant 0 : i32
      %dma_start3A_327 = tpu.memref_slice %arg2[%dma_start3A_325, %dma_start3A_326] : memref<1048584x8xf32, #tpu.memory_space<hbm>> -> memref<1048584x8xf32, #tpu.memory_space<hbm>>
      tpu.enqueue_indirect_dma source(%dma_start3A_327 : memref<1048584x8xf32, #tpu.memory_space<hbm>>) target(%dma_start3A_321 : memref<128x8xf32, #tpu.memory_space<vmem>>) offsets(%dma_start3A_324 : memref<128xi32, #tpu.memory_space<vmem>>) semaphore(%arg19 : memref<!tpu.dma_semaphore, #tpu.memory_space<semaphore_mem>>)
      %dma_start3A_328 = arith.constant 3 : i32
      %dma_start3A_329 = arith.constant 3 : i32
      %dma_start3A_330 = arith.constant 128 : i32
      %dma_start3A_331 = arith.constant 0 : i32
      %dma_start3A_332 = tpu.memref_slice %arg16[%dma_start3A_329, %dma_start3A_330, %dma_start3A_331] : memref<4x1024x8xf32, #tpu.memory_space<vmem>> -> memref<1x128x8xf32, #tpu.memory_space<vmem>>
      %dma_start3A_333 = tpu.memref_squeeze %dma_start3A_332 : memref<1x128x8xf32, #tpu.memory_space<vmem>> -> memref<128x8xf32, #tpu.memory_space<vmem>>
      %dma_start3A_334 = arith.constant 128 : i32
      %dma_start3A_335 = tpu.memref_slice %arg14[%dma_start3A_328, %dma_start3A_334] : memref<4x1024xi32, #tpu.memory_space<vmem>> -> memref<1x128xi32, #tpu.memory_space<vmem>>
      %dma_start3A_336 = tpu.memref_squeeze %dma_start3A_335 : memref<1x128xi32, #tpu.memory_space<vmem>> -> memref<128xi32, #tpu.memory_space<vmem>>
      %dma_start3A_337 = arith.constant 0 : i32
      %dma_start3A_338 = arith.constant 0 : i32
      %dma_start3A_339 = tpu.memref_slice %arg2[%dma_start3A_337, %dma_start3A_338] : memref<1048584x8xf32, #tpu.memory_space<hbm>> -> memref<1048584x8xf32, #tpu.memory_space<hbm>>
      tpu.enqueue_indirect_dma source(%dma_start3A_339 : memref<1048584x8xf32, #tpu.memory_space<hbm>>) target(%dma_start3A_333 : memref<128x8xf32, #tpu.memory_space<vmem>>) offsets(%dma_start3A_336 : memref<128xi32, #tpu.memory_space<vmem>>) semaphore(%arg19 : memref<!tpu.dma_semaphore, #tpu.memory_space<semaphore_mem>>)
      %dma_start3A_340 = arith.constant 3 : i32
      %dma_start3A_341 = arith.constant 3 : i32
      %dma_start3A_342 = arith.constant 256 : i32
      %dma_start3A_343 = arith.constant 0 : i32
      %dma_start3A_344 = tpu.memref_slice %arg16[%dma_start3A_341, %dma_start3A_342, %dma_start3A_343] : memref<4x1024x8xf32, #tpu.memory_space<vmem>> -> memref<1x128x8xf32, #tpu.memory_space<vmem>>
      %dma_start3A_345 = tpu.memref_squeeze %dma_start3A_344 : memref<1x128x8xf32, #tpu.memory_space<vmem>> -> memref<128x8xf32, #tpu.memory_space<vmem>>
      %dma_start3A_346 = arith.constant 256 : i32
      %dma_start3A_347 = tpu.memref_slice %arg14[%dma_start3A_340, %dma_start3A_346] : memref<4x1024xi32, #tpu.memory_space<vmem>> -> memref<1x128xi32, #tpu.memory_space<vmem>>
      %dma_start3A_348 = tpu.memref_squeeze %dma_start3A_347 : memref<1x128xi32, #tpu.memory_space<vmem>> -> memref<128xi32, #tpu.memory_space<vmem>>
      %dma_start3A_349 = arith.constant 0 : i32
      %dma_start3A_350 = arith.constant 0 : i32
      %dma_start3A_351 = tpu.memref_slice %arg2[%dma_start3A_349, %dma_start3A_350] : memref<1048584x8xf32, #tpu.memory_space<hbm>> -> memref<1048584x8xf32, #tpu.memory_space<hbm>>
      tpu.enqueue_indirect_dma source(%dma_start3A_351 : memref<1048584x8xf32, #tpu.memory_space<hbm>>) target(%dma_start3A_345 : memref<128x8xf32, #tpu.memory_space<vmem>>) offsets(%dma_start3A_348 : memref<128xi32, #tpu.memory_space<vmem>>) semaphore(%arg19 : memref<!tpu.dma_semaphore, #tpu.memory_space<semaphore_mem>>)
      %dma_start3A_352 = arith.constant 3 : i32
      %dma_start3A_353 = arith.constant 3 : i32
      %dma_start3A_354 = arith.constant 384 : i32
      %dma_start3A_355 = arith.constant 0 : i32
      %dma_start3A_356 = tpu.memref_slice %arg16[%dma_start3A_353, %dma_start3A_354, %dma_start3A_355] : memref<4x1024x8xf32, #tpu.memory_space<vmem>> -> memref<1x128x8xf32, #tpu.memory_space<vmem>>
      %dma_start3A_357 = tpu.memref_squeeze %dma_start3A_356 : memref<1x128x8xf32, #tpu.memory_space<vmem>> -> memref<128x8xf32, #tpu.memory_space<vmem>>
      %dma_start3A_358 = arith.constant 384 : i32
      %dma_start3A_359 = tpu.memref_slice %arg14[%dma_start3A_352, %dma_start3A_358] : memref<4x1024xi32, #tpu.memory_space<vmem>> -> memref<1x128xi32, #tpu.memory_space<vmem>>
      %dma_start3A_360 = tpu.memref_squeeze %dma_start3A_359 : memref<1x128xi32, #tpu.memory_space<vmem>> -> memref<128xi32, #tpu.memory_space<vmem>>
      %dma_start3A_361 = arith.constant 0 : i32
      %dma_start3A_362 = arith.constant 0 : i32
      %dma_start3A_363 = tpu.memref_slice %arg2[%dma_start3A_361, %dma_start3A_362] : memref<1048584x8xf32, #tpu.memory_space<hbm>> -> memref<1048584x8xf32, #tpu.memory_space<hbm>>
      tpu.enqueue_indirect_dma source(%dma_start3A_363 : memref<1048584x8xf32, #tpu.memory_space<hbm>>) target(%dma_start3A_357 : memref<128x8xf32, #tpu.memory_space<vmem>>) offsets(%dma_start3A_360 : memref<128xi32, #tpu.memory_space<vmem>>) semaphore(%arg19 : memref<!tpu.dma_semaphore, #tpu.memory_space<semaphore_mem>>)
      %dma_start3A_364 = arith.constant 3 : i32
      %dma_start3A_365 = arith.constant 3 : i32
      %dma_start3A_366 = arith.constant 512 : i32
      %dma_start3A_367 = arith.constant 0 : i32
      %dma_start3A_368 = tpu.memref_slice %arg16[%dma_start3A_365, %dma_start3A_366, %dma_start3A_367] : memref<4x1024x8xf32, #tpu.memory_space<vmem>> -> memref<1x128x8xf32, #tpu.memory_space<vmem>>
      %dma_start3A_369 = tpu.memref_squeeze %dma_start3A_368 : memref<1x128x8xf32, #tpu.memory_space<vmem>> -> memref<128x8xf32, #tpu.memory_space<vmem>>
      %dma_start3A_370 = arith.constant 512 : i32
      %dma_start3A_371 = tpu.memref_slice %arg14[%dma_start3A_364, %dma_start3A_370] : memref<4x1024xi32, #tpu.memory_space<vmem>> -> memref<1x128xi32, #tpu.memory_space<vmem>>
      %dma_start3A_372 = tpu.memref_squeeze %dma_start3A_371 : memref<1x128xi32, #tpu.memory_space<vmem>> -> memref<128xi32, #tpu.memory_space<vmem>>
      %dma_start3A_373 = arith.constant 0 : i32
      %dma_start3A_374 = arith.constant 0 : i32
      %dma_start3A_375 = tpu.memref_slice %arg2[%dma_start3A_373, %dma_start3A_374] : memref<1048584x8xf32, #tpu.memory_space<hbm>> -> memref<1048584x8xf32, #tpu.memory_space<hbm>>
      tpu.enqueue_indirect_dma source(%dma_start3A_375 : memref<1048584x8xf32, #tpu.memory_space<hbm>>) target(%dma_start3A_369 : memref<128x8xf32, #tpu.memory_space<vmem>>) offsets(%dma_start3A_372 : memref<128xi32, #tpu.memory_space<vmem>>) semaphore(%arg19 : memref<!tpu.dma_semaphore, #tpu.memory_space<semaphore_mem>>)
      %dma_start3A_376 = arith.constant 3 : i32
      %dma_start3A_377 = arith.constant 3 : i32
      %dma_start3A_378 = arith.constant 640 : i32
      %dma_start3A_379 = arith.constant 0 : i32
      %dma_start3A_380 = tpu.memref_slice %arg16[%dma_start3A_377, %dma_start3A_378, %dma_start3A_379] : memref<4x1024x8xf32, #tpu.memory_space<vmem>> -> memref<1x128x8xf32, #tpu.memory_space<vmem>>
      %dma_start3A_381 = tpu.memref_squeeze %dma_start3A_380 : memref<1x128x8xf32, #tpu.memory_space<vmem>> -> memref<128x8xf32, #tpu.memory_space<vmem>>
      %dma_start3A_382 = arith.constant 640 : i32
      %dma_start3A_383 = tpu.memref_slice %arg14[%dma_start3A_376, %dma_start3A_382] : memref<4x1024xi32, #tpu.memory_space<vmem>> -> memref<1x128xi32, #tpu.memory_space<vmem>>
      %dma_start3A_384 = tpu.memref_squeeze %dma_start3A_383 : memref<1x128xi32, #tpu.memory_space<vmem>> -> memref<128xi32, #tpu.memory_space<vmem>>
      %dma_start3A_385 = arith.constant 0 : i32
      %dma_start3A_386 = arith.constant 0 : i32
      %dma_start3A_387 = tpu.memref_slice %arg2[%dma_start3A_385, %dma_start3A_386] : memref<1048584x8xf32, #tpu.memory_space<hbm>> -> memref<1048584x8xf32, #tpu.memory_space<hbm>>
      tpu.enqueue_indirect_dma source(%dma_start3A_387 : memref<1048584x8xf32, #tpu.memory_space<hbm>>) target(%dma_start3A_381 : memref<128x8xf32, #tpu.memory_space<vmem>>) offsets(%dma_start3A_384 : memref<128xi32, #tpu.memory_space<vmem>>) semaphore(%arg19 : memref<!tpu.dma_semaphore, #tpu.memory_space<semaphore_mem>>)
      %dma_start3A_388 = arith.constant 3 : i32
      %dma_start3A_389 = arith.constant 3 : i32
      %dma_start3A_390 = arith.constant 768 : i32
      %dma_start3A_391 = arith.constant 0 : i32
      %dma_start3A_392 = tpu.memref_slice %arg16[%dma_start3A_389, %dma_start3A_390, %dma_start3A_391] : memref<4x1024x8xf32, #tpu.memory_space<vmem>> -> memref<1x128x8xf32, #tpu.memory_space<vmem>>
      %dma_start3A_393 = tpu.memref_squeeze %dma_start3A_392 : memref<1x128x8xf32, #tpu.memory_space<vmem>> -> memref<128x8xf32, #tpu.memory_space<vmem>>
      %dma_start3A_394 = arith.constant 768 : i32
      %dma_start3A_395 = tpu.memref_slice %arg14[%dma_start3A_388, %dma_start3A_394] : memref<4x1024xi32, #tpu.memory_space<vmem>> -> memref<1x128xi32, #tpu.memory_space<vmem>>
      %dma_start3A_396 = tpu.memref_squeeze %dma_start3A_395 : memref<1x128xi32, #tpu.memory_space<vmem>> -> memref<128xi32, #tpu.memory_space<vmem>>
      %dma_start3A_397 = arith.constant 0 : i32
      %dma_start3A_398 = arith.constant 0 : i32
      %dma_start3A_399 = tpu.memref_slice %arg2[%dma_start3A_397, %dma_start3A_398] : memref<1048584x8xf32, #tpu.memory_space<hbm>> -> memref<1048584x8xf32, #tpu.memory_space<hbm>>
      tpu.enqueue_indirect_dma source(%dma_start3A_399 : memref<1048584x8xf32, #tpu.memory_space<hbm>>) target(%dma_start3A_393 : memref<128x8xf32, #tpu.memory_space<vmem>>) offsets(%dma_start3A_396 : memref<128xi32, #tpu.memory_space<vmem>>) semaphore(%arg19 : memref<!tpu.dma_semaphore, #tpu.memory_space<semaphore_mem>>)
      %dma_start3A_400 = arith.constant 3 : i32
      %dma_start3A_401 = arith.constant 3 : i32
      %dma_start3A_402 = arith.constant 896 : i32
      %dma_start3A_403 = arith.constant 0 : i32
      %dma_start3A_404 = tpu.memref_slice %arg16[%dma_start3A_401, %dma_start3A_402, %dma_start3A_403] : memref<4x1024x8xf32, #tpu.memory_space<vmem>> -> memref<1x128x8xf32, #tpu.memory_space<vmem>>
      %dma_start3A_405 = tpu.memref_squeeze %dma_start3A_404 : memref<1x128x8xf32, #tpu.memory_space<vmem>> -> memref<128x8xf32, #tpu.memory_space<vmem>>
      %dma_start3A_406 = arith.constant 896 : i32
      %dma_start3A_407 = tpu.memref_slice %arg14[%dma_start3A_400, %dma_start3A_406] : memref<4x1024xi32, #tpu.memory_space<vmem>> -> memref<1x128xi32, #tpu.memory_space<vmem>>
      %dma_start3A_408 = tpu.memref_squeeze %dma_start3A_407 : memref<1x128xi32, #tpu.memory_space<vmem>> -> memref<128xi32, #tpu.memory_space<vmem>>
      %dma_start3A_409 = arith.constant 0 : i32
      %dma_start3A_410 = arith.constant 0 : i32
      %dma_start3A_411 = tpu.memref_slice %arg2[%dma_start3A_409, %dma_start3A_410] : memref<1048584x8xf32, #tpu.memory_space<hbm>> -> memref<1048584x8xf32, #tpu.memory_space<hbm>>
      tpu.enqueue_indirect_dma source(%dma_start3A_411 : memref<1048584x8xf32, #tpu.memory_space<hbm>>) target(%dma_start3A_405 : memref<128x8xf32, #tpu.memory_space<vmem>>) offsets(%dma_start3A_408 : memref<128xi32, #tpu.memory_space<vmem>>) semaphore(%arg19 : memref<!tpu.dma_semaphore, #tpu.memory_space<semaphore_mem>>)
      %dma_wait3A = arith.constant 0 : i32
      %dma_wait3A_412 = arith.constant 0 : i32
      %dma_wait3A_413 = arith.constant 0 : i32
      %dma_wait3A_414 = arith.constant 0 : i32
      %dma_wait3A_415 = tpu.memref_slice %arg16[%dma_wait3A_412, %dma_wait3A_413, %dma_wait3A_414] : memref<4x1024x8xf32, #tpu.memory_space<vmem>> -> memref<1x128x8xf32, #tpu.memory_space<vmem>>
      %dma_wait3A_416 = tpu.memref_squeeze %dma_wait3A_415 : memref<1x128x8xf32, #tpu.memory_space<vmem>> -> memref<128x8xf32, #tpu.memory_space<vmem>>
      %dma_wait3A_417 = arith.constant 0 : i32
      %dma_wait3A_418 = tpu.memref_slice %arg14[%dma_wait3A, %dma_wait3A_417] : memref<4x1024xi32, #tpu.memory_space<vmem>> -> memref<1x128xi32, #tpu.memory_space<vmem>>
      %dma_wait3A_419 = tpu.memref_squeeze %dma_wait3A_418 : memref<1x128xi32, #tpu.memory_space<vmem>> -> memref<128xi32, #tpu.memory_space<vmem>>
      %dma_wait3A_420 = arith.constant 0 : i32
      %dma_wait3A_421 = arith.constant 0 : i32
      %dma_wait3A_422 = tpu.memref_slice %arg2[%dma_wait3A_420, %dma_wait3A_421] : memref<1048584x8xf32, #tpu.memory_space<hbm>> -> memref<1048584x8xf32, #tpu.memory_space<hbm>>
      tpu.wait_indirect_dma semaphore(%arg19 : memref<!tpu.dma_semaphore, #tpu.memory_space<semaphore_mem>>) src(%dma_wait3A_422 : memref<1048584x8xf32, #tpu.memory_space<hbm>>) dst(%dma_wait3A_416 : memref<128x8xf32, #tpu.memory_space<vmem>>)
      %dma_wait3A_423 = arith.constant 0 : i32
      %dma_wait3A_424 = arith.constant 0 : i32
      %dma_wait3A_425 = arith.constant 128 : i32
      %dma_wait3A_426 = arith.constant 0 : i32
      %dma_wait3A_427 = tpu.memref_slice %arg16[%dma_wait3A_424, %dma_wait3A_425, %dma_wait3A_426] : memref<4x1024x8xf32, #tpu.memory_space<vmem>> -> memref<1x128x8xf32, #tpu.memory_space<vmem>>
      %dma_wait3A_428 = tpu.memref_squeeze %dma_wait3A_427 : memref<1x128x8xf32, #tpu.memory_space<vmem>> -> memref<128x8xf32, #tpu.memory_space<vmem>>
      %dma_wait3A_429 = arith.constant 128 : i32
      %dma_wait3A_430 = tpu.memref_slice %arg14[%dma_wait3A_423, %dma_wait3A_429] : memref<4x1024xi32, #tpu.memory_space<vmem>> -> memref<1x128xi32, #tpu.memory_space<vmem>>
      %dma_wait3A_431 = tpu.memref_squeeze %dma_wait3A_430 : memref<1x128xi32, #tpu.memory_space<vmem>> -> memref<128xi32, #tpu.memory_space<vmem>>
      %dma_wait3A_432 = arith.constant 0 : i32
      %dma_wait3A_433 = arith.constant 0 : i32
      %dma_wait3A_434 = tpu.memref_slice %arg2[%dma_wait3A_432, %dma_wait3A_433] : memref<1048584x8xf32, #tpu.memory_space<hbm>> -> memref<1048584x8xf32, #tpu.memory_space<hbm>>
      tpu.wait_indirect_dma semaphore(%arg19 : memref<!tpu.dma_semaphore, #tpu.memory_space<semaphore_mem>>) src(%dma_wait3A_434 : memref<1048584x8xf32, #tpu.memory_space<hbm>>) dst(%dma_wait3A_428 : memref<128x8xf32, #tpu.memory_space<vmem>>)
      %dma_wait3A_435 = arith.constant 0 : i32
      %dma_wait3A_436 = arith.constant 0 : i32
      %dma_wait3A_437 = arith.constant 256 : i32
      %dma_wait3A_438 = arith.constant 0 : i32
      %dma_wait3A_439 = tpu.memref_slice %arg16[%dma_wait3A_436, %dma_wait3A_437, %dma_wait3A_438] : memref<4x1024x8xf32, #tpu.memory_space<vmem>> -> memref<1x128x8xf32, #tpu.memory_space<vmem>>
      %dma_wait3A_440 = tpu.memref_squeeze %dma_wait3A_439 : memref<1x128x8xf32, #tpu.memory_space<vmem>> -> memref<128x8xf32, #tpu.memory_space<vmem>>
      %dma_wait3A_441 = arith.constant 256 : i32
      %dma_wait3A_442 = tpu.memref_slice %arg14[%dma_wait3A_435, %dma_wait3A_441] : memref<4x1024xi32, #tpu.memory_space<vmem>> -> memref<1x128xi32, #tpu.memory_space<vmem>>
      %dma_wait3A_443 = tpu.memref_squeeze %dma_wait3A_442 : memref<1x128xi32, #tpu.memory_space<vmem>> -> memref<128xi32, #tpu.memory_space<vmem>>
      %dma_wait3A_444 = arith.constant 0 : i32
      %dma_wait3A_445 = arith.constant 0 : i32
      %dma_wait3A_446 = tpu.memref_slice %arg2[%dma_wait3A_444, %dma_wait3A_445] : memref<1048584x8xf32, #tpu.memory_space<hbm>> -> memref<1048584x8xf32, #tpu.memory_space<hbm>>
      tpu.wait_indirect_dma semaphore(%arg19 : memref<!tpu.dma_semaphore, #tpu.memory_space<semaphore_mem>>) src(%dma_wait3A_446 : memref<1048584x8xf32, #tpu.memory_space<hbm>>) dst(%dma_wait3A_440 : memref<128x8xf32, #tpu.memory_space<vmem>>)
      %dma_wait3A_447 = arith.constant 0 : i32
      %dma_wait3A_448 = arith.constant 0 : i32
      %dma_wait3A_449 = arith.constant 384 : i32
      %dma_wait3A_450 = arith.constant 0 : i32
      %dma_wait3A_451 = tpu.memref_slice %arg16[%dma_wait3A_448, %dma_wait3A_449, %dma_wait3A_450] : memref<4x1024x8xf32, #tpu.memory_space<vmem>> -> memref<1x128x8xf32, #tpu.memory_space<vmem>>
      %dma_wait3A_452 = tpu.memref_squeeze %dma_wait3A_451 : memref<1x128x8xf32, #tpu.memory_space<vmem>> -> memref<128x8xf32, #tpu.memory_space<vmem>>
      %dma_wait3A_453 = arith.constant 384 : i32
      %dma_wait3A_454 = tpu.memref_slice %arg14[%dma_wait3A_447, %dma_wait3A_453] : memref<4x1024xi32, #tpu.memory_space<vmem>> -> memref<1x128xi32, #tpu.memory_space<vmem>>
      %dma_wait3A_455 = tpu.memref_squeeze %dma_wait3A_454 : memref<1x128xi32, #tpu.memory_space<vmem>> -> memref<128xi32, #tpu.memory_space<vmem>>
      %dma_wait3A_456 = arith.constant 0 : i32
      %dma_wait3A_457 = arith.constant 0 : i32
      %dma_wait3A_458 = tpu.memref_slice %arg2[%dma_wait3A_456, %dma_wait3A_457] : memref<1048584x8xf32, #tpu.memory_space<hbm>> -> memref<1048584x8xf32, #tpu.memory_space<hbm>>
      tpu.wait_indirect_dma semaphore(%arg19 : memref<!tpu.dma_semaphore, #tpu.memory_space<semaphore_mem>>) src(%dma_wait3A_458 : memref<1048584x8xf32, #tpu.memory_space<hbm>>) dst(%dma_wait3A_452 : memref<128x8xf32, #tpu.memory_space<vmem>>)
      %dma_wait3A_459 = arith.constant 0 : i32
      %dma_wait3A_460 = arith.constant 0 : i32
      %dma_wait3A_461 = arith.constant 512 : i32
      %dma_wait3A_462 = arith.constant 0 : i32
      %dma_wait3A_463 = tpu.memref_slice %arg16[%dma_wait3A_460, %dma_wait3A_461, %dma_wait3A_462] : memref<4x1024x8xf32, #tpu.memory_space<vmem>> -> memref<1x128x8xf32, #tpu.memory_space<vmem>>
      %dma_wait3A_464 = tpu.memref_squeeze %dma_wait3A_463 : memref<1x128x8xf32, #tpu.memory_space<vmem>> -> memref<128x8xf32, #tpu.memory_space<vmem>>
      %dma_wait3A_465 = arith.constant 512 : i32
      %dma_wait3A_466 = tpu.memref_slice %arg14[%dma_wait3A_459, %dma_wait3A_465] : memref<4x1024xi32, #tpu.memory_space<vmem>> -> memref<1x128xi32, #tpu.memory_space<vmem>>
      %dma_wait3A_467 = tpu.memref_squeeze %dma_wait3A_466 : memref<1x128xi32, #tpu.memory_space<vmem>> -> memref<128xi32, #tpu.memory_space<vmem>>
      %dma_wait3A_468 = arith.constant 0 : i32
      %dma_wait3A_469 = arith.constant 0 : i32
      %dma_wait3A_470 = tpu.memref_slice %arg2[%dma_wait3A_468, %dma_wait3A_469] : memref<1048584x8xf32, #tpu.memory_space<hbm>> -> memref<1048584x8xf32, #tpu.memory_space<hbm>>
      tpu.wait_indirect_dma semaphore(%arg19 : memref<!tpu.dma_semaphore, #tpu.memory_space<semaphore_mem>>) src(%dma_wait3A_470 : memref<1048584x8xf32, #tpu.memory_space<hbm>>) dst(%dma_wait3A_464 : memref<128x8xf32, #tpu.memory_space<vmem>>)
      %dma_wait3A_471 = arith.constant 0 : i32
      %dma_wait3A_472 = arith.constant 0 : i32
      %dma_wait3A_473 = arith.constant 640 : i32
      %dma_wait3A_474 = arith.constant 0 : i32
      %dma_wait3A_475 = tpu.memref_slice %arg16[%dma_wait3A_472, %dma_wait3A_473, %dma_wait3A_474] : memref<4x1024x8xf32, #tpu.memory_space<vmem>> -> memref<1x128x8xf32, #tpu.memory_space<vmem>>
      %dma_wait3A_476 = tpu.memref_squeeze %dma_wait3A_475 : memref<1x128x8xf32, #tpu.memory_space<vmem>> -> memref<128x8xf32, #tpu.memory_space<vmem>>
      %dma_wait3A_477 = arith.constant 640 : i32
      %dma_wait3A_478 = tpu.memref_slice %arg14[%dma_wait3A_471, %dma_wait3A_477] : memref<4x1024xi32, #tpu.memory_space<vmem>> -> memref<1x128xi32, #tpu.memory_space<vmem>>
      %dma_wait3A_479 = tpu.memref_squeeze %dma_wait3A_478 : memref<1x128xi32, #tpu.memory_space<vmem>> -> memref<128xi32, #tpu.memory_space<vmem>>
      %dma_wait3A_480 = arith.constant 0 : i32
      %dma_wait3A_481 = arith.constant 0 : i32
      %dma_wait3A_482 = tpu.memref_slice %arg2[%dma_wait3A_480, %dma_wait3A_481] : memref<1048584x8xf32, #tpu.memory_space<hbm>> -> memref<1048584x8xf32, #tpu.memory_space<hbm>>
      tpu.wait_indirect_dma semaphore(%arg19 : memref<!tpu.dma_semaphore, #tpu.memory_space<semaphore_mem>>) src(%dma_wait3A_482 : memref<1048584x8xf32, #tpu.memory_space<hbm>>) dst(%dma_wait3A_476 : memref<128x8xf32, #tpu.memory_space<vmem>>)
      %dma_wait3A_483 = arith.constant 0 : i32
      %dma_wait3A_484 = arith.constant 0 : i32
      %dma_wait3A_485 = arith.constant 768 : i32
      %dma_wait3A_486 = arith.constant 0 : i32
      %dma_wait3A_487 = tpu.memref_slice %arg16[%dma_wait3A_484, %dma_wait3A_485, %dma_wait3A_486] : memref<4x1024x8xf32, #tpu.memory_space<vmem>> -> memref<1x128x8xf32, #tpu.memory_space<vmem>>
      %dma_wait3A_488 = tpu.memref_squeeze %dma_wait3A_487 : memref<1x128x8xf32, #tpu.memory_space<vmem>> -> memref<128x8xf32, #tpu.memory_space<vmem>>
      %dma_wait3A_489 = arith.constant 768 : i32
      %dma_wait3A_490 = tpu.memref_slice %arg14[%dma_wait3A_483, %dma_wait3A_489] : memref<4x1024xi32, #tpu.memory_space<vmem>> -> memref<1x128xi32, #tpu.memory_space<vmem>>
      %dma_wait3A_491 = tpu.memref_squeeze %dma_wait3A_490 : memref<1x128xi32, #tpu.memory_space<vmem>> -> memref<128xi32, #tpu.memory_space<vmem>>
      %dma_wait3A_492 = arith.constant 0 : i32
      %dma_wait3A_493 = arith.constant 0 : i32
      %dma_wait3A_494 = tpu.memref_slice %arg2[%dma_wait3A_492, %dma_wait3A_493] : memref<1048584x8xf32, #tpu.memory_space<hbm>> -> memref<1048584x8xf32, #tpu.memory_space<hbm>>
      tpu.wait_indirect_dma semaphore(%arg19 : memref<!tpu.dma_semaphore, #tpu.memory_space<semaphore_mem>>) src(%dma_wait3A_494 : memref<1048584x8xf32, #tpu.memory_space<hbm>>) dst(%dma_wait3A_488 : memref<128x8xf32, #tpu.memory_space<vmem>>)
      %dma_wait3A_495 = arith.constant 0 : i32
      %dma_wait3A_496 = arith.constant 0 : i32
      %dma_wait3A_497 = arith.constant 896 : i32
      %dma_wait3A_498 = arith.constant 0 : i32
      %dma_wait3A_499 = tpu.memref_slice %arg16[%dma_wait3A_496, %dma_wait3A_497, %dma_wait3A_498] : memref<4x1024x8xf32, #tpu.memory_space<vmem>> -> memref<1x128x8xf32, #tpu.memory_space<vmem>>
      %dma_wait3A_500 = tpu.memref_squeeze %dma_wait3A_499 : memref<1x128x8xf32, #tpu.memory_space<vmem>> -> memref<128x8xf32, #tpu.memory_space<vmem>>
      %dma_wait3A_501 = arith.constant 896 : i32
      %dma_wait3A_502 = tpu.memref_slice %arg14[%dma_wait3A_495, %dma_wait3A_501] : memref<4x1024xi32, #tpu.memory_space<vmem>> -> memref<1x128xi32, #tpu.memory_space<vmem>>
      %dma_wait3A_503 = tpu.memref_squeeze %dma_wait3A_502 : memref<1x128xi32, #tpu.memory_space<vmem>> -> memref<128xi32, #tpu.memory_space<vmem>>
      %dma_wait3A_504 = arith.constant 0 : i32
      %dma_wait3A_505 = arith.constant 0 : i32
      %dma_wait3A_506 = tpu.memref_slice %arg2[%dma_wait3A_504, %dma_wait3A_505] : memref<1048584x8xf32, #tpu.memory_space<hbm>> -> memref<1048584x8xf32, #tpu.memory_space<hbm>>
      tpu.wait_indirect_dma semaphore(%arg19 : memref<!tpu.dma_semaphore, #tpu.memory_space<semaphore_mem>>) src(%dma_wait3A_506 : memref<1048584x8xf32, #tpu.memory_space<hbm>>) dst(%dma_wait3A_500 : memref<128x8xf32, #tpu.memory_space<vmem>>)
      %dma_wait3A_507 = arith.constant 1 : i32
      %dma_wait3A_508 = arith.constant 1 : i32
      %dma_wait3A_509 = arith.constant 0 : i32
      %dma_wait3A_510 = arith.constant 0 : i32
      %dma_wait3A_511 = tpu.memref_slice %arg16[%dma_wait3A_508, %dma_wait3A_509, %dma_wait3A_510] : memref<4x1024x8xf32, #tpu.memory_space<vmem>> -> memref<1x128x8xf32, #tpu.memory_space<vmem>>
      %dma_wait3A_512 = tpu.memref_squeeze %dma_wait3A_511 : memref<1x128x8xf32, #tpu.memory_space<vmem>> -> memref<128x8xf32, #tpu.memory_space<vmem>>
      %dma_wait3A_513 = arith.constant 0 : i32
      %dma_wait3A_514 = tpu.memref_slice %arg14[%dma_wait3A_507, %dma_wait3A_513] : memref<4x1024xi32, #tpu.memory_space<vmem>> -> memref<1x128xi32, #tpu.memory_space<vmem>>
      %dma_wait3A_515 = tpu.memref_squeeze %dma_wait3A_514 : memref<1x128xi32, #tpu.memory_space<vmem>> -> memref<128xi32, #tpu.memory_space<vmem>>
      %dma_wait3A_516 = arith.constant 0 : i32
      %dma_wait3A_517 = arith.constant 0 : i32
      %dma_wait3A_518 = tpu.memref_slice %arg2[%dma_wait3A_516, %dma_wait3A_517] : memref<1048584x8xf32, #tpu.memory_space<hbm>> -> memref<1048584x8xf32, #tpu.memory_space<hbm>>
      tpu.wait_indirect_dma semaphore(%arg19 : memref<!tpu.dma_semaphore, #tpu.memory_space<semaphore_mem>>) src(%dma_wait3A_518 : memref<1048584x8xf32, #tpu.memory_space<hbm>>) dst(%dma_wait3A_512 : memref<128x8xf32, #tpu.memory_space<vmem>>)
      %dma_wait3A_519 = arith.constant 1 : i32
      %dma_wait3A_520 = arith.constant 1 : i32
      %dma_wait3A_521 = arith.constant 128 : i32
      %dma_wait3A_522 = arith.constant 0 : i32
      %dma_wait3A_523 = tpu.memref_slice %arg16[%dma_wait3A_520, %dma_wait3A_521, %dma_wait3A_522] : memref<4x1024x8xf32, #tpu.memory_space<vmem>> -> memref<1x128x8xf32, #tpu.memory_space<vmem>>
      %dma_wait3A_524 = tpu.memref_squeeze %dma_wait3A_523 : memref<1x128x8xf32, #tpu.memory_space<vmem>> -> memref<128x8xf32, #tpu.memory_space<vmem>>
      %dma_wait3A_525 = arith.constant 128 : i32
      %dma_wait3A_526 = tpu.memref_slice %arg14[%dma_wait3A_519, %dma_wait3A_525] : memref<4x1024xi32, #tpu.memory_space<vmem>> -> memref<1x128xi32, #tpu.memory_space<vmem>>
      %dma_wait3A_527 = tpu.memref_squeeze %dma_wait3A_526 : memref<1x128xi32, #tpu.memory_space<vmem>> -> memref<128xi32, #tpu.memory_space<vmem>>
      %dma_wait3A_528 = arith.constant 0 : i32
      %dma_wait3A_529 = arith.constant 0 : i32
      %dma_wait3A_530 = tpu.memref_slice %arg2[%dma_wait3A_528, %dma_wait3A_529] : memref<1048584x8xf32, #tpu.memory_space<hbm>> -> memref<1048584x8xf32, #tpu.memory_space<hbm>>
      tpu.wait_indirect_dma semaphore(%arg19 : memref<!tpu.dma_semaphore, #tpu.memory_space<semaphore_mem>>) src(%dma_wait3A_530 : memref<1048584x8xf32, #tpu.memory_space<hbm>>) dst(%dma_wait3A_524 : memref<128x8xf32, #tpu.memory_space<vmem>>)
      %dma_wait3A_531 = arith.constant 1 : i32
      %dma_wait3A_532 = arith.constant 1 : i32
      %dma_wait3A_533 = arith.constant 256 : i32
      %dma_wait3A_534 = arith.constant 0 : i32
      %dma_wait3A_535 = tpu.memref_slice %arg16[%dma_wait3A_532, %dma_wait3A_533, %dma_wait3A_534] : memref<4x1024x8xf32, #tpu.memory_space<vmem>> -> memref<1x128x8xf32, #tpu.memory_space<vmem>>
      %dma_wait3A_536 = tpu.memref_squeeze %dma_wait3A_535 : memref<1x128x8xf32, #tpu.memory_space<vmem>> -> memref<128x8xf32, #tpu.memory_space<vmem>>
      %dma_wait3A_537 = arith.constant 256 : i32
      %dma_wait3A_538 = tpu.memref_slice %arg14[%dma_wait3A_531, %dma_wait3A_537] : memref<4x1024xi32, #tpu.memory_space<vmem>> -> memref<1x128xi32, #tpu.memory_space<vmem>>
      %dma_wait3A_539 = tpu.memref_squeeze %dma_wait3A_538 : memref<1x128xi32, #tpu.memory_space<vmem>> -> memref<128xi32, #tpu.memory_space<vmem>>
      %dma_wait3A_540 = arith.constant 0 : i32
      %dma_wait3A_541 = arith.constant 0 : i32
      %dma_wait3A_542 = tpu.memref_slice %arg2[%dma_wait3A_540, %dma_wait3A_541] : memref<1048584x8xf32, #tpu.memory_space<hbm>> -> memref<1048584x8xf32, #tpu.memory_space<hbm>>
      tpu.wait_indirect_dma semaphore(%arg19 : memref<!tpu.dma_semaphore, #tpu.memory_space<semaphore_mem>>) src(%dma_wait3A_542 : memref<1048584x8xf32, #tpu.memory_space<hbm>>) dst(%dma_wait3A_536 : memref<128x8xf32, #tpu.memory_space<vmem>>)
      %dma_wait3A_543 = arith.constant 1 : i32
      %dma_wait3A_544 = arith.constant 1 : i32
      %dma_wait3A_545 = arith.constant 384 : i32
      %dma_wait3A_546 = arith.constant 0 : i32
      %dma_wait3A_547 = tpu.memref_slice %arg16[%dma_wait3A_544, %dma_wait3A_545, %dma_wait3A_546] : memref<4x1024x8xf32, #tpu.memory_space<vmem>> -> memref<1x128x8xf32, #tpu.memory_space<vmem>>
      %dma_wait3A_548 = tpu.memref_squeeze %dma_wait3A_547 : memref<1x128x8xf32, #tpu.memory_space<vmem>> -> memref<128x8xf32, #tpu.memory_space<vmem>>
      %dma_wait3A_549 = arith.constant 384 : i32
      %dma_wait3A_550 = tpu.memref_slice %arg14[%dma_wait3A_543, %dma_wait3A_549] : memref<4x1024xi32, #tpu.memory_space<vmem>> -> memref<1x128xi32, #tpu.memory_space<vmem>>
      %dma_wait3A_551 = tpu.memref_squeeze %dma_wait3A_550 : memref<1x128xi32, #tpu.memory_space<vmem>> -> memref<128xi32, #tpu.memory_space<vmem>>
      %dma_wait3A_552 = arith.constant 0 : i32
      %dma_wait3A_553 = arith.constant 0 : i32
      %dma_wait3A_554 = tpu.memref_slice %arg2[%dma_wait3A_552, %dma_wait3A_553] : memref<1048584x8xf32, #tpu.memory_space<hbm>> -> memref<1048584x8xf32, #tpu.memory_space<hbm>>
      tpu.wait_indirect_dma semaphore(%arg19 : memref<!tpu.dma_semaphore, #tpu.memory_space<semaphore_mem>>) src(%dma_wait3A_554 : memref<1048584x8xf32, #tpu.memory_space<hbm>>) dst(%dma_wait3A_548 : memref<128x8xf32, #tpu.memory_space<vmem>>)
      %dma_wait3A_555 = arith.constant 1 : i32
      %dma_wait3A_556 = arith.constant 1 : i32
      %dma_wait3A_557 = arith.constant 512 : i32
      %dma_wait3A_558 = arith.constant 0 : i32
      %dma_wait3A_559 = tpu.memref_slice %arg16[%dma_wait3A_556, %dma_wait3A_557, %dma_wait3A_558] : memref<4x1024x8xf32, #tpu.memory_space<vmem>> -> memref<1x128x8xf32, #tpu.memory_space<vmem>>
      %dma_wait3A_560 = tpu.memref_squeeze %dma_wait3A_559 : memref<1x128x8xf32, #tpu.memory_space<vmem>> -> memref<128x8xf32, #tpu.memory_space<vmem>>
      %dma_wait3A_561 = arith.constant 512 : i32
      %dma_wait3A_562 = tpu.memref_slice %arg14[%dma_wait3A_555, %dma_wait3A_561] : memref<4x1024xi32, #tpu.memory_space<vmem>> -> memref<1x128xi32, #tpu.memory_space<vmem>>
      %dma_wait3A_563 = tpu.memref_squeeze %dma_wait3A_562 : memref<1x128xi32, #tpu.memory_space<vmem>> -> memref<128xi32, #tpu.memory_space<vmem>>
      %dma_wait3A_564 = arith.constant 0 : i32
      %dma_wait3A_565 = arith.constant 0 : i32
      %dma_wait3A_566 = tpu.memref_slice %arg2[%dma_wait3A_564, %dma_wait3A_565] : memref<1048584x8xf32, #tpu.memory_space<hbm>> -> memref<1048584x8xf32, #tpu.memory_space<hbm>>
      tpu.wait_indirect_dma semaphore(%arg19 : memref<!tpu.dma_semaphore, #tpu.memory_space<semaphore_mem>>) src(%dma_wait3A_566 : memref<1048584x8xf32, #tpu.memory_space<hbm>>) dst(%dma_wait3A_560 : memref<128x8xf32, #tpu.memory_space<vmem>>)
      %dma_wait3A_567 = arith.constant 1 : i32
      %dma_wait3A_568 = arith.constant 1 : i32
      %dma_wait3A_569 = arith.constant 640 : i32
      %dma_wait3A_570 = arith.constant 0 : i32
      %dma_wait3A_571 = tpu.memref_slice %arg16[%dma_wait3A_568, %dma_wait3A_569, %dma_wait3A_570] : memref<4x1024x8xf32, #tpu.memory_space<vmem>> -> memref<1x128x8xf32, #tpu.memory_space<vmem>>
      %dma_wait3A_572 = tpu.memref_squeeze %dma_wait3A_571 : memref<1x128x8xf32, #tpu.memory_space<vmem>> -> memref<128x8xf32, #tpu.memory_space<vmem>>
      %dma_wait3A_573 = arith.constant 640 : i32
      %dma_wait3A_574 = tpu.memref_slice %arg14[%dma_wait3A_567, %dma_wait3A_573] : memref<4x1024xi32, #tpu.memory_space<vmem>> -> memref<1x128xi32, #tpu.memory_space<vmem>>
      %dma_wait3A_575 = tpu.memref_squeeze %dma_wait3A_574 : memref<1x128xi32, #tpu.memory_space<vmem>> -> memref<128xi32, #tpu.memory_space<vmem>>
      %dma_wait3A_576 = arith.constant 0 : i32
      %dma_wait3A_577 = arith.constant 0 : i32
      %dma_wait3A_578 = tpu.memref_slice %arg2[%dma_wait3A_576, %dma_wait3A_577] : memref<1048584x8xf32, #tpu.memory_space<hbm>> -> memref<1048584x8xf32, #tpu.memory_space<hbm>>
      tpu.wait_indirect_dma semaphore(%arg19 : memref<!tpu.dma_semaphore, #tpu.memory_space<semaphore_mem>>) src(%dma_wait3A_578 : memref<1048584x8xf32, #tpu.memory_space<hbm>>) dst(%dma_wait3A_572 : memref<128x8xf32, #tpu.memory_space<vmem>>)
      %dma_wait3A_579 = arith.constant 1 : i32
      %dma_wait3A_580 = arith.constant 1 : i32
      %dma_wait3A_581 = arith.constant 768 : i32
      %dma_wait3A_582 = arith.constant 0 : i32
      %dma_wait3A_583 = tpu.memref_slice %arg16[%dma_wait3A_580, %dma_wait3A_581, %dma_wait3A_582] : memref<4x1024x8xf32, #tpu.memory_space<vmem>> -> memref<1x128x8xf32, #tpu.memory_space<vmem>>
      %dma_wait3A_584 = tpu.memref_squeeze %dma_wait3A_583 : memref<1x128x8xf32, #tpu.memory_space<vmem>> -> memref<128x8xf32, #tpu.memory_space<vmem>>
      %dma_wait3A_585 = arith.constant 768 : i32
      %dma_wait3A_586 = tpu.memref_slice %arg14[%dma_wait3A_579, %dma_wait3A_585] : memref<4x1024xi32, #tpu.memory_space<vmem>> -> memref<1x128xi32, #tpu.memory_space<vmem>>
      %dma_wait3A_587 = tpu.memref_squeeze %dma_wait3A_586 : memref<1x128xi32, #tpu.memory_space<vmem>> -> memref<128xi32, #tpu.memory_space<vmem>>
      %dma_wait3A_588 = arith.constant 0 : i32
      %dma_wait3A_589 = arith.constant 0 : i32
      %dma_wait3A_590 = tpu.memref_slice %arg2[%dma_wait3A_588, %dma_wait3A_589] : memref<1048584x8xf32, #tpu.memory_space<hbm>> -> memref<1048584x8xf32, #tpu.memory_space<hbm>>
      tpu.wait_indirect_dma semaphore(%arg19 : memref<!tpu.dma_semaphore, #tpu.memory_space<semaphore_mem>>) src(%dma_wait3A_590 : memref<1048584x8xf32, #tpu.memory_space<hbm>>) dst(%dma_wait3A_584 : memref<128x8xf32, #tpu.memory_space<vmem>>)
      %dma_wait3A_591 = arith.constant 1 : i32
      %dma_wait3A_592 = arith.constant 1 : i32
      %dma_wait3A_593 = arith.constant 896 : i32
      %dma_wait3A_594 = arith.constant 0 : i32
      %dma_wait3A_595 = tpu.memref_slice %arg16[%dma_wait3A_592, %dma_wait3A_593, %dma_wait3A_594] : memref<4x1024x8xf32, #tpu.memory_space<vmem>> -> memref<1x128x8xf32, #tpu.memory_space<vmem>>
      %dma_wait3A_596 = tpu.memref_squeeze %dma_wait3A_595 : memref<1x128x8xf32, #tpu.memory_space<vmem>> -> memref<128x8xf32, #tpu.memory_space<vmem>>
      %dma_wait3A_597 = arith.constant 896 : i32
      %dma_wait3A_598 = tpu.memref_slice %arg14[%dma_wait3A_591, %dma_wait3A_597] : memref<4x1024xi32, #tpu.memory_space<vmem>> -> memref<1x128xi32, #tpu.memory_space<vmem>>
      %dma_wait3A_599 = tpu.memref_squeeze %dma_wait3A_598 : memref<1x128xi32, #tpu.memory_space<vmem>> -> memref<128xi32, #tpu.memory_space<vmem>>
      %dma_wait3A_600 = arith.constant 0 : i32
      %dma_wait3A_601 = arith.constant 0 : i32
      %dma_wait3A_602 = tpu.memref_slice %arg2[%dma_wait3A_600, %dma_wait3A_601] : memref<1048584x8xf32, #tpu.memory_space<hbm>> -> memref<1048584x8xf32, #tpu.memory_space<hbm>>
      tpu.wait_indirect_dma semaphore(%arg19 : memref<!tpu.dma_semaphore, #tpu.memory_space<semaphore_mem>>) src(%dma_wait3A_602 : memref<1048584x8xf32, #tpu.memory_space<hbm>>) dst(%dma_wait3A_596 : memref<128x8xf32, #tpu.memory_space<vmem>>)
      %dma_wait3A_603 = arith.constant 2 : i32
      %dma_wait3A_604 = arith.constant 2 : i32
      %dma_wait3A_605 = arith.constant 0 : i32
      %dma_wait3A_606 = arith.constant 0 : i32
      %dma_wait3A_607 = tpu.memref_slice %arg16[%dma_wait3A_604, %dma_wait3A_605, %dma_wait3A_606] : memref<4x1024x8xf32, #tpu.memory_space<vmem>> -> memref<1x128x8xf32, #tpu.memory_space<vmem>>
      %dma_wait3A_608 = tpu.memref_squeeze %dma_wait3A_607 : memref<1x128x8xf32, #tpu.memory_space<vmem>> -> memref<128x8xf32, #tpu.memory_space<vmem>>
      %dma_wait3A_609 = arith.constant 0 : i32
      %dma_wait3A_610 = tpu.memref_slice %arg14[%dma_wait3A_603, %dma_wait3A_609] : memref<4x1024xi32, #tpu.memory_space<vmem>> -> memref<1x128xi32, #tpu.memory_space<vmem>>
      %dma_wait3A_611 = tpu.memref_squeeze %dma_wait3A_610 : memref<1x128xi32, #tpu.memory_space<vmem>> -> memref<128xi32, #tpu.memory_space<vmem>>
      %dma_wait3A_612 = arith.constant 0 : i32
      %dma_wait3A_613 = arith.constant 0 : i32
      %dma_wait3A_614 = tpu.memref_slice %arg2[%dma_wait3A_612, %dma_wait3A_613] : memref<1048584x8xf32, #tpu.memory_space<hbm>> -> memref<1048584x8xf32, #tpu.memory_space<hbm>>
      tpu.wait_indirect_dma semaphore(%arg19 : memref<!tpu.dma_semaphore, #tpu.memory_space<semaphore_mem>>) src(%dma_wait3A_614 : memref<1048584x8xf32, #tpu.memory_space<hbm>>) dst(%dma_wait3A_608 : memref<128x8xf32, #tpu.memory_space<vmem>>)
      %dma_wait3A_615 = arith.constant 2 : i32
      %dma_wait3A_616 = arith.constant 2 : i32
      %dma_wait3A_617 = arith.constant 128 : i32
      %dma_wait3A_618 = arith.constant 0 : i32
      %dma_wait3A_619 = tpu.memref_slice %arg16[%dma_wait3A_616, %dma_wait3A_617, %dma_wait3A_618] : memref<4x1024x8xf32, #tpu.memory_space<vmem>> -> memref<1x128x8xf32, #tpu.memory_space<vmem>>
      %dma_wait3A_620 = tpu.memref_squeeze %dma_wait3A_619 : memref<1x128x8xf32, #tpu.memory_space<vmem>> -> memref<128x8xf32, #tpu.memory_space<vmem>>
      %dma_wait3A_621 = arith.constant 128 : i32
      %dma_wait3A_622 = tpu.memref_slice %arg14[%dma_wait3A_615, %dma_wait3A_621] : memref<4x1024xi32, #tpu.memory_space<vmem>> -> memref<1x128xi32, #tpu.memory_space<vmem>>
      %dma_wait3A_623 = tpu.memref_squeeze %dma_wait3A_622 : memref<1x128xi32, #tpu.memory_space<vmem>> -> memref<128xi32, #tpu.memory_space<vmem>>
      %dma_wait3A_624 = arith.constant 0 : i32
      %dma_wait3A_625 = arith.constant 0 : i32
      %dma_wait3A_626 = tpu.memref_slice %arg2[%dma_wait3A_624, %dma_wait3A_625] : memref<1048584x8xf32, #tpu.memory_space<hbm>> -> memref<1048584x8xf32, #tpu.memory_space<hbm>>
      tpu.wait_indirect_dma semaphore(%arg19 : memref<!tpu.dma_semaphore, #tpu.memory_space<semaphore_mem>>) src(%dma_wait3A_626 : memref<1048584x8xf32, #tpu.memory_space<hbm>>) dst(%dma_wait3A_620 : memref<128x8xf32, #tpu.memory_space<vmem>>)
      %dma_wait3A_627 = arith.constant 2 : i32
      %dma_wait3A_628 = arith.constant 2 : i32
      %dma_wait3A_629 = arith.constant 256 : i32
      %dma_wait3A_630 = arith.constant 0 : i32
      %dma_wait3A_631 = tpu.memref_slice %arg16[%dma_wait3A_628, %dma_wait3A_629, %dma_wait3A_630] : memref<4x1024x8xf32, #tpu.memory_space<vmem>> -> memref<1x128x8xf32, #tpu.memory_space<vmem>>
      %dma_wait3A_632 = tpu.memref_squeeze %dma_wait3A_631 : memref<1x128x8xf32, #tpu.memory_space<vmem>> -> memref<128x8xf32, #tpu.memory_space<vmem>>
      %dma_wait3A_633 = arith.constant 256 : i32
      %dma_wait3A_634 = tpu.memref_slice %arg14[%dma_wait3A_627, %dma_wait3A_633] : memref<4x1024xi32, #tpu.memory_space<vmem>> -> memref<1x128xi32, #tpu.memory_space<vmem>>
      %dma_wait3A_635 = tpu.memref_squeeze %dma_wait3A_634 : memref<1x128xi32, #tpu.memory_space<vmem>> -> memref<128xi32, #tpu.memory_space<vmem>>
      %dma_wait3A_636 = arith.constant 0 : i32
      %dma_wait3A_637 = arith.constant 0 : i32
      %dma_wait3A_638 = tpu.memref_slice %arg2[%dma_wait3A_636, %dma_wait3A_637] : memref<1048584x8xf32, #tpu.memory_space<hbm>> -> memref<1048584x8xf32, #tpu.memory_space<hbm>>
      tpu.wait_indirect_dma semaphore(%arg19 : memref<!tpu.dma_semaphore, #tpu.memory_space<semaphore_mem>>) src(%dma_wait3A_638 : memref<1048584x8xf32, #tpu.memory_space<hbm>>) dst(%dma_wait3A_632 : memref<128x8xf32, #tpu.memory_space<vmem>>)
      %dma_wait3A_639 = arith.constant 2 : i32
      %dma_wait3A_640 = arith.constant 2 : i32
      %dma_wait3A_641 = arith.constant 384 : i32
      %dma_wait3A_642 = arith.constant 0 : i32
      %dma_wait3A_643 = tpu.memref_slice %arg16[%dma_wait3A_640, %dma_wait3A_641, %dma_wait3A_642] : memref<4x1024x8xf32, #tpu.memory_space<vmem>> -> memref<1x128x8xf32, #tpu.memory_space<vmem>>
      %dma_wait3A_644 = tpu.memref_squeeze %dma_wait3A_643 : memref<1x128x8xf32, #tpu.memory_space<vmem>> -> memref<128x8xf32, #tpu.memory_space<vmem>>
      %dma_wait3A_645 = arith.constant 384 : i32
      %dma_wait3A_646 = tpu.memref_slice %arg14[%dma_wait3A_639, %dma_wait3A_645] : memref<4x1024xi32, #tpu.memory_space<vmem>> -> memref<1x128xi32, #tpu.memory_space<vmem>>
      %dma_wait3A_647 = tpu.memref_squeeze %dma_wait3A_646 : memref<1x128xi32, #tpu.memory_space<vmem>> -> memref<128xi32, #tpu.memory_space<vmem>>
      %dma_wait3A_648 = arith.constant 0 : i32
      %dma_wait3A_649 = arith.constant 0 : i32
      %dma_wait3A_650 = tpu.memref_slice %arg2[%dma_wait3A_648, %dma_wait3A_649] : memref<1048584x8xf32, #tpu.memory_space<hbm>> -> memref<1048584x8xf32, #tpu.memory_space<hbm>>
      tpu.wait_indirect_dma semaphore(%arg19 : memref<!tpu.dma_semaphore, #tpu.memory_space<semaphore_mem>>) src(%dma_wait3A_650 : memref<1048584x8xf32, #tpu.memory_space<hbm>>) dst(%dma_wait3A_644 : memref<128x8xf32, #tpu.memory_space<vmem>>)
      %dma_wait3A_651 = arith.constant 2 : i32
      %dma_wait3A_652 = arith.constant 2 : i32
      %dma_wait3A_653 = arith.constant 512 : i32
      %dma_wait3A_654 = arith.constant 0 : i32
      %dma_wait3A_655 = tpu.memref_slice %arg16[%dma_wait3A_652, %dma_wait3A_653, %dma_wait3A_654] : memref<4x1024x8xf32, #tpu.memory_space<vmem>> -> memref<1x128x8xf32, #tpu.memory_space<vmem>>
      %dma_wait3A_656 = tpu.memref_squeeze %dma_wait3A_655 : memref<1x128x8xf32, #tpu.memory_space<vmem>> -> memref<128x8xf32, #tpu.memory_space<vmem>>
      %dma_wait3A_657 = arith.constant 512 : i32
      %dma_wait3A_658 = tpu.memref_slice %arg14[%dma_wait3A_651, %dma_wait3A_657] : memref<4x1024xi32, #tpu.memory_space<vmem>> -> memref<1x128xi32, #tpu.memory_space<vmem>>
      %dma_wait3A_659 = tpu.memref_squeeze %dma_wait3A_658 : memref<1x128xi32, #tpu.memory_space<vmem>> -> memref<128xi32, #tpu.memory_space<vmem>>
      %dma_wait3A_660 = arith.constant 0 : i32
      %dma_wait3A_661 = arith.constant 0 : i32
      %dma_wait3A_662 = tpu.memref_slice %arg2[%dma_wait3A_660, %dma_wait3A_661] : memref<1048584x8xf32, #tpu.memory_space<hbm>> -> memref<1048584x8xf32, #tpu.memory_space<hbm>>
      tpu.wait_indirect_dma semaphore(%arg19 : memref<!tpu.dma_semaphore, #tpu.memory_space<semaphore_mem>>) src(%dma_wait3A_662 : memref<1048584x8xf32, #tpu.memory_space<hbm>>) dst(%dma_wait3A_656 : memref<128x8xf32, #tpu.memory_space<vmem>>)
      %dma_wait3A_663 = arith.constant 2 : i32
      %dma_wait3A_664 = arith.constant 2 : i32
      %dma_wait3A_665 = arith.constant 640 : i32
      %dma_wait3A_666 = arith.constant 0 : i32
      %dma_wait3A_667 = tpu.memref_slice %arg16[%dma_wait3A_664, %dma_wait3A_665, %dma_wait3A_666] : memref<4x1024x8xf32, #tpu.memory_space<vmem>> -> memref<1x128x8xf32, #tpu.memory_space<vmem>>
      %dma_wait3A_668 = tpu.memref_squeeze %dma_wait3A_667 : memref<1x128x8xf32, #tpu.memory_space<vmem>> -> memref<128x8xf32, #tpu.memory_space<vmem>>
      %dma_wait3A_669 = arith.constant 640 : i32
      %dma_wait3A_670 = tpu.memref_slice %arg14[%dma_wait3A_663, %dma_wait3A_669] : memref<4x1024xi32, #tpu.memory_space<vmem>> -> memref<1x128xi32, #tpu.memory_space<vmem>>
      %dma_wait3A_671 = tpu.memref_squeeze %dma_wait3A_670 : memref<1x128xi32, #tpu.memory_space<vmem>> -> memref<128xi32, #tpu.memory_space<vmem>>
      %dma_wait3A_672 = arith.constant 0 : i32
      %dma_wait3A_673 = arith.constant 0 : i32
      %dma_wait3A_674 = tpu.memref_slice %arg2[%dma_wait3A_672, %dma_wait3A_673] : memref<1048584x8xf32, #tpu.memory_space<hbm>> -> memref<1048584x8xf32, #tpu.memory_space<hbm>>
      tpu.wait_indirect_dma semaphore(%arg19 : memref<!tpu.dma_semaphore, #tpu.memory_space<semaphore_mem>>) src(%dma_wait3A_674 : memref<1048584x8xf32, #tpu.memory_space<hbm>>) dst(%dma_wait3A_668 : memref<128x8xf32, #tpu.memory_space<vmem>>)
      %dma_wait3A_675 = arith.constant 2 : i32
      %dma_wait3A_676 = arith.constant 2 : i32
      %dma_wait3A_677 = arith.constant 768 : i32
      %dma_wait3A_678 = arith.constant 0 : i32
      %dma_wait3A_679 = tpu.memref_slice %arg16[%dma_wait3A_676, %dma_wait3A_677, %dma_wait3A_678] : memref<4x1024x8xf32, #tpu.memory_space<vmem>> -> memref<1x128x8xf32, #tpu.memory_space<vmem>>
      %dma_wait3A_680 = tpu.memref_squeeze %dma_wait3A_679 : memref<1x128x8xf32, #tpu.memory_space<vmem>> -> memref<128x8xf32, #tpu.memory_space<vmem>>
      %dma_wait3A_681 = arith.constant 768 : i32
      %dma_wait3A_682 = tpu.memref_slice %arg14[%dma_wait3A_675, %dma_wait3A_681] : memref<4x1024xi32, #tpu.memory_space<vmem>> -> memref<1x128xi32, #tpu.memory_space<vmem>>
      %dma_wait3A_683 = tpu.memref_squeeze %dma_wait3A_682 : memref<1x128xi32, #tpu.memory_space<vmem>> -> memref<128xi32, #tpu.memory_space<vmem>>
      %dma_wait3A_684 = arith.constant 0 : i32
      %dma_wait3A_685 = arith.constant 0 : i32
      %dma_wait3A_686 = tpu.memref_slice %arg2[%dma_wait3A_684, %dma_wait3A_685] : memref<1048584x8xf32, #tpu.memory_space<hbm>> -> memref<1048584x8xf32, #tpu.memory_space<hbm>>
      tpu.wait_indirect_dma semaphore(%arg19 : memref<!tpu.dma_semaphore, #tpu.memory_space<semaphore_mem>>) src(%dma_wait3A_686 : memref<1048584x8xf32, #tpu.memory_space<hbm>>) dst(%dma_wait3A_680 : memref<128x8xf32, #tpu.memory_space<vmem>>)
      %dma_wait3A_687 = arith.constant 2 : i32
      %dma_wait3A_688 = arith.constant 2 : i32
      %dma_wait3A_689 = arith.constant 896 : i32
      %dma_wait3A_690 = arith.constant 0 : i32
      %dma_wait3A_691 = tpu.memref_slice %arg16[%dma_wait3A_688, %dma_wait3A_689, %dma_wait3A_690] : memref<4x1024x8xf32, #tpu.memory_space<vmem>> -> memref<1x128x8xf32, #tpu.memory_space<vmem>>
      %dma_wait3A_692 = tpu.memref_squeeze %dma_wait3A_691 : memref<1x128x8xf32, #tpu.memory_space<vmem>> -> memref<128x8xf32, #tpu.memory_space<vmem>>
      %dma_wait3A_693 = arith.constant 896 : i32
      %dma_wait3A_694 = tpu.memref_slice %arg14[%dma_wait3A_687, %dma_wait3A_693] : memref<4x1024xi32, #tpu.memory_space<vmem>> -> memref<1x128xi32, #tpu.memory_space<vmem>>
      %dma_wait3A_695 = tpu.memref_squeeze %dma_wait3A_694 : memref<1x128xi32, #tpu.memory_space<vmem>> -> memref<128xi32, #tpu.memory_space<vmem>>
      %dma_wait3A_696 = arith.constant 0 : i32
      %dma_wait3A_697 = arith.constant 0 : i32
      %dma_wait3A_698 = tpu.memref_slice %arg2[%dma_wait3A_696, %dma_wait3A_697] : memref<1048584x8xf32, #tpu.memory_space<hbm>> -> memref<1048584x8xf32, #tpu.memory_space<hbm>>
      tpu.wait_indirect_dma semaphore(%arg19 : memref<!tpu.dma_semaphore, #tpu.memory_space<semaphore_mem>>) src(%dma_wait3A_698 : memref<1048584x8xf32, #tpu.memory_space<hbm>>) dst(%dma_wait3A_692 : memref<128x8xf32, #tpu.memory_space<vmem>>)
      %dma_wait3A_699 = arith.constant 3 : i32
      %dma_wait3A_700 = arith.constant 3 : i32
      %dma_wait3A_701 = arith.constant 0 : i32
      %dma_wait3A_702 = arith.constant 0 : i32
      %dma_wait3A_703 = tpu.memref_slice %arg16[%dma_wait3A_700, %dma_wait3A_701, %dma_wait3A_702] : memref<4x1024x8xf32, #tpu.memory_space<vmem>> -> memref<1x128x8xf32, #tpu.memory_space<vmem>>
      %dma_wait3A_704 = tpu.memref_squeeze %dma_wait3A_703 : memref<1x128x8xf32, #tpu.memory_space<vmem>> -> memref<128x8xf32, #tpu.memory_space<vmem>>
      %dma_wait3A_705 = arith.constant 0 : i32
      %dma_wait3A_706 = tpu.memref_slice %arg14[%dma_wait3A_699, %dma_wait3A_705] : memref<4x1024xi32, #tpu.memory_space<vmem>> -> memref<1x128xi32, #tpu.memory_space<vmem>>
      %dma_wait3A_707 = tpu.memref_squeeze %dma_wait3A_706 : memref<1x128xi32, #tpu.memory_space<vmem>> -> memref<128xi32, #tpu.memory_space<vmem>>
      %dma_wait3A_708 = arith.constant 0 : i32
      %dma_wait3A_709 = arith.constant 0 : i32
      %dma_wait3A_710 = tpu.memref_slice %arg2[%dma_wait3A_708, %dma_wait3A_709] : memref<1048584x8xf32, #tpu.memory_space<hbm>> -> memref<1048584x8xf32, #tpu.memory_space<hbm>>
      tpu.wait_indirect_dma semaphore(%arg19 : memref<!tpu.dma_semaphore, #tpu.memory_space<semaphore_mem>>) src(%dma_wait3A_710 : memref<1048584x8xf32, #tpu.memory_space<hbm>>) dst(%dma_wait3A_704 : memref<128x8xf32, #tpu.memory_space<vmem>>)
      %dma_wait3A_711 = arith.constant 3 : i32
      %dma_wait3A_712 = arith.constant 3 : i32
      %dma_wait3A_713 = arith.constant 128 : i32
      %dma_wait3A_714 = arith.constant 0 : i32
      %dma_wait3A_715 = tpu.memref_slice %arg16[%dma_wait3A_712, %dma_wait3A_713, %dma_wait3A_714] : memref<4x1024x8xf32, #tpu.memory_space<vmem>> -> memref<1x128x8xf32, #tpu.memory_space<vmem>>
      %dma_wait3A_716 = tpu.memref_squeeze %dma_wait3A_715 : memref<1x128x8xf32, #tpu.memory_space<vmem>> -> memref<128x8xf32, #tpu.memory_space<vmem>>
      %dma_wait3A_717 = arith.constant 128 : i32
      %dma_wait3A_718 = tpu.memref_slice %arg14[%dma_wait3A_711, %dma_wait3A_717] : memref<4x1024xi32, #tpu.memory_space<vmem>> -> memref<1x128xi32, #tpu.memory_space<vmem>>
      %dma_wait3A_719 = tpu.memref_squeeze %dma_wait3A_718 : memref<1x128xi32, #tpu.memory_space<vmem>> -> memref<128xi32, #tpu.memory_space<vmem>>
      %dma_wait3A_720 = arith.constant 0 : i32
      %dma_wait3A_721 = arith.constant 0 : i32
      %dma_wait3A_722 = tpu.memref_slice %arg2[%dma_wait3A_720, %dma_wait3A_721] : memref<1048584x8xf32, #tpu.memory_space<hbm>> -> memref<1048584x8xf32, #tpu.memory_space<hbm>>
      tpu.wait_indirect_dma semaphore(%arg19 : memref<!tpu.dma_semaphore, #tpu.memory_space<semaphore_mem>>) src(%dma_wait3A_722 : memref<1048584x8xf32, #tpu.memory_space<hbm>>) dst(%dma_wait3A_716 : memref<128x8xf32, #tpu.memory_space<vmem>>)
      %dma_wait3A_723 = arith.constant 3 : i32
      %dma_wait3A_724 = arith.constant 3 : i32
      %dma_wait3A_725 = arith.constant 256 : i32
      %dma_wait3A_726 = arith.constant 0 : i32
      %dma_wait3A_727 = tpu.memref_slice %arg16[%dma_wait3A_724, %dma_wait3A_725, %dma_wait3A_726] : memref<4x1024x8xf32, #tpu.memory_space<vmem>> -> memref<1x128x8xf32, #tpu.memory_space<vmem>>
      %dma_wait3A_728 = tpu.memref_squeeze %dma_wait3A_727 : memref<1x128x8xf32, #tpu.memory_space<vmem>> -> memref<128x8xf32, #tpu.memory_space<vmem>>
      %dma_wait3A_729 = arith.constant 256 : i32
      %dma_wait3A_730 = tpu.memref_slice %arg14[%dma_wait3A_723, %dma_wait3A_729] : memref<4x1024xi32, #tpu.memory_space<vmem>> -> memref<1x128xi32, #tpu.memory_space<vmem>>
      %dma_wait3A_731 = tpu.memref_squeeze %dma_wait3A_730 : memref<1x128xi32, #tpu.memory_space<vmem>> -> memref<128xi32, #tpu.memory_space<vmem>>
      %dma_wait3A_732 = arith.constant 0 : i32
      %dma_wait3A_733 = arith.constant 0 : i32
      %dma_wait3A_734 = tpu.memref_slice %arg2[%dma_wait3A_732, %dma_wait3A_733] : memref<1048584x8xf32, #tpu.memory_space<hbm>> -> memref<1048584x8xf32, #tpu.memory_space<hbm>>
      tpu.wait_indirect_dma semaphore(%arg19 : memref<!tpu.dma_semaphore, #tpu.memory_space<semaphore_mem>>) src(%dma_wait3A_734 : memref<1048584x8xf32, #tpu.memory_space<hbm>>) dst(%dma_wait3A_728 : memref<128x8xf32, #tpu.memory_space<vmem>>)
      %dma_wait3A_735 = arith.constant 3 : i32
      %dma_wait3A_736 = arith.constant 3 : i32
      %dma_wait3A_737 = arith.constant 384 : i32
      %dma_wait3A_738 = arith.constant 0 : i32
      %dma_wait3A_739 = tpu.memref_slice %arg16[%dma_wait3A_736, %dma_wait3A_737, %dma_wait3A_738] : memref<4x1024x8xf32, #tpu.memory_space<vmem>> -> memref<1x128x8xf32, #tpu.memory_space<vmem>>
      %dma_wait3A_740 = tpu.memref_squeeze %dma_wait3A_739 : memref<1x128x8xf32, #tpu.memory_space<vmem>> -> memref<128x8xf32, #tpu.memory_space<vmem>>
      %dma_wait3A_741 = arith.constant 384 : i32
      %dma_wait3A_742 = tpu.memref_slice %arg14[%dma_wait3A_735, %dma_wait3A_741] : memref<4x1024xi32, #tpu.memory_space<vmem>> -> memref<1x128xi32, #tpu.memory_space<vmem>>
      %dma_wait3A_743 = tpu.memref_squeeze %dma_wait3A_742 : memref<1x128xi32, #tpu.memory_space<vmem>> -> memref<128xi32, #tpu.memory_space<vmem>>
      %dma_wait3A_744 = arith.constant 0 : i32
      %dma_wait3A_745 = arith.constant 0 : i32
      %dma_wait3A_746 = tpu.memref_slice %arg2[%dma_wait3A_744, %dma_wait3A_745] : memref<1048584x8xf32, #tpu.memory_space<hbm>> -> memref<1048584x8xf32, #tpu.memory_space<hbm>>
      tpu.wait_indirect_dma semaphore(%arg19 : memref<!tpu.dma_semaphore, #tpu.memory_space<semaphore_mem>>) src(%dma_wait3A_746 : memref<1048584x8xf32, #tpu.memory_space<hbm>>) dst(%dma_wait3A_740 : memref<128x8xf32, #tpu.memory_space<vmem>>)
      %dma_wait3A_747 = arith.constant 3 : i32
      %dma_wait3A_748 = arith.constant 3 : i32
      %dma_wait3A_749 = arith.constant 512 : i32
      %dma_wait3A_750 = arith.constant 0 : i32
      %dma_wait3A_751 = tpu.memref_slice %arg16[%dma_wait3A_748, %dma_wait3A_749, %dma_wait3A_750] : memref<4x1024x8xf32, #tpu.memory_space<vmem>> -> memref<1x128x8xf32, #tpu.memory_space<vmem>>
      %dma_wait3A_752 = tpu.memref_squeeze %dma_wait3A_751 : memref<1x128x8xf32, #tpu.memory_space<vmem>> -> memref<128x8xf32, #tpu.memory_space<vmem>>
      %dma_wait3A_753 = arith.constant 512 : i32
      %dma_wait3A_754 = tpu.memref_slice %arg14[%dma_wait3A_747, %dma_wait3A_753] : memref<4x1024xi32, #tpu.memory_space<vmem>> -> memref<1x128xi32, #tpu.memory_space<vmem>>
      %dma_wait3A_755 = tpu.memref_squeeze %dma_wait3A_754 : memref<1x128xi32, #tpu.memory_space<vmem>> -> memref<128xi32, #tpu.memory_space<vmem>>
      %dma_wait3A_756 = arith.constant 0 : i32
      %dma_wait3A_757 = arith.constant 0 : i32
      %dma_wait3A_758 = tpu.memref_slice %arg2[%dma_wait3A_756, %dma_wait3A_757] : memref<1048584x8xf32, #tpu.memory_space<hbm>> -> memref<1048584x8xf32, #tpu.memory_space<hbm>>
      tpu.wait_indirect_dma semaphore(%arg19 : memref<!tpu.dma_semaphore, #tpu.memory_space<semaphore_mem>>) src(%dma_wait3A_758 : memref<1048584x8xf32, #tpu.memory_space<hbm>>) dst(%dma_wait3A_752 : memref<128x8xf32, #tpu.memory_space<vmem>>)
      %dma_wait3A_759 = arith.constant 3 : i32
      %dma_wait3A_760 = arith.constant 3 : i32
      %dma_wait3A_761 = arith.constant 640 : i32
      %dma_wait3A_762 = arith.constant 0 : i32
      %dma_wait3A_763 = tpu.memref_slice %arg16[%dma_wait3A_760, %dma_wait3A_761, %dma_wait3A_762] : memref<4x1024x8xf32, #tpu.memory_space<vmem>> -> memref<1x128x8xf32, #tpu.memory_space<vmem>>
      %dma_wait3A_764 = tpu.memref_squeeze %dma_wait3A_763 : memref<1x128x8xf32, #tpu.memory_space<vmem>> -> memref<128x8xf32, #tpu.memory_space<vmem>>
      %dma_wait3A_765 = arith.constant 640 : i32
      %dma_wait3A_766 = tpu.memref_slice %arg14[%dma_wait3A_759, %dma_wait3A_765] : memref<4x1024xi32, #tpu.memory_space<vmem>> -> memref<1x128xi32, #tpu.memory_space<vmem>>
      %dma_wait3A_767 = tpu.memref_squeeze %dma_wait3A_766 : memref<1x128xi32, #tpu.memory_space<vmem>> -> memref<128xi32, #tpu.memory_space<vmem>>
      %dma_wait3A_768 = arith.constant 0 : i32
      %dma_wait3A_769 = arith.constant 0 : i32
      %dma_wait3A_770 = tpu.memref_slice %arg2[%dma_wait3A_768, %dma_wait3A_769] : memref<1048584x8xf32, #tpu.memory_space<hbm>> -> memref<1048584x8xf32, #tpu.memory_space<hbm>>
      tpu.wait_indirect_dma semaphore(%arg19 : memref<!tpu.dma_semaphore, #tpu.memory_space<semaphore_mem>>) src(%dma_wait3A_770 : memref<1048584x8xf32, #tpu.memory_space<hbm>>) dst(%dma_wait3A_764 : memref<128x8xf32, #tpu.memory_space<vmem>>)
      %dma_wait3A_771 = arith.constant 3 : i32
      %dma_wait3A_772 = arith.constant 3 : i32
      %dma_wait3A_773 = arith.constant 768 : i32
      %dma_wait3A_774 = arith.constant 0 : i32
      %dma_wait3A_775 = tpu.memref_slice %arg16[%dma_wait3A_772, %dma_wait3A_773, %dma_wait3A_774] : memref<4x1024x8xf32, #tpu.memory_space<vmem>> -> memref<1x128x8xf32, #tpu.memory_space<vmem>>
      %dma_wait3A_776 = tpu.memref_squeeze %dma_wait3A_775 : memref<1x128x8xf32, #tpu.memory_space<vmem>> -> memref<128x8xf32, #tpu.memory_space<vmem>>
      %dma_wait3A_777 = arith.constant 768 : i32
      %dma_wait3A_778 = tpu.memref_slice %arg14[%dma_wait3A_771, %dma_wait3A_777] : memref<4x1024xi32, #tpu.memory_space<vmem>> -> memref<1x128xi32, #tpu.memory_space<vmem>>
      %dma_wait3A_779 = tpu.memref_squeeze %dma_wait3A_778 : memref<1x128xi32, #tpu.memory_space<vmem>> -> memref<128xi32, #tpu.memory_space<vmem>>
      %dma_wait3A_780 = arith.constant 0 : i32
      %dma_wait3A_781 = arith.constant 0 : i32
      %dma_wait3A_782 = tpu.memref_slice %arg2[%dma_wait3A_780, %dma_wait3A_781] : memref<1048584x8xf32, #tpu.memory_space<hbm>> -> memref<1048584x8xf32, #tpu.memory_space<hbm>>
      tpu.wait_indirect_dma semaphore(%arg19 : memref<!tpu.dma_semaphore, #tpu.memory_space<semaphore_mem>>) src(%dma_wait3A_782 : memref<1048584x8xf32, #tpu.memory_space<hbm>>) dst(%dma_wait3A_776 : memref<128x8xf32, #tpu.memory_space<vmem>>)
      %dma_wait3A_783 = arith.constant 3 : i32
      %dma_wait3A_784 = arith.constant 3 : i32
      %dma_wait3A_785 = arith.constant 896 : i32
      %dma_wait3A_786 = arith.constant 0 : i32
      %dma_wait3A_787 = tpu.memref_slice %arg16[%dma_wait3A_784, %dma_wait3A_785, %dma_wait3A_786] : memref<4x1024x8xf32, #tpu.memory_space<vmem>> -> memref<1x128x8xf32, #tpu.memory_space<vmem>>
      %dma_wait3A_788 = tpu.memref_squeeze %dma_wait3A_787 : memref<1x128x8xf32, #tpu.memory_space<vmem>> -> memref<128x8xf32, #tpu.memory_space<vmem>>
      %dma_wait3A_789 = arith.constant 896 : i32
      %dma_wait3A_790 = tpu.memref_slice %arg14[%dma_wait3A_783, %dma_wait3A_789] : memref<4x1024xi32, #tpu.memory_space<vmem>> -> memref<1x128xi32, #tpu.memory_space<vmem>>
      %dma_wait3A_791 = tpu.memref_squeeze %dma_wait3A_790 : memref<1x128xi32, #tpu.memory_space<vmem>> -> memref<128xi32, #tpu.memory_space<vmem>>
      %dma_wait3A_792 = arith.constant 0 : i32
      %dma_wait3A_793 = arith.constant 0 : i32
      %dma_wait3A_794 = tpu.memref_slice %arg2[%dma_wait3A_792, %dma_wait3A_793] : memref<1048584x8xf32, #tpu.memory_space<hbm>> -> memref<1048584x8xf32, #tpu.memory_space<hbm>>
      tpu.wait_indirect_dma semaphore(%arg19 : memref<!tpu.dma_semaphore, #tpu.memory_space<semaphore_mem>>) src(%dma_wait3A_794 : memref<1048584x8xf32, #tpu.memory_space<hbm>>) dst(%dma_wait3A_788 : memref<128x8xf32, #tpu.memory_space<vmem>>)
      %scan3A_795 = arith.constant 0 : i32
      %scan3A_796 = arith.constant 0 : i32
      %scan3A_797 = arith.constant 64 : i32
      %scan3A_798 = arith.addi %scan3A_796, %scan3A_797 : i32
      %scan3A_799 = arith.constant 1 : i32
      scf.for %scan3A_809 = %scan3A_796 to %scan3A_798 step %scan3A_799  : i32 {
        %mul3A_810 = arith.constant 16 : i32
        %mul3A_811 = arith.muli %scan3A_809, %mul3A_810 : i32
        %add3A_812 = vector.broadcast %mul3A_811 : i32 to vector<16xi32>
        %add3A_813 = arith.addi %add3A_812, %iota3A : vector<16xi32>
        %get3A = arith.constant 0 : i32
        %get3A_814 = arith.constant 0 : i32
        %get3A_815 = arith.index_cast %get3A : i32 to index
        %get3A_816 = arith.index_cast %get3A_814 : i32 to index
        %get3A_817 = arith.index_cast %mul3A_811 : i32 to index
        %get3A_818 = tpu.vector_load %arg15[%get3A_815, %get3A_816, %get3A_817] {strides = array<i32>} : memref<1x4x1024xf32, #tpu.memory_space<vmem>>, vector<16xf32>,
        %get3A_819 = arith.constant 0 : i32
        %get3A_820 = arith.constant 1 : i32
        %get3A_821 = arith.index_cast %get3A_819 : i32 to index
        %get3A_822 = arith.index_cast %get3A_820 : i32 to index
        %get3A_823 = arith.index_cast %mul3A_811 : i32 to index
        %get3A_824 = tpu.vector_load %arg15[%get3A_821, %get3A_822, %get3A_823] {strides = array<i32>} : memref<1x4x1024xf32, #tpu.memory_space<vmem>>, vector<16xf32>,
        %get3A_825 = arith.constant 0 : i32
        %get3A_826 = arith.constant 2 : i32
        %get3A_827 = arith.index_cast %get3A_825 : i32 to index
        %get3A_828 = arith.index_cast %get3A_826 : i32 to index
        %get3A_829 = arith.index_cast %mul3A_811 : i32 to index
        %get3A_830 = tpu.vector_load %arg15[%get3A_827, %get3A_828, %get3A_829] {strides = array<i32>} : memref<1x4x1024xf32, #tpu.memory_space<vmem>>, vector<16xf32>,
        %get3A_831 = arith.constant 0 : i32
        %get3A_832 = arith.constant 3 : i32
        %get3A_833 = arith.index_cast %get3A_831 : i32 to index
        %get3A_834 = arith.index_cast %get3A_832 : i32 to index
        %get3A_835 = arith.index_cast %mul3A_811 : i32 to index
        %get3A_836 = tpu.vector_load %arg15[%get3A_833, %get3A_834, %get3A_835] {strides = array<i32>} : memref<1x4x1024xf32, #tpu.memory_space<vmem>>, vector<16xf32>,
        %get3A_837 = arith.constant 0 : i32
        %get3A_838 = arith.constant 0 : i32
        %get3A_839 = arith.index_cast %get3A_837 : i32 to index
        %get3A_840 = arith.index_cast %get3A_838 : i32 to index
        %get3A_841 = arith.index_cast %mul3A_811 : i32 to index
        %get3A_842 = tpu.vector_load %arg13[%get3A_839, %get3A_840, %get3A_841] {strides = array<i32>} : memref<1x2x1024xi32, #tpu.memory_space<vmem>>, vector<16xi32>,
        %and3A = arith.constant 1 : i32
        %and3A_843 = vector.broadcast %and3A : i32 to vector<16xi32>
        %and3A_844 = arith.andi %get3A_842, %and3A_843 : vector<16xi32>
        %mul3A_845 = arith.constant 4 : i32
        %mul3A_846 = vector.broadcast %mul3A_845 : i32 to vector<16xi32>
        %mul3A_847 = arith.muli %and3A_844, %mul3A_846 : vector<16xi32>
        %add3A_848 = arith.constant 0 : i32
        %add3A_849 = vector.broadcast %add3A_848 : i32 to vector<16xi32>
        %add3A_850 = arith.addi %mul3A_847, %add3A_849 : vector<16xi32>
        %sub3A = arith.constant 4 : i32
        %sub3A_851 = vector.broadcast %sub3A : i32 to vector<16xi32>
        %sub3A_852 = arith.subi %sub3A_851, %mul3A_847 : vector<16xi32>
        %gather3A = arith.constant 0 : i32
        %gather3A_853 = arith.constant 0 : i32
        %gather3A_854 = arith.constant 0 : i32
        %gather3A_855 = tpu.memref_slice %arg16[%gather3A, %gather3A_853, %gather3A_854] : memref<4x1024x8xf32, #tpu.memory_space<vmem>> -> memref<1x1024x8xf32, #tpu.memory_space<vmem>>
        %gather3A_856 = tpu.memref_squeeze %gather3A_855 : memref<1x1024x8xf32, #tpu.memory_space<vmem>> -> memref<1024x8xf32, #tpu.memory_space<vmem>>
        %gather3A_857 = tpu.vector_load_idx %gather3A_856[%add3A_813, %add3A_850] : memref<1024x8xf32, #tpu.memory_space<vmem>>[vector<16xi32>, vector<16xi32>], vector<16xf32>,
        %mul3A_858 = arith.mulf %get3A_818, %gather3A_857 : vector<16xf32>
        %gather3A_859 = arith.constant 1 : i32
        %gather3A_860 = arith.constant 0 : i32
        %gather3A_861 = arith.constant 0 : i32
        %gather3A_862 = tpu.memref_slice %arg16[%gather3A_859, %gather3A_860, %gather3A_861] : memref<4x1024x8xf32, #tpu.memory_space<vmem>> -> memref<1x1024x8xf32, #tpu.memory_space<vmem>>
        %gather3A_863 = tpu.memref_squeeze %gather3A_862 : memref<1x1024x8xf32, #tpu.memory_space<vmem>> -> memref<1024x8xf32, #tpu.memory_space<vmem>>
        %gather3A_864 = tpu.vector_load_idx %gather3A_863[%add3A_813, %sub3A_852] : memref<1024x8xf32, #tpu.memory_space<vmem>>[vector<16xi32>, vector<16xi32>], vector<16xf32>,
        %mul3A_865 = arith.mulf %get3A_824, %gather3A_864 : vector<16xf32>
        %add3A_866 = arith.addf %mul3A_858, %mul3A_865 : vector<16xf32>
        %gather3A_867 = arith.constant 2 : i32
        %gather3A_868 = arith.constant 0 : i32
        %gather3A_869 = arith.constant 0 : i32
        %gather3A_870 = tpu.memref_slice %arg16[%gather3A_867, %gather3A_868, %gather3A_869] : memref<4x1024x8xf32, #tpu.memory_space<vmem>> -> memref<1x1024x8xf32, #tpu.memory_space<vmem>>
        %gather3A_871 = tpu.memref_squeeze %gather3A_870 : memref<1x1024x8xf32, #tpu.memory_space<vmem>> -> memref<1024x8xf32, #tpu.memory_space<vmem>>
        %gather3A_872 = tpu.vector_load_idx %gather3A_871[%add3A_813, %add3A_850] : memref<1024x8xf32, #tpu.memory_space<vmem>>[vector<16xi32>, vector<16xi32>], vector<16xf32>,
        %mul3A_873 = arith.mulf %get3A_830, %gather3A_872 : vector<16xf32>
        %add3A_874 = arith.addf %add3A_866, %mul3A_873 : vector<16xf32>
        %gather3A_875 = arith.constant 3 : i32
        %gather3A_876 = arith.constant 0 : i32
        %gather3A_877 = arith.constant 0 : i32
        %gather3A_878 = tpu.memref_slice %arg16[%gather3A_875, %gather3A_876, %gather3A_877] : memref<4x1024x8xf32, #tpu.memory_space<vmem>> -> memref<1x1024x8xf32, #tpu.memory_space<vmem>>
        %gather3A_879 = tpu.memref_squeeze %gather3A_878 : memref<1x1024x8xf32, #tpu.memory_space<vmem>> -> memref<1024x8xf32, #tpu.memory_space<vmem>>
        %gather3A_880 = tpu.vector_load_idx %gather3A_879[%add3A_813, %sub3A_852] : memref<1024x8xf32, #tpu.memory_space<vmem>>[vector<16xi32>, vector<16xi32>], vector<16xf32>,
        %mul3A_881 = arith.mulf %get3A_836, %gather3A_880 : vector<16xf32>
        %add3A_882 = arith.addf %add3A_874, %mul3A_881 : vector<16xf32>
        %swap3A = arith.constant 0 : i32
        %swap3A_883 = arith.constant 0 : i32
        %swap3A_884 = arith.index_cast %swap3A : i32 to index
        %swap3A_885 = arith.index_cast %swap3A_883 : i32 to index
        %swap3A_886 = arith.index_cast %mul3A_811 : i32 to index
        %swap3A_887 = tpu.vector_load %arg17[%swap3A_884, %swap3A_885, %swap3A_886] {strides = array<i32>} : memref<1x4x1024xf32, #tpu.memory_space<vmem>>, vector<16xf32>,
        tpu.vector_store %arg17[%swap3A_884, %swap3A_885, %swap3A_886], %add3A_882 {strides = array<i32>} : memref<1x4x1024xf32, #tpu.memory_space<vmem>>, vector<16xf32>,
        %add3A_888 = arith.constant 1 : i32
        %add3A_889 = vector.broadcast %add3A_888 : i32 to vector<16xi32>
        %add3A_890 = arith.addi %mul3A_847, %add3A_889 : vector<16xi32>
        %sub3A_891 = arith.constant 5 : i32
        %sub3A_892 = vector.broadcast %sub3A_891 : i32 to vector<16xi32>
        %sub3A_893 = arith.subi %sub3A_892, %mul3A_847 : vector<16xi32>
        %gather3A_894 = arith.constant 0 : i32
        %gather3A_895 = arith.constant 0 : i32
        %gather3A_896 = arith.constant 0 : i32
        %gather3A_897 = tpu.memref_slice %arg16[%gather3A_894, %gather3A_895, %gather3A_896] : memref<4x1024x8xf32, #tpu.memory_space<vmem>> -> memref<1x1024x8xf32, #tpu.memory_space<vmem>>
        %gather3A_898 = tpu.memref_squeeze %gather3A_897 : memref<1x1024x8xf32, #tpu.memory_space<vmem>> -> memref<1024x8xf32, #tpu.memory_space<vmem>>
        %gather3A_899 = tpu.vector_load_idx %gather3A_898[%add3A_813, %add3A_890] : memref<1024x8xf32, #tpu.memory_space<vmem>>[vector<16xi32>, vector<16xi32>], vector<16xf32>,
        %mul3A_900 = arith.mulf %get3A_818, %gather3A_899 : vector<16xf32>
        %gather3A_901 = arith.constant 1 : i32
        %gather3A_902 = arith.constant 0 : i32
        %gather3A_903 = arith.constant 0 : i32
        %gather3A_904 = tpu.memref_slice %arg16[%gather3A_901, %gather3A_902, %gather3A_903] : memref<4x1024x8xf32, #tpu.memory_space<vmem>> -> memref<1x1024x8xf32, #tpu.memory_space<vmem>>
        %gather3A_905 = tpu.memref_squeeze %gather3A_904 : memref<1x1024x8xf32, #tpu.memory_space<vmem>> -> memref<1024x8xf32, #tpu.memory_space<vmem>>
        %gather3A_906 = tpu.vector_load_idx %gather3A_905[%add3A_813, %sub3A_893] : memref<1024x8xf32, #tpu.memory_space<vmem>>[vector<16xi32>, vector<16xi32>], vector<16xf32>,
        %mul3A_907 = arith.mulf %get3A_824, %gather3A_906 : vector<16xf32>
        %add3A_908 = arith.addf %mul3A_900, %mul3A_907 : vector<16xf32>
        %gather3A_909 = arith.constant 2 : i32
        %gather3A_910 = arith.constant 0 : i32
        %gather3A_911 = arith.constant 0 : i32
        %gather3A_912 = tpu.memref_slice %arg16[%gather3A_909, %gather3A_910, %gather3A_911] : memref<4x1024x8xf32, #tpu.memory_space<vmem>> -> memref<1x1024x8xf32, #tpu.memory_space<vmem>>
        %gather3A_913 = tpu.memref_squeeze %gather3A_912 : memref<1x1024x8xf32, #tpu.memory_space<vmem>> -> memref<1024x8xf32, #tpu.memory_space<vmem>>
        %gather3A_914 = tpu.vector_load_idx %gather3A_913[%add3A_813, %add3A_890] : memref<1024x8xf32, #tpu.memory_space<vmem>>[vector<16xi32>, vector<16xi32>], vector<16xf32>,
        %mul3A_915 = arith.mulf %get3A_830, %gather3A_914 : vector<16xf32>
        %add3A_916 = arith.addf %add3A_908, %mul3A_915 : vector<16xf32>
        %gather3A_917 = arith.constant 3 : i32
        %gather3A_918 = arith.constant 0 : i32
        %gather3A_919 = arith.constant 0 : i32
        %gather3A_920 = tpu.memref_slice %arg16[%gather3A_917, %gather3A_918, %gather3A_919] : memref<4x1024x8xf32, #tpu.memory_space<vmem>> -> memref<1x1024x8xf32, #tpu.memory_space<vmem>>
        %gather3A_921 = tpu.memref_squeeze %gather3A_920 : memref<1x1024x8xf32, #tpu.memory_space<vmem>> -> memref<1024x8xf32, #tpu.memory_space<vmem>>
        %gather3A_922 = tpu.vector_load_idx %gather3A_921[%add3A_813, %sub3A_893] : memref<1024x8xf32, #tpu.memory_space<vmem>>[vector<16xi32>, vector<16xi32>], vector<16xf32>,
        %mul3A_923 = arith.mulf %get3A_836, %gather3A_922 : vector<16xf32>
        %add3A_924 = arith.addf %add3A_916, %mul3A_923 : vector<16xf32>
        %swap3A_925 = arith.constant 0 : i32
        %swap3A_926 = arith.constant 1 : i32
        %swap3A_927 = arith.index_cast %swap3A_925 : i32 to index
        %swap3A_928 = arith.index_cast %swap3A_926 : i32 to index
        %swap3A_929 = arith.index_cast %mul3A_811 : i32 to index
        %swap3A_930 = tpu.vector_load %arg17[%swap3A_927, %swap3A_928, %swap3A_929] {strides = array<i32>} : memref<1x4x1024xf32, #tpu.memory_space<vmem>>, vector<16xf32>,
        tpu.vector_store %arg17[%swap3A_927, %swap3A_928, %swap3A_929], %add3A_924 {strides = array<i32>} : memref<1x4x1024xf32, #tpu.memory_space<vmem>>, vector<16xf32>,
        %add3A_931 = arith.constant 2 : i32
        %add3A_932 = vector.broadcast %add3A_931 : i32 to vector<16xi32>
        %add3A_933 = arith.addi %mul3A_847, %add3A_932 : vector<16xi32>
        %sub3A_934 = arith.constant 6 : i32
        %sub3A_935 = vector.broadcast %sub3A_934 : i32 to vector<16xi32>
        %sub3A_936 = arith.subi %sub3A_935, %mul3A_847 : vector<16xi32>
        %gather3A_937 = arith.constant 0 : i32
        %gather3A_938 = arith.constant 0 : i32
        %gather3A_939 = arith.constant 0 : i32
        %gather3A_940 = tpu.memref_slice %arg16[%gather3A_937, %gather3A_938, %gather3A_939] : memref<4x1024x8xf32, #tpu.memory_space<vmem>> -> memref<1x1024x8xf32, #tpu.memory_space<vmem>>
        %gather3A_941 = tpu.memref_squeeze %gather3A_940 : memref<1x1024x8xf32, #tpu.memory_space<vmem>> -> memref<1024x8xf32, #tpu.memory_space<vmem>>
        %gather3A_942 = tpu.vector_load_idx %gather3A_941[%add3A_813, %add3A_933] : memref<1024x8xf32, #tpu.memory_space<vmem>>[vector<16xi32>, vector<16xi32>], vector<16xf32>,
        %mul3A_943 = arith.mulf %get3A_818, %gather3A_942 : vector<16xf32>
        %gather3A_944 = arith.constant 1 : i32
        %gather3A_945 = arith.constant 0 : i32
        %gather3A_946 = arith.constant 0 : i32
        %gather3A_947 = tpu.memref_slice %arg16[%gather3A_944, %gather3A_945, %gather3A_946] : memref<4x1024x8xf32, #tpu.memory_space<vmem>> -> memref<1x1024x8xf32, #tpu.memory_space<vmem>>
        %gather3A_948 = tpu.memref_squeeze %gather3A_947 : memref<1x1024x8xf32, #tpu.memory_space<vmem>> -> memref<1024x8xf32, #tpu.memory_space<vmem>>
        %gather3A_949 = tpu.vector_load_idx %gather3A_948[%add3A_813, %sub3A_936] : memref<1024x8xf32, #tpu.memory_space<vmem>>[vector<16xi32>, vector<16xi32>], vector<16xf32>,
        %mul3A_950 = arith.mulf %get3A_824, %gather3A_949 : vector<16xf32>
        %add3A_951 = arith.addf %mul3A_943, %mul3A_950 : vector<16xf32>
        %gather3A_952 = arith.constant 2 : i32
        %gather3A_953 = arith.constant 0 : i32
        %gather3A_954 = arith.constant 0 : i32
        %gather3A_955 = tpu.memref_slice %arg16[%gather3A_952, %gather3A_953, %gather3A_954] : memref<4x1024x8xf32, #tpu.memory_space<vmem>> -> memref<1x1024x8xf32, #tpu.memory_space<vmem>>
        %gather3A_956 = tpu.memref_squeeze %gather3A_955 : memref<1x1024x8xf32, #tpu.memory_space<vmem>> -> memref<1024x8xf32, #tpu.memory_space<vmem>>
        %gather3A_957 = tpu.vector_load_idx %gather3A_956[%add3A_813, %add3A_933] : memref<1024x8xf32, #tpu.memory_space<vmem>>[vector<16xi32>, vector<16xi32>], vector<16xf32>,
        %mul3A_958 = arith.mulf %get3A_830, %gather3A_957 : vector<16xf32>
        %add3A_959 = arith.addf %add3A_951, %mul3A_958 : vector<16xf32>
        %gather3A_960 = arith.constant 3 : i32
        %gather3A_961 = arith.constant 0 : i32
        %gather3A_962 = arith.constant 0 : i32
        %gather3A_963 = tpu.memref_slice %arg16[%gather3A_960, %gather3A_961, %gather3A_962] : memref<4x1024x8xf32, #tpu.memory_space<vmem>> -> memref<1x1024x8xf32, #tpu.memory_space<vmem>>
        %gather3A_964 = tpu.memref_squeeze %gather3A_963 : memref<1x1024x8xf32, #tpu.memory_space<vmem>> -> memref<1024x8xf32, #tpu.memory_space<vmem>>
        %gather3A_965 = tpu.vector_load_idx %gather3A_964[%add3A_813, %sub3A_936] : memref<1024x8xf32, #tpu.memory_space<vmem>>[vector<16xi32>, vector<16xi32>], vector<16xf32>,
        %mul3A_966 = arith.mulf %get3A_836, %gather3A_965 : vector<16xf32>
        %add3A_967 = arith.addf %add3A_959, %mul3A_966 : vector<16xf32>
        %swap3A_968 = arith.constant 0 : i32
        %swap3A_969 = arith.constant 2 : i32
        %swap3A_970 = arith.index_cast %swap3A_968 : i32 to index
        %swap3A_971 = arith.index_cast %swap3A_969 : i32 to index
        %swap3A_972 = arith.index_cast %mul3A_811 : i32 to index
        %swap3A_973 = tpu.vector_load %arg17[%swap3A_970, %swap3A_971, %swap3A_972] {strides = array<i32>} : memref<1x4x1024xf32, #tpu.memory_space<vmem>>, vector<16xf32>,
        tpu.vector_store %arg17[%swap3A_970, %swap3A_971, %swap3A_972], %add3A_967 {strides = array<i32>} : memref<1x4x1024xf32, #tpu.memory_space<vmem>>, vector<16xf32>,
        %add3A_974 = arith.constant 3 : i32
        %add3A_975 = vector.broadcast %add3A_974 : i32 to vector<16xi32>
        %add3A_976 = arith.addi %mul3A_847, %add3A_975 : vector<16xi32>
        %sub3A_977 = arith.constant 7 : i32
        %sub3A_978 = vector.broadcast %sub3A_977 : i32 to vector<16xi32>
        %sub3A_979 = arith.subi %sub3A_978, %mul3A_847 : vector<16xi32>
        %gather3A_980 = arith.constant 0 : i32
        %gather3A_981 = arith.constant 0 : i32
        %gather3A_982 = arith.constant 0 : i32
        %gather3A_983 = tpu.memref_slice %arg16[%gather3A_980, %gather3A_981, %gather3A_982] : memref<4x1024x8xf32, #tpu.memory_space<vmem>> -> memref<1x1024x8xf32, #tpu.memory_space<vmem>>
        %gather3A_984 = tpu.memref_squeeze %gather3A_983 : memref<1x1024x8xf32, #tpu.memory_space<vmem>> -> memref<1024x8xf32, #tpu.memory_space<vmem>>
        %gather3A_985 = tpu.vector_load_idx %gather3A_984[%add3A_813, %add3A_976] : memref<1024x8xf32, #tpu.memory_space<vmem>>[vector<16xi32>, vector<16xi32>], vector<16xf32>,
        %mul3A_986 = arith.mulf %get3A_818, %gather3A_985 : vector<16xf32>
        %gather3A_987 = arith.constant 1 : i32
        %gather3A_988 = arith.constant 0 : i32
        %gather3A_989 = arith.constant 0 : i32
        %gather3A_990 = tpu.memref_slice %arg16[%gather3A_987, %gather3A_988, %gather3A_989] : memref<4x1024x8xf32, #tpu.memory_space<vmem>> -> memref<1x1024x8xf32, #tpu.memory_space<vmem>>
        %gather3A_991 = tpu.memref_squeeze %gather3A_990 : memref<1x1024x8xf32, #tpu.memory_space<vmem>> -> memref<1024x8xf32, #tpu.memory_space<vmem>>
        %gather3A_992 = tpu.vector_load_idx %gather3A_991[%add3A_813, %sub3A_979] : memref<1024x8xf32, #tpu.memory_space<vmem>>[vector<16xi32>, vector<16xi32>], vector<16xf32>,
        %mul3A_993 = arith.mulf %get3A_824, %gather3A_992 : vector<16xf32>
        %add3A_994 = arith.addf %mul3A_986, %mul3A_993 : vector<16xf32>
        %gather3A_995 = arith.constant 2 : i32
        %gather3A_996 = arith.constant 0 : i32
        %gather3A_997 = arith.constant 0 : i32
        %gather3A_998 = tpu.memref_slice %arg16[%gather3A_995, %gather3A_996, %gather3A_997] : memref<4x1024x8xf32, #tpu.memory_space<vmem>> -> memref<1x1024x8xf32, #tpu.memory_space<vmem>>
        %gather3A_999 = tpu.memref_squeeze %gather3A_998 : memref<1x1024x8xf32, #tpu.memory_space<vmem>> -> memref<1024x8xf32, #tpu.memory_space<vmem>>
        %gather3A_1000 = tpu.vector_load_idx %gather3A_999[%add3A_813, %add3A_976] : memref<1024x8xf32, #tpu.memory_space<vmem>>[vector<16xi32>, vector<16xi32>], vector<16xf32>,
        %mul3A_1001 = arith.mulf %get3A_830, %gather3A_1000 : vector<16xf32>
        %add3A_1002 = arith.addf %add3A_994, %mul3A_1001 : vector<16xf32>
        %gather3A_1003 = arith.constant 3 : i32
        %gather3A_1004 = arith.constant 0 : i32
        %gather3A_1005 = arith.constant 0 : i32
        %gather3A_1006 = tpu.memref_slice %arg16[%gather3A_1003, %gather3A_1004, %gather3A_1005] : memref<4x1024x8xf32, #tpu.memory_space<vmem>> -> memref<1x1024x8xf32, #tpu.memory_space<vmem>>
        %gather3A_1007 = tpu.memref_squeeze %gather3A_1006 : memref<1x1024x8xf32, #tpu.memory_space<vmem>> -> memref<1024x8xf32, #tpu.memory_space<vmem>>
        %gather3A_1008 = tpu.vector_load_idx %gather3A_1007[%add3A_813, %sub3A_979] : memref<1024x8xf32, #tpu.memory_space<vmem>>[vector<16xi32>, vector<16xi32>], vector<16xf32>,
        %mul3A_1009 = arith.mulf %get3A_836, %gather3A_1008 : vector<16xf32>
        %add3A_1010 = arith.addf %add3A_1002, %mul3A_1009 : vector<16xf32>
        %swap3A_1011 = arith.constant 0 : i32
        %swap3A_1012 = arith.constant 3 : i32
        %swap3A_1013 = arith.index_cast %swap3A_1011 : i32 to index
        %swap3A_1014 = arith.index_cast %swap3A_1012 : i32 to index
        %swap3A_1015 = arith.index_cast %mul3A_811 : i32 to index
        %swap3A_1016 = tpu.vector_load %arg17[%swap3A_1013, %swap3A_1014, %swap3A_1015] {strides = array<i32>} : memref<1x4x1024xf32, #tpu.memory_space<vmem>>, vector<16xf32>,
        tpu.vector_store %arg17[%swap3A_1013, %swap3A_1014, %swap3A_1015], %add3A_1010 {strides = array<i32>} : memref<1x4x1024xf32, #tpu.memory_space<vmem>>, vector<16xf32>,
      }
      %scan3A_800 = arith.constant 64 : i32
      %run_scoped3A_801 = arith.constant 0 : i32
      %run_scoped3A_802 = arith.constant 0 : i32
      "tpu.region"() ({
        %run_scoped3A_809 = tpu.sem_alloc : memref<!tpu.dma_semaphore, #tpu.memory_space<semaphore_mem>>
        %dma_start3A_810 = arith.constant 0 : i32
        %dma_start3A_811 = tpu.memref_slice %arg17[%run_scoped3A_801, %run_scoped3A_802, %dma_start3A_810] : memref<1x4x1024xf32, #tpu.memory_space<vmem>> -> memref<1x1x1024xf32, #tpu.memory_space<vmem>>
        %dma_start3A_812 = tpu.memref_squeeze %dma_start3A_811 : memref<1x1x1024xf32, #tpu.memory_space<vmem>> -> memref<1024xf32, #tpu.memory_space<vmem>>
        %dma_start3A_813 = tpu.memref_slice %arg9[%add3A_11] : memref<1015808xf32, #tpu.memory_space<hbm>> -> memref<1024xf32, #tpu.memory_space<hbm>>
        %dma_start3A_814 = tpu.memref_slice %arg9[%add3A_11] : memref<1015808xf32, #tpu.memory_space<hbm>> -> memref<1024xf32, #tpu.memory_space<hbm>>
        %dma_start3A_815 = arith.constant 0 : i32
        %dma_start3A_816 = tpu.memref_slice %arg17[%run_scoped3A_801, %run_scoped3A_802, %dma_start3A_815] : memref<1x4x1024xf32, #tpu.memory_space<vmem>> -> memref<1x1x1024xf32, #tpu.memory_space<vmem>>
        %dma_start3A_817 = tpu.memref_squeeze %dma_start3A_816 : memref<1x1x1024xf32, #tpu.memory_space<vmem>> -> memref<1024xf32, #tpu.memory_space<vmem>>
        tpu.enqueue_dma source(%dma_start3A_817 : memref<1024xf32, #tpu.memory_space<vmem>>) target(%dma_start3A_814 : memref<1024xf32, #tpu.memory_space<hbm>>) target_semaphore(%run_scoped3A_809 : memref<!tpu.dma_semaphore, #tpu.memory_space<semaphore_mem>>)
        %dma_wait3A_818 = arith.constant 0 : i32
        %dma_wait3A_819 = tpu.memref_slice %arg17[%run_scoped3A_801, %run_scoped3A_802, %dma_wait3A_818] : memref<1x4x1024xf32, #tpu.memory_space<vmem>> -> memref<1x1x1024xf32, #tpu.memory_space<vmem>>
        %dma_wait3A_820 = tpu.memref_squeeze %dma_wait3A_819 : memref<1x1x1024xf32, #tpu.memory_space<vmem>> -> memref<1024xf32, #tpu.memory_space<vmem>>
        %dma_wait3A_821 = tpu.memref_slice %arg9[%add3A_11] : memref<1015808xf32, #tpu.memory_space<hbm>> -> memref<1024xf32, #tpu.memory_space<hbm>>
        %dma_wait3A_822 = tpu.memref_slice %arg9[%add3A_11] : memref<1015808xf32, #tpu.memory_space<hbm>> -> memref<1024xf32, #tpu.memory_space<hbm>>
        %dma_wait3A_823 = arith.constant 0 : i32
        %dma_wait3A_824 = tpu.memref_slice %arg17[%run_scoped3A_801, %run_scoped3A_802, %dma_wait3A_823] : memref<1x4x1024xf32, #tpu.memory_space<vmem>> -> memref<1x1x1024xf32, #tpu.memory_space<vmem>>
        %dma_wait3A_825 = tpu.memref_squeeze %dma_wait3A_824 : memref<1x1x1024xf32, #tpu.memory_space<vmem>> -> memref<1024xf32, #tpu.memory_space<vmem>>
        tpu.wait_dma2 semaphore(%run_scoped3A_809 : memref<!tpu.dma_semaphore, #tpu.memory_space<semaphore_mem>>) src(%dma_wait3A_825 : memref<1024xf32, #tpu.memory_space<vmem>>) dst(%dma_wait3A_822 : memref<1024xf32, #tpu.memory_space<hbm>>)
        tpu.yield
      }) : () -> ()
      %run_scoped3A_803 = arith.constant 0 : i32
      %run_scoped3A_804 = arith.constant 1 : i32
      "tpu.region"() ({
        %run_scoped3A_809 = tpu.sem_alloc : memref<!tpu.dma_semaphore, #tpu.memory_space<semaphore_mem>>
        %dma_start3A_810 = arith.constant 0 : i32
        %dma_start3A_811 = tpu.memref_slice %arg17[%run_scoped3A_803, %run_scoped3A_804, %dma_start3A_810] : memref<1x4x1024xf32, #tpu.memory_space<vmem>> -> memref<1x1x1024xf32, #tpu.memory_space<vmem>>
        %dma_start3A_812 = tpu.memref_squeeze %dma_start3A_811 : memref<1x1x1024xf32, #tpu.memory_space<vmem>> -> memref<1024xf32, #tpu.memory_space<vmem>>
        %dma_start3A_813 = tpu.memref_slice %arg10[%add3A_11] : memref<1015808xf32, #tpu.memory_space<hbm>> -> memref<1024xf32, #tpu.memory_space<hbm>>
        %dma_start3A_814 = tpu.memref_slice %arg10[%add3A_11] : memref<1015808xf32, #tpu.memory_space<hbm>> -> memref<1024xf32, #tpu.memory_space<hbm>>
        %dma_start3A_815 = arith.constant 0 : i32
        %dma_start3A_816 = tpu.memref_slice %arg17[%run_scoped3A_803, %run_scoped3A_804, %dma_start3A_815] : memref<1x4x1024xf32, #tpu.memory_space<vmem>> -> memref<1x1x1024xf32, #tpu.memory_space<vmem>>
        %dma_start3A_817 = tpu.memref_squeeze %dma_start3A_816 : memref<1x1x1024xf32, #tpu.memory_space<vmem>> -> memref<1024xf32, #tpu.memory_space<vmem>>
        tpu.enqueue_dma source(%dma_start3A_817 : memref<1024xf32, #tpu.memory_space<vmem>>) target(%dma_start3A_814 : memref<1024xf32, #tpu.memory_space<hbm>>) target_semaphore(%run_scoped3A_809 : memref<!tpu.dma_semaphore, #tpu.memory_space<semaphore_mem>>)
        %dma_wait3A_818 = arith.constant 0 : i32
        %dma_wait3A_819 = tpu.memref_slice %arg17[%run_scoped3A_803, %run_scoped3A_804, %dma_wait3A_818] : memref<1x4x1024xf32, #tpu.memory_space<vmem>> -> memref<1x1x1024xf32, #tpu.memory_space<vmem>>
        %dma_wait3A_820 = tpu.memref_squeeze %dma_wait3A_819 : memref<1x1x1024xf32, #tpu.memory_space<vmem>> -> memref<1024xf32, #tpu.memory_space<vmem>>
        %dma_wait3A_821 = tpu.memref_slice %arg10[%add3A_11] : memref<1015808xf32, #tpu.memory_space<hbm>> -> memref<1024xf32, #tpu.memory_space<hbm>>
        %dma_wait3A_822 = tpu.memref_slice %arg10[%add3A_11] : memref<1015808xf32, #tpu.memory_space<hbm>> -> memref<1024xf32, #tpu.memory_space<hbm>>
        %dma_wait3A_823 = arith.constant 0 : i32
        %dma_wait3A_824 = tpu.memref_slice %arg17[%run_scoped3A_803, %run_scoped3A_804, %dma_wait3A_823] : memref<1x4x1024xf32, #tpu.memory_space<vmem>> -> memref<1x1x1024xf32, #tpu.memory_space<vmem>>
        %dma_wait3A_825 = tpu.memref_squeeze %dma_wait3A_824 : memref<1x1x1024xf32, #tpu.memory_space<vmem>> -> memref<1024xf32, #tpu.memory_space<vmem>>
        tpu.wait_dma2 semaphore(%run_scoped3A_809 : memref<!tpu.dma_semaphore, #tpu.memory_space<semaphore_mem>>) src(%dma_wait3A_825 : memref<1024xf32, #tpu.memory_space<vmem>>) dst(%dma_wait3A_822 : memref<1024xf32, #tpu.memory_space<hbm>>)
        tpu.yield
      }) : () -> ()
      %run_scoped3A_805 = arith.constant 0 : i32
      %run_scoped3A_806 = arith.constant 2 : i32
      "tpu.region"() ({
        %run_scoped3A_809 = tpu.sem_alloc : memref<!tpu.dma_semaphore, #tpu.memory_space<semaphore_mem>>
        %dma_start3A_810 = arith.constant 0 : i32
        %dma_start3A_811 = tpu.memref_slice %arg17[%run_scoped3A_805, %run_scoped3A_806, %dma_start3A_810] : memref<1x4x1024xf32, #tpu.memory_space<vmem>> -> memref<1x1x1024xf32, #tpu.memory_space<vmem>>
        %dma_start3A_812 = tpu.memref_squeeze %dma_start3A_811 : memref<1x1x1024xf32, #tpu.memory_space<vmem>> -> memref<1024xf32, #tpu.memory_space<vmem>>
        %dma_start3A_813 = tpu.memref_slice %arg11[%add3A_11] : memref<1015808xf32, #tpu.memory_space<hbm>> -> memref<1024xf32, #tpu.memory_space<hbm>>
        %dma_start3A_814 = tpu.memref_slice %arg11[%add3A_11] : memref<1015808xf32, #tpu.memory_space<hbm>> -> memref<1024xf32, #tpu.memory_space<hbm>>
        %dma_start3A_815 = arith.constant 0 : i32
        %dma_start3A_816 = tpu.memref_slice %arg17[%run_scoped3A_805, %run_scoped3A_806, %dma_start3A_815] : memref<1x4x1024xf32, #tpu.memory_space<vmem>> -> memref<1x1x1024xf32, #tpu.memory_space<vmem>>
        %dma_start3A_817 = tpu.memref_squeeze %dma_start3A_816 : memref<1x1x1024xf32, #tpu.memory_space<vmem>> -> memref<1024xf32, #tpu.memory_space<vmem>>
        tpu.enqueue_dma source(%dma_start3A_817 : memref<1024xf32, #tpu.memory_space<vmem>>) target(%dma_start3A_814 : memref<1024xf32, #tpu.memory_space<hbm>>) target_semaphore(%run_scoped3A_809 : memref<!tpu.dma_semaphore, #tpu.memory_space<semaphore_mem>>)
        %dma_wait3A_818 = arith.constant 0 : i32
        %dma_wait3A_819 = tpu.memref_slice %arg17[%run_scoped3A_805, %run_scoped3A_806, %dma_wait3A_818] : memref<1x4x1024xf32, #tpu.memory_space<vmem>> -> memref<1x1x1024xf32, #tpu.memory_space<vmem>>
        %dma_wait3A_820 = tpu.memref_squeeze %dma_wait3A_819 : memref<1x1x1024xf32, #tpu.memory_space<vmem>> -> memref<1024xf32, #tpu.memory_space<vmem>>
        %dma_wait3A_821 = tpu.memref_slice %arg11[%add3A_11] : memref<1015808xf32, #tpu.memory_space<hbm>> -> memref<1024xf32, #tpu.memory_space<hbm>>
        %dma_wait3A_822 = tpu.memref_slice %arg11[%add3A_11] : memref<1015808xf32, #tpu.memory_space<hbm>> -> memref<1024xf32, #tpu.memory_space<hbm>>
        %dma_wait3A_823 = arith.constant 0 : i32
        %dma_wait3A_824 = tpu.memref_slice %arg17[%run_scoped3A_805, %run_scoped3A_806, %dma_wait3A_823] : memref<1x4x1024xf32, #tpu.memory_space<vmem>> -> memref<1x1x1024xf32, #tpu.memory_space<vmem>>
        %dma_wait3A_825 = tpu.memref_squeeze %dma_wait3A_824 : memref<1x1x1024xf32, #tpu.memory_space<vmem>> -> memref<1024xf32, #tpu.memory_space<vmem>>
        tpu.wait_dma2 semaphore(%run_scoped3A_809 : memref<!tpu.dma_semaphore, #tpu.memory_space<semaphore_mem>>) src(%dma_wait3A_825 : memref<1024xf32, #tpu.memory_space<vmem>>) dst(%dma_wait3A_822 : memref<1024xf32, #tpu.memory_space<hbm>>)
        tpu.yield
      }) : () -> ()
      %run_scoped3A_807 = arith.constant 0 : i32
      %run_scoped3A_808 = arith.constant 3 : i32
      "tpu.region"() ({
        %run_scoped3A_809 = tpu.sem_alloc : memref<!tpu.dma_semaphore, #tpu.memory_space<semaphore_mem>>
        %dma_start3A_810 = arith.constant 0 : i32
        %dma_start3A_811 = tpu.memref_slice %arg17[%run_scoped3A_807, %run_scoped3A_808, %dma_start3A_810] : memref<1x4x1024xf32, #tpu.memory_space<vmem>> -> memref<1x1x1024xf32, #tpu.memory_space<vmem>>
        %dma_start3A_812 = tpu.memref_squeeze %dma_start3A_811 : memref<1x1x1024xf32, #tpu.memory_space<vmem>> -> memref<1024xf32, #tpu.memory_space<vmem>>
        %dma_start3A_813 = tpu.memref_slice %arg12[%add3A_11] : memref<1015808xf32, #tpu.memory_space<hbm>> -> memref<1024xf32, #tpu.memory_space<hbm>>
        %dma_start3A_814 = tpu.memref_slice %arg12[%add3A_11] : memref<1015808xf32, #tpu.memory_space<hbm>> -> memref<1024xf32, #tpu.memory_space<hbm>>
        %dma_start3A_815 = arith.constant 0 : i32
        %dma_start3A_816 = tpu.memref_slice %arg17[%run_scoped3A_807, %run_scoped3A_808, %dma_start3A_815] : memref<1x4x1024xf32, #tpu.memory_space<vmem>> -> memref<1x1x1024xf32, #tpu.memory_space<vmem>>
        %dma_start3A_817 = tpu.memref_squeeze %dma_start3A_816 : memref<1x1x1024xf32, #tpu.memory_space<vmem>> -> memref<1024xf32, #tpu.memory_space<vmem>>
        tpu.enqueue_dma source(%dma_start3A_817 : memref<1024xf32, #tpu.memory_space<vmem>>) target(%dma_start3A_814 : memref<1024xf32, #tpu.memory_space<hbm>>) target_semaphore(%run_scoped3A_809 : memref<!tpu.dma_semaphore, #tpu.memory_space<semaphore_mem>>)
        %dma_wait3A_818 = arith.constant 0 : i32
        %dma_wait3A_819 = tpu.memref_slice %arg17[%run_scoped3A_807, %run_scoped3A_808, %dma_wait3A_818] : memref<1x4x1024xf32, #tpu.memory_space<vmem>> -> memref<1x1x1024xf32, #tpu.memory_space<vmem>>
        %dma_wait3A_820 = tpu.memref_squeeze %dma_wait3A_819 : memref<1x1x1024xf32, #tpu.memory_space<vmem>> -> memref<1024xf32, #tpu.memory_space<vmem>>
        %dma_wait3A_821 = tpu.memref_slice %arg12[%add3A_11] : memref<1015808xf32, #tpu.memory_space<hbm>> -> memref<1024xf32, #tpu.memory_space<hbm>>
        %dma_wait3A_822 = tpu.memref_slice %arg12[%add3A_11] : memref<1015808xf32, #tpu.memory_space<hbm>> -> memref<1024xf32, #tpu.memory_space<hbm>>
        %dma_wait3A_823 = arith.constant 0 : i32
        %dma_wait3A_824 = tpu.memref_slice %arg17[%run_scoped3A_807, %run_scoped3A_808, %dma_wait3A_823] : memref<1x4x1024xf32, #tpu.memory_space<vmem>> -> memref<1x1x1024xf32, #tpu.memory_space<vmem>>
        %dma_wait3A_825 = tpu.memref_squeeze %dma_wait3A_824 : memref<1x1x1024xf32, #tpu.memory_space<vmem>> -> memref<1024xf32, #tpu.memory_space<vmem>>
        tpu.wait_dma2 semaphore(%run_scoped3A_809 : memref<!tpu.dma_semaphore, #tpu.memory_space<semaphore_mem>>) src(%dma_wait3A_825 : memref<1024xf32, #tpu.memory_space<vmem>>) dst(%dma_wait3A_822 : memref<1024xf32, #tpu.memory_space<hbm>>)
        tpu.yield
      }) : () -> ()
    }
    %scan3A_5 = arith.constant 31 : i32
    return
  }
}

#map = affine_map<(d0, d1) -> (0)>
module attributes {stable_mosaic.version = 14 : i64} {
  func.func @_build_body(%arg0: i32, %arg1: i32, %arg2: memref<2097152xf32, #tpu.memory_space<hbm>>, %arg3: memref<2097152xf32, #tpu.memory_space<hbm>>, %arg4: memref<2097152xf32, #tpu.memory_space<hbm>>, %arg5: memref<2097152xf32, #tpu.memory_space<hbm>>, %arg6: memref<8388672xf32, #tpu.memory_space<hbm>>, %arg7: memref<4x4096xf32, #tpu.memory_space<vmem>>, %arg8: memref<16384xf32, #tpu.memory_space<vmem>>) attributes {dimension_semantics = [#tpu.dimension_semantics<core_parallel>, #tpu.dimension_semantics<subcore_parallel>], iteration_bounds = array<i64: 2, 16>, scalar_prefetch = 0 : i64, scratch_operands = 2 : i64, tpu.core_type = #tpu.core_type<sc_vector_subcore>, window_params = [{transform_indices = #map}, {transform_indices = #map}, {transform_indices = #map}, {transform_indices = #map}, {transform_indices = #map}]} {
    %mul3A = arith.constant 2 : i32
    %mul3A_0 = arith.muli %arg1, %mul3A : i32
    %add3A = arith.addi %mul3A_0, %arg0 : i32
    %iota3A = tpu.iota {dimensions = array<i32: 0>} : vector<16xi32>
    %scan3A = arith.constant 0 : i32
    %scan3A_1 = arith.constant 0 : i32
    %scan3A_2 = arith.constant 16 : i32
    %scan3A_3 = arith.addi %scan3A_1, %scan3A_2 : i32
    %scan3A_4 = arith.constant 1 : i32
    scf.for %scan3A_8 = %scan3A_1 to %scan3A_3 step %scan3A_4  : i32 {
      %mul3A_9 = arith.constant 65536 : i32
      %mul3A_10 = arith.muli %add3A, %mul3A_9 : i32
      %mul3A_11 = arith.constant 4096 : i32
      %mul3A_12 = arith.muli %scan3A_8, %mul3A_11 : i32
      %add3A_13 = arith.addi %mul3A_10, %mul3A_12 : i32
      %run_scoped3A = arith.constant 0 : i32
      "tpu.region"() ({
        %run_scoped3A_25 = tpu.sem_alloc : memref<!tpu.dma_semaphore, #tpu.memory_space<semaphore_mem>>
        %dma_start3A = arith.constant 0 : i32
        %dma_start3A_26 = tpu.memref_slice %arg7[%run_scoped3A, %dma_start3A] : memref<4x4096xf32, #tpu.memory_space<vmem>> -> memref<1x4096xf32, #tpu.memory_space<vmem>>
        %dma_start3A_27 = tpu.memref_squeeze %dma_start3A_26 : memref<1x4096xf32, #tpu.memory_space<vmem>> -> memref<4096xf32, #tpu.memory_space<vmem>>
        %dma_start3A_28 = tpu.memref_slice %arg2[%add3A_13] : memref<2097152xf32, #tpu.memory_space<hbm>> -> memref<4096xf32, #tpu.memory_space<hbm>>
        %dma_start3A_29 = arith.constant 0 : i32
        %dma_start3A_30 = tpu.memref_slice %arg7[%run_scoped3A, %dma_start3A_29] : memref<4x4096xf32, #tpu.memory_space<vmem>> -> memref<1x4096xf32, #tpu.memory_space<vmem>>
        %dma_start3A_31 = tpu.memref_squeeze %dma_start3A_30 : memref<1x4096xf32, #tpu.memory_space<vmem>> -> memref<4096xf32, #tpu.memory_space<vmem>>
        %dma_start3A_32 = tpu.memref_slice %arg2[%add3A_13] : memref<2097152xf32, #tpu.memory_space<hbm>> -> memref<4096xf32, #tpu.memory_space<hbm>>
        tpu.enqueue_dma source(%dma_start3A_32 : memref<4096xf32, #tpu.memory_space<hbm>>) target(%dma_start3A_31 : memref<4096xf32, #tpu.memory_space<vmem>>) target_semaphore(%run_scoped3A_25 : memref<!tpu.dma_semaphore, #tpu.memory_space<semaphore_mem>>)
        %dma_wait3A = arith.constant 0 : i32
        %dma_wait3A_33 = tpu.memref_slice %arg7[%run_scoped3A, %dma_wait3A] : memref<4x4096xf32, #tpu.memory_space<vmem>> -> memref<1x4096xf32, #tpu.memory_space<vmem>>
        %dma_wait3A_34 = tpu.memref_squeeze %dma_wait3A_33 : memref<1x4096xf32, #tpu.memory_space<vmem>> -> memref<4096xf32, #tpu.memory_space<vmem>>
        %dma_wait3A_35 = tpu.memref_slice %arg2[%add3A_13] : memref<2097152xf32, #tpu.memory_space<hbm>> -> memref<4096xf32, #tpu.memory_space<hbm>>
        %dma_wait3A_36 = arith.constant 0 : i32
        %dma_wait3A_37 = tpu.memref_slice %arg7[%run_scoped3A, %dma_wait3A_36] : memref<4x4096xf32, #tpu.memory_space<vmem>> -> memref<1x4096xf32, #tpu.memory_space<vmem>>
        %dma_wait3A_38 = tpu.memref_squeeze %dma_wait3A_37 : memref<1x4096xf32, #tpu.memory_space<vmem>> -> memref<4096xf32, #tpu.memory_space<vmem>>
        %dma_wait3A_39 = tpu.memref_slice %arg2[%add3A_13] : memref<2097152xf32, #tpu.memory_space<hbm>> -> memref<4096xf32, #tpu.memory_space<hbm>>
        tpu.wait_dma2 semaphore(%run_scoped3A_25 : memref<!tpu.dma_semaphore, #tpu.memory_space<semaphore_mem>>) src(%dma_wait3A_39 : memref<4096xf32, #tpu.memory_space<hbm>>) dst(%dma_wait3A_38 : memref<4096xf32, #tpu.memory_space<vmem>>)
        tpu.yield
      }) : () -> ()
      %run_scoped3A_14 = arith.constant 1 : i32
      "tpu.region"() ({
        %run_scoped3A_25 = tpu.sem_alloc : memref<!tpu.dma_semaphore, #tpu.memory_space<semaphore_mem>>
        %dma_start3A = arith.constant 0 : i32
        %dma_start3A_26 = tpu.memref_slice %arg7[%run_scoped3A_14, %dma_start3A] : memref<4x4096xf32, #tpu.memory_space<vmem>> -> memref<1x4096xf32, #tpu.memory_space<vmem>>
        %dma_start3A_27 = tpu.memref_squeeze %dma_start3A_26 : memref<1x4096xf32, #tpu.memory_space<vmem>> -> memref<4096xf32, #tpu.memory_space<vmem>>
        %dma_start3A_28 = tpu.memref_slice %arg3[%add3A_13] : memref<2097152xf32, #tpu.memory_space<hbm>> -> memref<4096xf32, #tpu.memory_space<hbm>>
        %dma_start3A_29 = arith.constant 0 : i32
        %dma_start3A_30 = tpu.memref_slice %arg7[%run_scoped3A_14, %dma_start3A_29] : memref<4x4096xf32, #tpu.memory_space<vmem>> -> memref<1x4096xf32, #tpu.memory_space<vmem>>
        %dma_start3A_31 = tpu.memref_squeeze %dma_start3A_30 : memref<1x4096xf32, #tpu.memory_space<vmem>> -> memref<4096xf32, #tpu.memory_space<vmem>>
        %dma_start3A_32 = tpu.memref_slice %arg3[%add3A_13] : memref<2097152xf32, #tpu.memory_space<hbm>> -> memref<4096xf32, #tpu.memory_space<hbm>>
        tpu.enqueue_dma source(%dma_start3A_32 : memref<4096xf32, #tpu.memory_space<hbm>>) target(%dma_start3A_31 : memref<4096xf32, #tpu.memory_space<vmem>>) target_semaphore(%run_scoped3A_25 : memref<!tpu.dma_semaphore, #tpu.memory_space<semaphore_mem>>)
        %dma_wait3A = arith.constant 0 : i32
        %dma_wait3A_33 = tpu.memref_slice %arg7[%run_scoped3A_14, %dma_wait3A] : memref<4x4096xf32, #tpu.memory_space<vmem>> -> memref<1x4096xf32, #tpu.memory_space<vmem>>
        %dma_wait3A_34 = tpu.memref_squeeze %dma_wait3A_33 : memref<1x4096xf32, #tpu.memory_space<vmem>> -> memref<4096xf32, #tpu.memory_space<vmem>>
        %dma_wait3A_35 = tpu.memref_slice %arg3[%add3A_13] : memref<2097152xf32, #tpu.memory_space<hbm>> -> memref<4096xf32, #tpu.memory_space<hbm>>
        %dma_wait3A_36 = arith.constant 0 : i32
        %dma_wait3A_37 = tpu.memref_slice %arg7[%run_scoped3A_14, %dma_wait3A_36] : memref<4x4096xf32, #tpu.memory_space<vmem>> -> memref<1x4096xf32, #tpu.memory_space<vmem>>
        %dma_wait3A_38 = tpu.memref_squeeze %dma_wait3A_37 : memref<1x4096xf32, #tpu.memory_space<vmem>> -> memref<4096xf32, #tpu.memory_space<vmem>>
        %dma_wait3A_39 = tpu.memref_slice %arg3[%add3A_13] : memref<2097152xf32, #tpu.memory_space<hbm>> -> memref<4096xf32, #tpu.memory_space<hbm>>
        tpu.wait_dma2 semaphore(%run_scoped3A_25 : memref<!tpu.dma_semaphore, #tpu.memory_space<semaphore_mem>>) src(%dma_wait3A_39 : memref<4096xf32, #tpu.memory_space<hbm>>) dst(%dma_wait3A_38 : memref<4096xf32, #tpu.memory_space<vmem>>)
        tpu.yield
      }) : () -> ()
      %run_scoped3A_15 = arith.constant 2 : i32
      "tpu.region"() ({
        %run_scoped3A_25 = tpu.sem_alloc : memref<!tpu.dma_semaphore, #tpu.memory_space<semaphore_mem>>
        %dma_start3A = arith.constant 0 : i32
        %dma_start3A_26 = tpu.memref_slice %arg7[%run_scoped3A_15, %dma_start3A] : memref<4x4096xf32, #tpu.memory_space<vmem>> -> memref<1x4096xf32, #tpu.memory_space<vmem>>
        %dma_start3A_27 = tpu.memref_squeeze %dma_start3A_26 : memref<1x4096xf32, #tpu.memory_space<vmem>> -> memref<4096xf32, #tpu.memory_space<vmem>>
        %dma_start3A_28 = tpu.memref_slice %arg4[%add3A_13] : memref<2097152xf32, #tpu.memory_space<hbm>> -> memref<4096xf32, #tpu.memory_space<hbm>>
        %dma_start3A_29 = arith.constant 0 : i32
        %dma_start3A_30 = tpu.memref_slice %arg7[%run_scoped3A_15, %dma_start3A_29] : memref<4x4096xf32, #tpu.memory_space<vmem>> -> memref<1x4096xf32, #tpu.memory_space<vmem>>
        %dma_start3A_31 = tpu.memref_squeeze %dma_start3A_30 : memref<1x4096xf32, #tpu.memory_space<vmem>> -> memref<4096xf32, #tpu.memory_space<vmem>>
        %dma_start3A_32 = tpu.memref_slice %arg4[%add3A_13] : memref<2097152xf32, #tpu.memory_space<hbm>> -> memref<4096xf32, #tpu.memory_space<hbm>>
        tpu.enqueue_dma source(%dma_start3A_32 : memref<4096xf32, #tpu.memory_space<hbm>>) target(%dma_start3A_31 : memref<4096xf32, #tpu.memory_space<vmem>>) target_semaphore(%run_scoped3A_25 : memref<!tpu.dma_semaphore, #tpu.memory_space<semaphore_mem>>)
        %dma_wait3A = arith.constant 0 : i32
        %dma_wait3A_33 = tpu.memref_slice %arg7[%run_scoped3A_15, %dma_wait3A] : memref<4x4096xf32, #tpu.memory_space<vmem>> -> memref<1x4096xf32, #tpu.memory_space<vmem>>
        %dma_wait3A_34 = tpu.memref_squeeze %dma_wait3A_33 : memref<1x4096xf32, #tpu.memory_space<vmem>> -> memref<4096xf32, #tpu.memory_space<vmem>>
        %dma_wait3A_35 = tpu.memref_slice %arg4[%add3A_13] : memref<2097152xf32, #tpu.memory_space<hbm>> -> memref<4096xf32, #tpu.memory_space<hbm>>
        %dma_wait3A_36 = arith.constant 0 : i32
        %dma_wait3A_37 = tpu.memref_slice %arg7[%run_scoped3A_15, %dma_wait3A_36] : memref<4x4096xf32, #tpu.memory_space<vmem>> -> memref<1x4096xf32, #tpu.memory_space<vmem>>
        %dma_wait3A_38 = tpu.memref_squeeze %dma_wait3A_37 : memref<1x4096xf32, #tpu.memory_space<vmem>> -> memref<4096xf32, #tpu.memory_space<vmem>>
        %dma_wait3A_39 = tpu.memref_slice %arg4[%add3A_13] : memref<2097152xf32, #tpu.memory_space<hbm>> -> memref<4096xf32, #tpu.memory_space<hbm>>
        tpu.wait_dma2 semaphore(%run_scoped3A_25 : memref<!tpu.dma_semaphore, #tpu.memory_space<semaphore_mem>>) src(%dma_wait3A_39 : memref<4096xf32, #tpu.memory_space<hbm>>) dst(%dma_wait3A_38 : memref<4096xf32, #tpu.memory_space<vmem>>)
        tpu.yield
      }) : () -> ()
      %run_scoped3A_16 = arith.constant 3 : i32
      "tpu.region"() ({
        %run_scoped3A_25 = tpu.sem_alloc : memref<!tpu.dma_semaphore, #tpu.memory_space<semaphore_mem>>
        %dma_start3A = arith.constant 0 : i32
        %dma_start3A_26 = tpu.memref_slice %arg7[%run_scoped3A_16, %dma_start3A] : memref<4x4096xf32, #tpu.memory_space<vmem>> -> memref<1x4096xf32, #tpu.memory_space<vmem>>
        %dma_start3A_27 = tpu.memref_squeeze %dma_start3A_26 : memref<1x4096xf32, #tpu.memory_space<vmem>> -> memref<4096xf32, #tpu.memory_space<vmem>>
        %dma_start3A_28 = tpu.memref_slice %arg5[%add3A_13] : memref<2097152xf32, #tpu.memory_space<hbm>> -> memref<4096xf32, #tpu.memory_space<hbm>>
        %dma_start3A_29 = arith.constant 0 : i32
        %dma_start3A_30 = tpu.memref_slice %arg7[%run_scoped3A_16, %dma_start3A_29] : memref<4x4096xf32, #tpu.memory_space<vmem>> -> memref<1x4096xf32, #tpu.memory_space<vmem>>
        %dma_start3A_31 = tpu.memref_squeeze %dma_start3A_30 : memref<1x4096xf32, #tpu.memory_space<vmem>> -> memref<4096xf32, #tpu.memory_space<vmem>>
        %dma_start3A_32 = tpu.memref_slice %arg5[%add3A_13] : memref<2097152xf32, #tpu.memory_space<hbm>> -> memref<4096xf32, #tpu.memory_space<hbm>>
        tpu.enqueue_dma source(%dma_start3A_32 : memref<4096xf32, #tpu.memory_space<hbm>>) target(%dma_start3A_31 : memref<4096xf32, #tpu.memory_space<vmem>>) target_semaphore(%run_scoped3A_25 : memref<!tpu.dma_semaphore, #tpu.memory_space<semaphore_mem>>)
        %dma_wait3A = arith.constant 0 : i32
        %dma_wait3A_33 = tpu.memref_slice %arg7[%run_scoped3A_16, %dma_wait3A] : memref<4x4096xf32, #tpu.memory_space<vmem>> -> memref<1x4096xf32, #tpu.memory_space<vmem>>
        %dma_wait3A_34 = tpu.memref_squeeze %dma_wait3A_33 : memref<1x4096xf32, #tpu.memory_space<vmem>> -> memref<4096xf32, #tpu.memory_space<vmem>>
        %dma_wait3A_35 = tpu.memref_slice %arg5[%add3A_13] : memref<2097152xf32, #tpu.memory_space<hbm>> -> memref<4096xf32, #tpu.memory_space<hbm>>
        %dma_wait3A_36 = arith.constant 0 : i32
        %dma_wait3A_37 = tpu.memref_slice %arg7[%run_scoped3A_16, %dma_wait3A_36] : memref<4x4096xf32, #tpu.memory_space<vmem>> -> memref<1x4096xf32, #tpu.memory_space<vmem>>
        %dma_wait3A_38 = tpu.memref_squeeze %dma_wait3A_37 : memref<1x4096xf32, #tpu.memory_space<vmem>> -> memref<4096xf32, #tpu.memory_space<vmem>>
        %dma_wait3A_39 = tpu.memref_slice %arg5[%add3A_13] : memref<2097152xf32, #tpu.memory_space<hbm>> -> memref<4096xf32, #tpu.memory_space<hbm>>
        tpu.wait_dma2 semaphore(%run_scoped3A_25 : memref<!tpu.dma_semaphore, #tpu.memory_space<semaphore_mem>>) src(%dma_wait3A_39 : memref<4096xf32, #tpu.memory_space<hbm>>) dst(%dma_wait3A_38 : memref<4096xf32, #tpu.memory_space<vmem>>)
        tpu.yield
      }) : () -> ()
      %scan3A_17 = arith.constant 0 : i32
      %scan3A_18 = arith.constant 0 : i32
      %scan3A_19 = arith.constant 256 : i32
      %scan3A_20 = arith.addi %scan3A_18, %scan3A_19 : i32
      %scan3A_21 = arith.constant 1 : i32
      scf.for %scan3A_25 = %scan3A_18 to %scan3A_20 step %scan3A_21  : i32 {
        %mul3A_26 = arith.constant 16 : i32
        %mul3A_27 = arith.muli %scan3A_25, %mul3A_26 : i32
        %mul3A_28 = arith.constant 4 : i32
        %mul3A_29 = vector.broadcast %mul3A_28 : i32 to vector<16xi32>
        %mul3A_30 = arith.muli %iota3A, %mul3A_29 : vector<16xi32>
        %mul3A_31 = arith.constant 64 : i32
        %mul3A_32 = arith.muli %scan3A_25, %mul3A_31 : i32
        %add3A_33 = vector.broadcast %mul3A_32 : i32 to vector<16xi32>
        %add3A_34 = arith.addi %mul3A_30, %add3A_33 : vector<16xi32>
        %get3A = arith.constant 0 : i32
        %get3A_35 = arith.index_cast %get3A : i32 to index
        %get3A_36 = arith.index_cast %mul3A_27 : i32 to index
        %get3A_37 = tpu.vector_load %arg7[%get3A_35, %get3A_36] {strides = array<i32>} : memref<4x4096xf32, #tpu.memory_space<vmem>>, vector<16xf32>,
        %add3A_38 = arith.constant 0 : i32
        %add3A_39 = vector.broadcast %add3A_38 : i32 to vector<16xi32>
        %add3A_40 = arith.addi %add3A_34, %add3A_39 : vector<16xi32>
        tpu.vector_store_idx %arg8[%add3A_40], %get3A_37 : memref<16384xf32, #tpu.memory_space<vmem>>[vector<16xi32>], vector<16xf32>,
        %get3A_41 = arith.constant 1 : i32
        %get3A_42 = arith.index_cast %get3A_41 : i32 to index
        %get3A_43 = arith.index_cast %mul3A_27 : i32 to index
        %get3A_44 = tpu.vector_load %arg7[%get3A_42, %get3A_43] {strides = array<i32>} : memref<4x4096xf32, #tpu.memory_space<vmem>>, vector<16xf32>,
        %add3A_45 = arith.constant 1 : i32
        %add3A_46 = vector.broadcast %add3A_45 : i32 to vector<16xi32>
        %add3A_47 = arith.addi %add3A_34, %add3A_46 : vector<16xi32>
        tpu.vector_store_idx %arg8[%add3A_47], %get3A_44 : memref<16384xf32, #tpu.memory_space<vmem>>[vector<16xi32>], vector<16xf32>,
        %get3A_48 = arith.constant 2 : i32
        %get3A_49 = arith.index_cast %get3A_48 : i32 to index
        %get3A_50 = arith.index_cast %mul3A_27 : i32 to index
        %get3A_51 = tpu.vector_load %arg7[%get3A_49, %get3A_50] {strides = array<i32>} : memref<4x4096xf32, #tpu.memory_space<vmem>>, vector<16xf32>,
        %add3A_52 = arith.constant 2 : i32
        %add3A_53 = vector.broadcast %add3A_52 : i32 to vector<16xi32>
        %add3A_54 = arith.addi %add3A_34, %add3A_53 : vector<16xi32>
        tpu.vector_store_idx %arg8[%add3A_54], %get3A_51 : memref<16384xf32, #tpu.memory_space<vmem>>[vector<16xi32>], vector<16xf32>,
        %get3A_55 = arith.constant 3 : i32
        %get3A_56 = arith.index_cast %get3A_55 : i32 to index
        %get3A_57 = arith.index_cast %mul3A_27 : i32 to index
        %get3A_58 = tpu.vector_load %arg7[%get3A_56, %get3A_57] {strides = array<i32>} : memref<4x4096xf32, #tpu.memory_space<vmem>>, vector<16xf32>,
        %add3A_59 = arith.constant 3 : i32
        %add3A_60 = vector.broadcast %add3A_59 : i32 to vector<16xi32>
        %add3A_61 = arith.addi %add3A_34, %add3A_60 : vector<16xi32>
        tpu.vector_store_idx %arg8[%add3A_61], %get3A_58 : memref<16384xf32, #tpu.memory_space<vmem>>[vector<16xi32>], vector<16xf32>,
      }
      %scan3A_22 = arith.constant 256 : i32
      %mul3A_23 = arith.constant 4 : i32
      %mul3A_24 = arith.muli %add3A_13, %mul3A_23 : i32
      "tpu.region"() ({
        %run_scoped3A_25 = tpu.sem_alloc : memref<!tpu.dma_semaphore, #tpu.memory_space<semaphore_mem>>
        %dma_start3A = tpu.memref_slice %arg6[%mul3A_24] : memref<8388672xf32, #tpu.memory_space<hbm>> -> memref<16384xf32, #tpu.memory_space<hbm>>
        %dma_start3A_26 = tpu.memref_slice %arg6[%mul3A_24] : memref<8388672xf32, #tpu.memory_space<hbm>> -> memref<16384xf32, #tpu.memory_space<hbm>>
        tpu.enqueue_dma source(%arg8 : memref<16384xf32, #tpu.memory_space<vmem>>) target(%dma_start3A_26 : memref<16384xf32, #tpu.memory_space<hbm>>) target_semaphore(%run_scoped3A_25 : memref<!tpu.dma_semaphore, #tpu.memory_space<semaphore_mem>>)
        %dma_wait3A = tpu.memref_slice %arg6[%mul3A_24] : memref<8388672xf32, #tpu.memory_space<hbm>> -> memref<16384xf32, #tpu.memory_space<hbm>>
        %dma_wait3A_27 = tpu.memref_slice %arg6[%mul3A_24] : memref<8388672xf32, #tpu.memory_space<hbm>> -> memref<16384xf32, #tpu.memory_space<hbm>>
        tpu.wait_dma2 semaphore(%run_scoped3A_25 : memref<!tpu.dma_semaphore, #tpu.memory_space<semaphore_mem>>) src(%arg8 : memref<16384xf32, #tpu.memory_space<vmem>>) dst(%dma_wait3A_27 : memref<16384xf32, #tpu.memory_space<hbm>>)
        tpu.yield
      }) : () -> ()
    }
    %scan3A_5 = arith.constant 16 : i32
    %eq3A = arith.constant 0 : i32
    %eq3A_6 = arith.cmpi eq, %add3A, %eq3A : i32
    %convert_element_type3A = arith.extui %eq3A_6 : i1 to i32
    %cond3A = arith.constant 0 : i32
    %cond3A_7 = arith.cmpi ne, %convert_element_type3A, %cond3A : i32
    scf.if %cond3A_7 {
      %broadcast_in_dim3A = arith.constant 0.000000e+00 : f32
      %broadcast_in_dim3A_8 = vector.broadcast %broadcast_in_dim3A : f32 to vector<16xf32>
      %swap3A = arith.constant 0 : index
      %swap3A_9 = tpu.vector_load %arg8[%swap3A] {strides = array<i32>} : memref<16384xf32, #tpu.memory_space<vmem>>, vector<16xf32>,
      tpu.vector_store %arg8[%swap3A], %broadcast_in_dim3A_8 {strides = array<i32>} : memref<16384xf32, #tpu.memory_space<vmem>>, vector<16xf32>,
      %swap3A_10 = arith.constant 16 : index
      %swap3A_11 = tpu.vector_load %arg8[%swap3A_10] {strides = array<i32>} : memref<16384xf32, #tpu.memory_space<vmem>>, vector<16xf32>,
      tpu.vector_store %arg8[%swap3A_10], %broadcast_in_dim3A_8 {strides = array<i32>} : memref<16384xf32, #tpu.memory_space<vmem>>, vector<16xf32>,
      %swap3A_12 = arith.constant 32 : index
      %swap3A_13 = tpu.vector_load %arg8[%swap3A_12] {strides = array<i32>} : memref<16384xf32, #tpu.memory_space<vmem>>, vector<16xf32>,
      tpu.vector_store %arg8[%swap3A_12], %broadcast_in_dim3A_8 {strides = array<i32>} : memref<16384xf32, #tpu.memory_space<vmem>>, vector<16xf32>,
      %swap3A_14 = arith.constant 48 : index
      %swap3A_15 = tpu.vector_load %arg8[%swap3A_14] {strides = array<i32>} : memref<16384xf32, #tpu.memory_space<vmem>>, vector<16xf32>,
      tpu.vector_store %arg8[%swap3A_14], %broadcast_in_dim3A_8 {strides = array<i32>} : memref<16384xf32, #tpu.memory_space<vmem>>, vector<16xf32>,
      "tpu.region"() ({
        %run_scoped3A = tpu.sem_alloc : memref<!tpu.dma_semaphore, #tpu.memory_space<semaphore_mem>>
        %dma_start3A = arith.constant 0 : i32
        %dma_start3A_16 = tpu.memref_slice %arg8[%dma_start3A] : memref<16384xf32, #tpu.memory_space<vmem>> -> memref<64xf32, #tpu.memory_space<vmem>>
        %dma_start3A_17 = arith.constant 8388608 : i32
        %dma_start3A_18 = tpu.memref_slice %arg6[%dma_start3A_17] : memref<8388672xf32, #tpu.memory_space<hbm>> -> memref<64xf32, #tpu.memory_space<hbm>>
        %dma_start3A_19 = arith.constant 8388608 : i32
        %dma_start3A_20 = tpu.memref_slice %arg6[%dma_start3A_19] : memref<8388672xf32, #tpu.memory_space<hbm>> -> memref<64xf32, #tpu.memory_space<hbm>>
        %dma_start3A_21 = arith.constant 0 : i32
        %dma_start3A_22 = tpu.memref_slice %arg8[%dma_start3A_21] : memref<16384xf32, #tpu.memory_space<vmem>> -> memref<64xf32, #tpu.memory_space<vmem>>
        tpu.enqueue_dma source(%dma_start3A_22 : memref<64xf32, #tpu.memory_space<vmem>>) target(%dma_start3A_20 : memref<64xf32, #tpu.memory_space<hbm>>) target_semaphore(%run_scoped3A : memref<!tpu.dma_semaphore, #tpu.memory_space<semaphore_mem>>)
        %dma_wait3A = arith.constant 0 : i32
        %dma_wait3A_23 = tpu.memref_slice %arg8[%dma_wait3A] : memref<16384xf32, #tpu.memory_space<vmem>> -> memref<64xf32, #tpu.memory_space<vmem>>
        %dma_wait3A_24 = arith.constant 8388608 : i32
        %dma_wait3A_25 = tpu.memref_slice %arg6[%dma_wait3A_24] : memref<8388672xf32, #tpu.memory_space<hbm>> -> memref<64xf32, #tpu.memory_space<hbm>>
        %dma_wait3A_26 = arith.constant 8388608 : i32
        %dma_wait3A_27 = tpu.memref_slice %arg6[%dma_wait3A_26] : memref<8388672xf32, #tpu.memory_space<hbm>> -> memref<64xf32, #tpu.memory_space<hbm>>
        %dma_wait3A_28 = arith.constant 0 : i32
        %dma_wait3A_29 = tpu.memref_slice %arg8[%dma_wait3A_28] : memref<16384xf32, #tpu.memory_space<vmem>> -> memref<64xf32, #tpu.memory_space<vmem>>
        tpu.wait_dma2 semaphore(%run_scoped3A : memref<!tpu.dma_semaphore, #tpu.memory_space<semaphore_mem>>) src(%dma_wait3A_29 : memref<64xf32, #tpu.memory_space<vmem>>) dst(%dma_wait3A_27 : memref<64xf32, #tpu.memory_space<hbm>>)
        tpu.yield
      }) : () -> ()
    } else {
    }
    return
  }
}

module attributes {stable_mosaic.version = 14 : i64} {
  func.func @_coords_body(%arg0: i32, %arg1: memref<256x128xf32, #tpu.memory_space<vmem>>, %arg2: memref<256x128xf32, #tpu.memory_space<vmem>>, %arg3: memref<256x128xf32, #tpu.memory_space<vmem>>, %arg4: memref<1x128xf32, #tpu.memory_space<vmem>>, %arg5: memref<256x128xi32, #tpu.memory_space<vmem>>, %arg6: memref<256x128xi32, #tpu.memory_space<vmem>>, %arg7: memref<256x128xf32, #tpu.memory_space<vmem>>, %arg8: memref<256x128xf32, #tpu.memory_space<vmem>>, %arg9: memref<256x128xf32, #tpu.memory_space<vmem>>, %arg10: memref<256x128xf32, #tpu.memory_space<vmem>>) attributes {dimension_semantics = [#tpu.dimension_semantics<arbitrary>], iteration_bounds = array<i64: 31>, scalar_prefetch = 0 : i64, scratch_operands = 0 : i64, tpu.core_type = #tpu.core_type<tc>, window_params = [{transform_indices = @transform_0, window_bounds = array<i64: 256, 128>}, {transform_indices = @transform_1, window_bounds = array<i64: 256, 128>}, {transform_indices = @transform_2, window_bounds = array<i64: 256, 128>}, {pipeline_mode = #tpu.pipeline_mode<synchronous>, transform_indices = @transform_3, window_bounds = array<i64: 1, 128>}, {transform_indices = @transform_4, window_bounds = array<i64: 256, 128>}, {transform_indices = @transform_5, window_bounds = array<i64: 256, 128>}, {transform_indices = @transform_6, window_bounds = array<i64: 256, 128>}, {transform_indices = @transform_7, window_bounds = array<i64: 256, 128>}, {transform_indices = @transform_8, window_bounds = array<i64: 256, 128>}, {transform_indices = @transform_9, window_bounds = array<i64: 256, 128>}]} {
    %get3A = arith.constant 0 : index
    %get3A_0 = arith.constant 0 : index
    %get3A_1 = vector.load %arg1[%get3A, %get3A_0] : memref<256x128xf32, #tpu.memory_space<vmem>>, vector<256x128xf32>
    %get3A_2 = arith.constant 0 : index
    %get3A_3 = arith.constant 0 : index
    %get3A_4 = vector.load %arg2[%get3A_2, %get3A_3] : memref<256x128xf32, #tpu.memory_space<vmem>>, vector<256x128xf32>
    %get3A_5 = arith.constant 0 : index
    %get3A_6 = arith.constant 0 : index
    %get3A_7 = vector.load %arg3[%get3A_5, %get3A_6] : memref<256x128xf32, #tpu.memory_space<vmem>>, vector<256x128xf32>
    %get3A_8 = arith.constant 0 : index
    %get3A_9 = arith.constant 0 : index
    %get3A_10 = vector.load %arg4[%get3A_8, %get3A_9] : memref<1x128xf32, #tpu.memory_space<vmem>>, vector<1x1xf32>
    %get3A_11 = vector.extract %get3A_10[0, 0] : f32 from vector<1x1xf32>
    %get3A_12 = arith.constant 0 : index
    %get3A_13 = arith.constant 1 : index
    %get3A_14 = vector.load %arg4[%get3A_12, %get3A_13] : memref<1x128xf32, #tpu.memory_space<vmem>>, vector<1x1xf32>
    %get3A_15 = vector.extract %get3A_14[0, 0] : f32 from vector<1x1xf32>
    %get3A_16 = arith.constant 0 : index
    %get3A_17 = arith.constant 2 : index
    %get3A_18 = vector.load %arg4[%get3A_16, %get3A_17] : memref<1x128xf32, #tpu.memory_space<vmem>>, vector<1x1xf32>
    %get3A_19 = vector.extract %get3A_18[0, 0] : f32 from vector<1x1xf32>
    %get3A_20 = arith.constant 0 : index
    %get3A_21 = arith.constant 3 : index
    %get3A_22 = vector.load %arg4[%get3A_20, %get3A_21] : memref<1x128xf32, #tpu.memory_space<vmem>>, vector<1x1xf32>
    %get3A_23 = vector.extract %get3A_22[0, 0] : f32 from vector<1x1xf32>
    %get3A_24 = arith.constant 0 : index
    %get3A_25 = arith.constant 4 : index
    %get3A_26 = vector.load %arg4[%get3A_24, %get3A_25] : memref<1x128xf32, #tpu.memory_space<vmem>>, vector<1x1xf32>
    %get3A_27 = vector.extract %get3A_26[0, 0] : f32 from vector<1x1xf32>
    %get3A_28 = arith.constant 0 : index
    %get3A_29 = arith.constant 5 : index
    %get3A_30 = vector.load %arg4[%get3A_28, %get3A_29] : memref<1x128xf32, #tpu.memory_space<vmem>>, vector<1x1xf32>
    %get3A_31 = vector.extract %get3A_30[0, 0] : f32 from vector<1x1xf32>
    %get3A_32 = arith.constant 0 : index
    %get3A_33 = arith.constant 6 : index
    %get3A_34 = vector.load %arg4[%get3A_32, %get3A_33] : memref<1x128xf32, #tpu.memory_space<vmem>>, vector<1x1xf32>
    %get3A_35 = vector.extract %get3A_34[0, 0] : f32 from vector<1x1xf32>
    %get3A_36 = arith.constant 0 : index
    %get3A_37 = arith.constant 7 : index
    %get3A_38 = vector.load %arg4[%get3A_36, %get3A_37] : memref<1x128xf32, #tpu.memory_space<vmem>>, vector<1x1xf32>
    %get3A_39 = vector.extract %get3A_38[0, 0] : f32 from vector<1x1xf32>
    %get3A_40 = arith.constant 0 : index
    %get3A_41 = arith.constant 8 : index
    %get3A_42 = vector.load %arg4[%get3A_40, %get3A_41] : memref<1x128xf32, #tpu.memory_space<vmem>>, vector<1x1xf32>
    %get3A_43 = vector.extract %get3A_42[0, 0] : f32 from vector<1x1xf32>
    %get3A_44 = arith.constant 0 : index
    %get3A_45 = arith.constant 9 : index
    %get3A_46 = vector.load %arg4[%get3A_44, %get3A_45] : memref<1x128xf32, #tpu.memory_space<vmem>>, vector<1x1xf32>
    %get3A_47 = vector.extract %get3A_46[0, 0] : f32 from vector<1x1xf32>
    %get3A_48 = arith.constant 0 : index
    %get3A_49 = arith.constant 10 : index
    %get3A_50 = vector.load %arg4[%get3A_48, %get3A_49] : memref<1x128xf32, #tpu.memory_space<vmem>>, vector<1x1xf32>
    %get3A_51 = vector.extract %get3A_50[0, 0] : f32 from vector<1x1xf32>
    %get3A_52 = arith.constant 0 : index
    %get3A_53 = arith.constant 11 : index
    %get3A_54 = vector.load %arg4[%get3A_52, %get3A_53] : memref<1x128xf32, #tpu.memory_space<vmem>>, vector<1x1xf32>
    %get3A_55 = vector.extract %get3A_54[0, 0] : f32 from vector<1x1xf32>
    %sub3A = vector.broadcast %get3A_47 : f32 to vector<256x128xf32>
    %sub3A_56 = arith.subf %get3A_1, %sub3A : vector<256x128xf32>
    %sub3A_57 = vector.broadcast %get3A_51 : f32 to vector<256x128xf32>
    %sub3A_58 = arith.subf %get3A_4, %sub3A_57 : vector<256x128xf32>
    %sub3A_59 = vector.broadcast %get3A_55 : f32 to vector<256x128xf32>
    %sub3A_60 = arith.subf %get3A_7, %sub3A_59 : vector<256x128xf32>
    %mul3A = vector.broadcast %get3A_11 : f32 to vector<256x128xf32>
    %mul3A_61 = arith.mulf %mul3A, %sub3A_56 : vector<256x128xf32>
    %mul3A_62 = vector.broadcast %get3A_15 : f32 to vector<256x128xf32>
    %mul3A_63 = arith.mulf %mul3A_62, %sub3A_58 : vector<256x128xf32>
    %add3A = arith.addf %mul3A_61, %mul3A_63 : vector<256x128xf32>
    %mul3A_64 = vector.broadcast %get3A_19 : f32 to vector<256x128xf32>
    %mul3A_65 = arith.mulf %mul3A_64, %sub3A_60 : vector<256x128xf32>
    %add3A_66 = arith.addf %add3A, %mul3A_65 : vector<256x128xf32>
    %mul3A_67 = vector.broadcast %get3A_23 : f32 to vector<256x128xf32>
    %mul3A_68 = arith.mulf %mul3A_67, %sub3A_56 : vector<256x128xf32>
    %mul3A_69 = vector.broadcast %get3A_27 : f32 to vector<256x128xf32>
    %mul3A_70 = arith.mulf %mul3A_69, %sub3A_58 : vector<256x128xf32>
    %add3A_71 = arith.addf %mul3A_68, %mul3A_70 : vector<256x128xf32>
    %mul3A_72 = vector.broadcast %get3A_31 : f32 to vector<256x128xf32>
    %mul3A_73 = arith.mulf %mul3A_72, %sub3A_60 : vector<256x128xf32>
    %add3A_74 = arith.addf %add3A_71, %mul3A_73 : vector<256x128xf32>
    %mul3A_75 = vector.broadcast %get3A_35 : f32 to vector<256x128xf32>
    %mul3A_76 = arith.mulf %mul3A_75, %sub3A_56 : vector<256x128xf32>
    %mul3A_77 = vector.broadcast %get3A_39 : f32 to vector<256x128xf32>
    %mul3A_78 = arith.mulf %mul3A_77, %sub3A_58 : vector<256x128xf32>
    %add3A_79 = arith.addf %mul3A_76, %mul3A_78 : vector<256x128xf32>
    %mul3A_80 = vector.broadcast %get3A_43 : f32 to vector<256x128xf32>
    %mul3A_81 = arith.mulf %mul3A_80, %sub3A_60 : vector<256x128xf32>
    %add3A_82 = arith.addf %add3A_79, %mul3A_81 : vector<256x128xf32>
    %mul3A_83 = arith.mulf %add3A_66, %add3A_66 : vector<256x128xf32>
    %mul3A_84 = arith.mulf %add3A_74, %add3A_74 : vector<256x128xf32>
    %add3A_85 = arith.addf %mul3A_83, %mul3A_84 : vector<256x128xf32>
    %sqrt3A = math.sqrt %add3A_85 : vector<256x128xf32>
    %atan23A = math.atan2 %sqrt3A, %add3A_82 : vector<256x128xf32>
    %atan23A_86 = math.atan2 %add3A_74, %add3A_66 : vector<256x128xf32>
    %add3A_87 = arith.constant 3.14159274 : f32
    %add3A_88 = vector.broadcast %add3A_87 : f32 to vector<256x128xf32>
    %add3A_89 = arith.addf %atan23A_86, %add3A_88 : vector<256x128xf32>
    %mul3A_90 = arith.constant 0.159154937 : f32
    %mul3A_91 = vector.broadcast %mul3A_90 : f32 to vector<256x128xf32>
    %mul3A_92 = arith.mulf %add3A_89, %mul3A_91 : vector<256x128xf32>
    %sub3A_93 = arith.constant 1.000000e+00 : f32
    %sub3A_94 = vector.broadcast %sub3A_93 : f32 to vector<256x128xf32>
    %sub3A_95 = arith.subf %sub3A_94, %mul3A_92 : vector<256x128xf32>
    %mul3A_96 = arith.constant 2.048000e+03 : f32
    %mul3A_97 = vector.broadcast %mul3A_96 : f32 to vector<256x128xf32>
    %mul3A_98 = arith.mulf %sub3A_95, %mul3A_97 : vector<256x128xf32>
    %sub3A_99 = arith.constant 5.000000e-01 : f32
    %sub3A_100 = vector.broadcast %sub3A_99 : f32 to vector<256x128xf32>
    %sub3A_101 = arith.subf %mul3A_98, %sub3A_100 : vector<256x128xf32>
    %mul3A_102 = arith.constant 0.318309873 : f32
    %mul3A_103 = vector.broadcast %mul3A_102 : f32 to vector<256x128xf32>
    %mul3A_104 = arith.mulf %atan23A, %mul3A_103 : vector<256x128xf32>
    %mul3A_105 = arith.constant 1.024000e+03 : f32
    %mul3A_106 = vector.broadcast %mul3A_105 : f32 to vector<256x128xf32>
    %mul3A_107 = arith.mulf %mul3A_104, %mul3A_106 : vector<256x128xf32>
    %sub3A_108 = arith.constant 5.000000e-01 : f32
    %sub3A_109 = vector.broadcast %sub3A_108 : f32 to vector<256x128xf32>
    %sub3A_110 = arith.subf %mul3A_107, %sub3A_109 : vector<256x128xf32>
    %floor3A = math.floor %sub3A_101 : vector<256x128xf32>
    %floor3A_111 = math.floor %sub3A_110 : vector<256x128xf32>
    %sub3A_112 = arith.subf %sub3A_101, %floor3A : vector<256x128xf32>
    %sub3A_113 = arith.subf %sub3A_110, %floor3A_111 : vector<256x128xf32>
    %convert_element_type3A = arith.fptosi %floor3A : vector<256x128xf32> to vector<256x128xi32>
    %convert_element_type3A_114 = arith.fptosi %floor3A_111 : vector<256x128xf32> to vector<256x128xi32>
    %add3A_115 = arith.constant 1 : i32
    %add3A_116 = vector.broadcast %add3A_115 : i32 to vector<256x128xi32>
    %add3A_117 = arith.addi %convert_element_type3A, %add3A_116 : vector<256x128xi32>
    %add3A_118 = arith.constant 1 : i32
    %add3A_119 = vector.broadcast %add3A_118 : i32 to vector<256x128xi32>
    %add3A_120 = arith.addi %convert_element_type3A_114, %add3A_119 : vector<256x128xi32>
    %ge3A = arith.constant 0 : i32
    %ge3A_121 = vector.broadcast %ge3A : i32 to vector<256x128xi32>
    %ge3A_122 = arith.cmpi sge, %convert_element_type3A, %ge3A_121 : vector<256x128xi32>
    %le3A = arith.constant 2047 : i32
    %le3A_123 = vector.broadcast %le3A : i32 to vector<256x128xi32>
    %le3A_124 = arith.cmpi sle, %convert_element_type3A, %le3A_123 : vector<256x128xi32>
    %and3A = arith.andi %ge3A_122, %le3A_124 : vector<256x128xi1>
    %ge3A_125 = arith.constant 0 : i32
    %ge3A_126 = vector.broadcast %ge3A_125 : i32 to vector<256x128xi32>
    %ge3A_127 = arith.cmpi sge, %add3A_117, %ge3A_126 : vector<256x128xi32>
    %le3A_128 = arith.constant 2047 : i32
    %le3A_129 = vector.broadcast %le3A_128 : i32 to vector<256x128xi32>
    %le3A_130 = arith.cmpi sle, %add3A_117, %le3A_129 : vector<256x128xi32>
    %and3A_131 = arith.andi %ge3A_127, %le3A_130 : vector<256x128xi1>
    %ge3A_132 = arith.constant 0 : i32
    %ge3A_133 = vector.broadcast %ge3A_132 : i32 to vector<256x128xi32>
    %ge3A_134 = arith.cmpi sge, %convert_element_type3A_114, %ge3A_133 : vector<256x128xi32>
    %le3A_135 = arith.constant 1023 : i32
    %le3A_136 = vector.broadcast %le3A_135 : i32 to vector<256x128xi32>
    %le3A_137 = arith.cmpi sle, %convert_element_type3A_114, %le3A_136 : vector<256x128xi32>
    %and3A_138 = arith.andi %ge3A_134, %le3A_137 : vector<256x128xi1>
    %ge3A_139 = arith.constant 0 : i32
    %ge3A_140 = vector.broadcast %ge3A_139 : i32 to vector<256x128xi32>
    %ge3A_141 = arith.cmpi sge, %add3A_120, %ge3A_140 : vector<256x128xi32>
    %le3A_142 = arith.constant 1023 : i32
    %le3A_143 = vector.broadcast %le3A_142 : i32 to vector<256x128xi32>
    %le3A_144 = arith.cmpi sle, %add3A_120, %le3A_143 : vector<256x128xi32>
    %and3A_145 = arith.andi %ge3A_141, %le3A_144 : vector<256x128xi1>
    %iota3A = tpu.iota {dimensions = array<i32: 0>} : vector<256x128xi32>
    %iota3A_146 = tpu.iota {dimensions = array<i32: 1>} : vector<256x128xi32>
    %mul3A_147 = arith.constant 256 : i32
    %mul3A_148 = arith.muli %arg0, %mul3A_147 : i32
    %add3A_149 = vector.broadcast %mul3A_148 : i32 to vector<256x128xi32>
    %add3A_150 = arith.addi %add3A_149, %iota3A : vector<256x128xi32>
    %mul3A_151 = arith.constant 128 : i32
    %mul3A_152 = vector.broadcast %mul3A_151 : i32 to vector<256x128xi32>
    %mul3A_153 = arith.muli %add3A_150, %mul3A_152 : vector<256x128xi32>
    %add3A_154 = arith.addi %mul3A_153, %iota3A_146 : vector<256x128xi32>
    %lt3A = arith.constant 1000000 : i32
    %lt3A_155 = vector.broadcast %lt3A : i32 to vector<256x128xi32>
    %lt3A_156 = arith.cmpi slt, %add3A_154, %lt3A_155 : vector<256x128xi32>
    %sub3A_157 = arith.constant 1.000000e+00 : f32
    %sub3A_158 = vector.broadcast %sub3A_157 : f32 to vector<256x128xf32>
    %sub3A_159 = arith.subf %sub3A_158, %sub3A_112 : vector<256x128xf32>
    %sub3A_160 = arith.constant 1.000000e+00 : f32
    %sub3A_161 = vector.broadcast %sub3A_160 : f32 to vector<256x128xf32>
    %sub3A_162 = arith.subf %sub3A_161, %sub3A_113 : vector<256x128xf32>
    %and3A_163 = arith.andi %and3A, %and3A_138 : vector<256x128xi1>
    %and3A_164 = arith.andi %and3A_163, %lt3A_156 : vector<256x128xi1>
    %mul3A_165 = arith.mulf %sub3A_159, %sub3A_162 : vector<256x128xf32>
    %jit3A = arith.constant 0.000000e+00 : f32
    %broadcast_in_dim3A = vector.broadcast %jit3A : f32 to vector<256x128xf32>
    %select_n3A = arith.select %and3A_164, %mul3A_165, %broadcast_in_dim3A : vector<256x128xi1>, vector<256x128xf32>
    %swap3A = arith.constant 0 : index
    %swap3A_166 = arith.constant 0 : index
    %swap3A_167 = vector.load %arg7[%swap3A, %swap3A_166] : memref<256x128xf32, #tpu.memory_space<vmem>>, vector<256x128xf32>
    tpu.vector_store %arg7[%swap3A, %swap3A_166], %select_n3A {strides = array<i32>} : memref<256x128xf32, #tpu.memory_space<vmem>>, vector<256x128xf32>,
    %and3A_168 = arith.andi %and3A_131, %and3A_138 : vector<256x128xi1>
    %and3A_169 = arith.andi %and3A_168, %lt3A_156 : vector<256x128xi1>
    %mul3A_170 = arith.mulf %sub3A_112, %sub3A_162 : vector<256x128xf32>
    %jit3A_171 = arith.constant 0.000000e+00 : f32
    %broadcast_in_dim3A_172 = vector.broadcast %jit3A_171 : f32 to vector<256x128xf32>
    %select_n3A_173 = arith.select %and3A_169, %mul3A_170, %broadcast_in_dim3A_172 : vector<256x128xi1>, vector<256x128xf32>
    %swap3A_174 = arith.constant 0 : index
    %swap3A_175 = arith.constant 0 : index
    %swap3A_176 = vector.load %arg8[%swap3A_174, %swap3A_175] : memref<256x128xf32, #tpu.memory_space<vmem>>, vector<256x128xf32>
    tpu.vector_store %arg8[%swap3A_174, %swap3A_175], %select_n3A_173 {strides = array<i32>} : memref<256x128xf32, #tpu.memory_space<vmem>>, vector<256x128xf32>,
    %and3A_177 = arith.andi %and3A, %and3A_145 : vector<256x128xi1>
    %and3A_178 = arith.andi %and3A_177, %lt3A_156 : vector<256x128xi1>
    %mul3A_179 = arith.mulf %sub3A_159, %sub3A_113 : vector<256x128xf32>
    %jit3A_180 = arith.constant 0.000000e+00 : f32
    %broadcast_in_dim3A_181 = vector.broadcast %jit3A_180 : f32 to vector<256x128xf32>
    %select_n3A_182 = arith.select %and3A_178, %mul3A_179, %broadcast_in_dim3A_181 : vector<256x128xi1>, vector<256x128xf32>
    %swap3A_183 = arith.constant 0 : index
    %swap3A_184 = arith.constant 0 : index
    %swap3A_185 = vector.load %arg9[%swap3A_183, %swap3A_184] : memref<256x128xf32, #tpu.memory_space<vmem>>, vector<256x128xf32>
    tpu.vector_store %arg9[%swap3A_183, %swap3A_184], %select_n3A_182 {strides = array<i32>} : memref<256x128xf32, #tpu.memory_space<vmem>>, vector<256x128xf32>,
    %and3A_186 = arith.andi %and3A_131, %and3A_145 : vector<256x128xi1>
    %and3A_187 = arith.andi %and3A_186, %lt3A_156 : vector<256x128xi1>
    %mul3A_188 = arith.mulf %sub3A_112, %sub3A_113 : vector<256x128xf32>
    %jit3A_189 = arith.constant 0.000000e+00 : f32
    %broadcast_in_dim3A_190 = vector.broadcast %jit3A_189 : f32 to vector<256x128xf32>
    %select_n3A_191 = arith.select %and3A_187, %mul3A_188, %broadcast_in_dim3A_190 : vector<256x128xi1>, vector<256x128xf32>
    %swap3A_192 = arith.constant 0 : index
    %swap3A_193 = arith.constant 0 : index
    %swap3A_194 = vector.load %arg10[%swap3A_192, %swap3A_193] : memref<256x128xf32, #tpu.memory_space<vmem>>, vector<256x128xf32>
    tpu.vector_store %arg10[%swap3A_192, %swap3A_193], %select_n3A_191 {strides = array<i32>} : memref<256x128xf32, #tpu.memory_space<vmem>>, vector<256x128xf32>,
    %jit3A_195 = arith.constant 0 : i32
    %jit3A_196 = arith.constant 1023 : i32
    %max3A = vector.broadcast %jit3A_195 : i32 to vector<256x128xi32>
    %max3A_197 = arith.maxsi %max3A, %convert_element_type3A_114 : vector<256x128xi32>
    %min3A = vector.broadcast %jit3A_196 : i32 to vector<256x128xi32>
    %min3A_198 = arith.minsi %min3A, %max3A_197 : vector<256x128xi32>
    %jit3A_199 = arith.constant 0 : i32
    %jit3A_200 = arith.constant 1023 : i32
    %max3A_201 = vector.broadcast %jit3A_199 : i32 to vector<256x128xi32>
    %max3A_202 = arith.maxsi %max3A_201, %add3A_120 : vector<256x128xi32>
    %min3A_203 = vector.broadcast %jit3A_200 : i32 to vector<256x128xi32>
    %min3A_204 = arith.minsi %min3A_203, %max3A_202 : vector<256x128xi32>
    %mul3A_205 = arith.constant 2048 : i32
    %mul3A_206 = vector.broadcast %mul3A_205 : i32 to vector<256x128xi32>
    %mul3A_207 = arith.muli %min3A_198, %mul3A_206 : vector<256x128xi32>
    %add3A_208 = arith.addi %mul3A_207, %convert_element_type3A : vector<256x128xi32>
    %swap3A_209 = arith.constant 0 : index
    %swap3A_210 = arith.constant 0 : index
    %swap3A_211 = vector.load %arg5[%swap3A_209, %swap3A_210] : memref<256x128xi32, #tpu.memory_space<vmem>>, vector<256x128xi32>
    tpu.vector_store %arg5[%swap3A_209, %swap3A_210], %add3A_208 {strides = array<i32>} : memref<256x128xi32, #tpu.memory_space<vmem>>, vector<256x128xi32>,
    %mul3A_212 = arith.constant 2048 : i32
    %mul3A_213 = vector.broadcast %mul3A_212 : i32 to vector<256x128xi32>
    %mul3A_214 = arith.muli %min3A_204, %mul3A_213 : vector<256x128xi32>
    %add3A_215 = arith.addi %mul3A_214, %convert_element_type3A : vector<256x128xi32>
    %swap3A_216 = arith.constant 0 : index
    %swap3A_217 = arith.constant 0 : index
    %swap3A_218 = vector.load %arg6[%swap3A_216, %swap3A_217] : memref<256x128xi32, #tpu.memory_space<vmem>>, vector<256x128xi32>
    tpu.vector_store %arg6[%swap3A_216, %swap3A_217], %add3A_215 {strides = array<i32>} : memref<256x128xi32, #tpu.memory_space<vmem>>, vector<256x128xi32>,
    return
  }
  func.func @transform_0(%arg0: i32) -> (i32, i32) {
    %c0_i32 = arith.constant 0 : i32
    %c0_i32_0 = arith.constant 0 : i32
    return %arg0, %c0_i32 : i32, i32
  }
  func.func @transform_1(%arg0: i32) -> (i32, i32) {
    %c0_i32 = arith.constant 0 : i32
    %c0_i32_0 = arith.constant 0 : i32
    return %arg0, %c0_i32 : i32, i32
  }
  func.func @transform_2(%arg0: i32) -> (i32, i32) {
    %c0_i32 = arith.constant 0 : i32
    %c0_i32_0 = arith.constant 0 : i32
    return %arg0, %c0_i32 : i32, i32
  }
  func.func @transform_3(%arg0: i32) -> (i32, i32) {
    %c0_i32 = arith.constant 0 : i32
    %c0_i32_0 = arith.constant 0 : i32
    %c0_i32_1 = arith.constant 0 : i32
    return %c0_i32, %c0_i32_0 : i32, i32
  }
  func.func @transform_4(%arg0: i32) -> (i32, i32) {
    %c0_i32 = arith.constant 0 : i32
    %c0_i32_0 = arith.constant 0 : i32
    return %arg0, %c0_i32 : i32, i32
  }
  func.func @transform_5(%arg0: i32) -> (i32, i32) {
    %c0_i32 = arith.constant 0 : i32
    %c0_i32_0 = arith.constant 0 : i32
    return %arg0, %c0_i32 : i32, i32
  }
  func.func @transform_6(%arg0: i32) -> (i32, i32) {
    %c0_i32 = arith.constant 0 : i32
    %c0_i32_0 = arith.constant 0 : i32
    return %arg0, %c0_i32 : i32, i32
  }
  func.func @transform_7(%arg0: i32) -> (i32, i32) {
    %c0_i32 = arith.constant 0 : i32
    %c0_i32_0 = arith.constant 0 : i32
    return %arg0, %c0_i32 : i32, i32
  }
  func.func @transform_8(%arg0: i32) -> (i32, i32) {
    %c0_i32 = arith.constant 0 : i32
    %c0_i32_0 = arith.constant 0 : i32
    return %arg0, %c0_i32 : i32, i32
  }
  func.func @transform_9(%arg0: i32) -> (i32, i32) {
    %c0_i32 = arith.constant 0 : i32
    %c0_i32_0 = arith.constant 0 : i32
    return %arg0, %c0_i32 : i32, i32
  }
}

module attributes {stable_mosaic.version = 14 : i64} {
  func.func @_loss_body(%arg0: i32, %arg1: memref<256x128xf32, #tpu.memory_space<vmem>>, %arg2: memref<256x128xf32, #tpu.memory_space<vmem>>, %arg3: memref<256x128xf32, #tpu.memory_space<vmem>>, %arg4: memref<256x128xf32, #tpu.memory_space<vmem>>, %arg5: memref<256x128xf32, #tpu.memory_space<vmem>>, %arg6: memref<256x128xf32, #tpu.memory_space<vmem>>, %arg7: memref<256x128xf32, #tpu.memory_space<vmem>>, %arg8: memref<256x128xf32, #tpu.memory_space<vmem>>, %arg9: memref<1x1xf32, #tpu.memory_space<smem>>, %arg10: memref<1x1xf32, #tpu.memory_space<smem>>) attributes {dimension_semantics = [#tpu.dimension_semantics<arbitrary>], iteration_bounds = array<i64: 31>, scalar_prefetch = 0 : i64, scratch_operands = 0 : i64, tpu.core_type = #tpu.core_type<tc>, window_params = [{transform_indices = @transform_0, window_bounds = array<i64: 256, 128>}, {transform_indices = @transform_1, window_bounds = array<i64: 256, 128>}, {transform_indices = @transform_2, window_bounds = array<i64: 256, 128>}, {transform_indices = @transform_3, window_bounds = array<i64: 256, 128>}, {transform_indices = @transform_4, window_bounds = array<i64: 256, 128>}, {transform_indices = @transform_5, window_bounds = array<i64: 256, 128>}, {transform_indices = @transform_6, window_bounds = array<i64: 256, 128>}, {transform_indices = @transform_7, window_bounds = array<i64: 256, 128>}, {transform_indices = @transform_8, window_bounds = array<i64: 1, 1>}, {transform_indices = @transform_9, window_bounds = array<i64: 1, 1>}]} {
    %get3A = arith.constant 0 : index
    %get3A_0 = arith.constant 0 : index
    %get3A_1 = vector.load %arg1[%get3A, %get3A_0] : memref<256x128xf32, #tpu.memory_space<vmem>>, vector<256x128xf32>
    %get3A_2 = arith.constant 0 : index
    %get3A_3 = arith.constant 0 : index
    %get3A_4 = vector.load %arg2[%get3A_2, %get3A_3] : memref<256x128xf32, #tpu.memory_space<vmem>>, vector<256x128xf32>
    %get3A_5 = arith.constant 0 : index
    %get3A_6 = arith.constant 0 : index
    %get3A_7 = vector.load %arg3[%get3A_5, %get3A_6] : memref<256x128xf32, #tpu.memory_space<vmem>>, vector<256x128xf32>
    %get3A_8 = arith.constant 0 : index
    %get3A_9 = arith.constant 0 : index
    %get3A_10 = vector.load %arg5[%get3A_8, %get3A_9] : memref<256x128xf32, #tpu.memory_space<vmem>>, vector<256x128xf32>
    %sub3A = arith.subf %get3A_1, %get3A_10 : vector<256x128xf32>
    %get3A_11 = arith.constant 0 : index
    %get3A_12 = arith.constant 0 : index
    %get3A_13 = vector.load %arg6[%get3A_11, %get3A_12] : memref<256x128xf32, #tpu.memory_space<vmem>>, vector<256x128xf32>
    %sub3A_14 = arith.subf %get3A_4, %get3A_13 : vector<256x128xf32>
    %get3A_15 = arith.constant 0 : index
    %get3A_16 = arith.constant 0 : index
    %get3A_17 = vector.load %arg7[%get3A_15, %get3A_16] : memref<256x128xf32, #tpu.memory_space<vmem>>, vector<256x128xf32>
    %sub3A_18 = arith.subf %get3A_7, %get3A_17 : vector<256x128xf32>
    %mul3A = arith.mulf %sub3A, %sub3A : vector<256x128xf32>
    %mul3A_19 = arith.mulf %sub3A_14, %sub3A_14 : vector<256x128xf32>
    %add3A = arith.addf %mul3A, %mul3A_19 : vector<256x128xf32>
    %mul3A_20 = arith.mulf %sub3A_18, %sub3A_18 : vector<256x128xf32>
    %add3A_21 = arith.addf %add3A, %mul3A_20 : vector<256x128xf32>
    %sqrt3A = math.sqrt %add3A_21 : vector<256x128xf32>
    %ne3A = arith.constant 0.000000e+00 : f32
    %ne3A_22 = vector.broadcast %ne3A : f32 to vector<256x128xf32>
    %ne3A_23 = arith.cmpf one, %get3A_1, %ne3A_22 : vector<256x128xf32>
    %ne3A_24 = arith.constant 0.000000e+00 : f32
    %ne3A_25 = vector.broadcast %ne3A_24 : f32 to vector<256x128xf32>
    %ne3A_26 = arith.cmpf one, %get3A_4, %ne3A_25 : vector<256x128xf32>
    %or3A = arith.ori %ne3A_23, %ne3A_26 : vector<256x128xi1>
    %ne3A_27 = arith.constant 0.000000e+00 : f32
    %ne3A_28 = vector.broadcast %ne3A_27 : f32 to vector<256x128xf32>
    %ne3A_29 = arith.cmpf one, %get3A_7, %ne3A_28 : vector<256x128xf32>
    %or3A_30 = arith.ori %or3A, %ne3A_29 : vector<256x128xi1>
    %jit3A = arith.constant 1.000000e+00 : f32
    %jit3A_31 = arith.constant 0.000000e+00 : f32
    %broadcast_in_dim3A = vector.broadcast %jit3A : f32 to vector<256x128xf32>
    %broadcast_in_dim3A_32 = vector.broadcast %jit3A_31 : f32 to vector<256x128xf32>
    %select_n3A = arith.select %or3A_30, %broadcast_in_dim3A, %broadcast_in_dim3A_32 : vector<256x128xi1>, vector<256x128xf32>
    %get3A_33 = arith.constant 0 : index
    %get3A_34 = arith.constant 0 : index
    %get3A_35 = vector.load %arg4[%get3A_33, %get3A_34] : memref<256x128xf32, #tpu.memory_space<vmem>>, vector<256x128xf32>
    %get3A_36 = arith.constant 0 : index
    %get3A_37 = arith.constant 0 : index
    %get3A_38 = vector.load %arg8[%get3A_36, %get3A_37] : memref<256x128xf32, #tpu.memory_space<vmem>>, vector<256x128xf32>
    %add3A_39 = arith.addf %get3A_35, %get3A_38 : vector<256x128xf32>
    %mul3A_40 = arith.constant 5.000000e-01 : f32
    %mul3A_41 = vector.broadcast %mul3A_40 : f32 to vector<256x128xf32>
    %mul3A_42 = arith.mulf %mul3A_41, %add3A_39 : vector<256x128xf32>
    %mul3A_43 = arith.mulf %mul3A_42, %sqrt3A : vector<256x128xf32>
    %mul3A_44 = arith.mulf %mul3A_43, %select_n3A : vector<256x128xf32>
    %reduce_sum3A = vector.shape_cast %mul3A_44 : vector<256x128xf32> to vector<1x256x128xf32>
    %reduce_sum3A_45 = arith.constant dense<0.000000e+00> : vector<1xf32>
    %reduce_sum3A_46 = vector.multi_reduction <add>, %reduce_sum3A, %reduce_sum3A_45 [1, 2] : vector<1x256x128xf32> to vector<1xf32>
    %reduce_sum3A_47 = vector.shape_cast %reduce_sum3A_46 : vector<1xf32> to vector<1x1x1xf32>
    %reduce_sum3A_48 = vector.extract %reduce_sum3A_47[0, 0, 0] : f32 from vector<1x1x1xf32>
    %reduce_sum3A_49 = vector.shape_cast %select_n3A : vector<256x128xf32> to vector<1x256x128xf32>
    %reduce_sum3A_50 = arith.constant dense<0.000000e+00> : vector<1xf32>
    %reduce_sum3A_51 = vector.multi_reduction <add>, %reduce_sum3A_49, %reduce_sum3A_50 [1, 2] : vector<1x256x128xf32> to vector<1xf32>
    %reduce_sum3A_52 = vector.shape_cast %reduce_sum3A_51 : vector<1xf32> to vector<1x1x1xf32>
    %reduce_sum3A_53 = vector.extract %reduce_sum3A_52[0, 0, 0] : f32 from vector<1x1x1xf32>
    %eq3A = arith.constant 0 : i32
    %eq3A_54 = arith.cmpi eq, %arg0, %eq3A : i32
    %convert_element_type3A = arith.extui %eq3A_54 : i1 to i32
    %cond3A = arith.constant 0.000000e+00 : f32
    %cond3A_55 = arith.constant 0 : i32
    %cond3A_56 = arith.cmpi ne, %convert_element_type3A, %cond3A_55 : i32
    scf.if %cond3A_56 {
      %swap3A_70 = arith.constant 0 : index
      %swap3A_71 = arith.constant 0 : index
      %swap3A_72 = memref.load %arg9[%swap3A_70, %swap3A_71] : memref<1x1xf32, #tpu.memory_space<smem>>
      memref.store %cond3A, %arg9[%swap3A_70, %swap3A_71] : memref<1x1xf32, #tpu.memory_space<smem>>
      %swap3A_73 = arith.constant 0 : index
      %swap3A_74 = arith.constant 0 : index
      %swap3A_75 = memref.load %arg10[%swap3A_73, %swap3A_74] : memref<1x1xf32, #tpu.memory_space<smem>>
      memref.store %cond3A, %arg10[%swap3A_73, %swap3A_74] : memref<1x1xf32, #tpu.memory_space<smem>>
    } else {
    }
    %get3A_57 = arith.constant 0 : index
    %get3A_58 = arith.constant 0 : index
    %get3A_59 = memref.load %arg9[%get3A_57, %get3A_58] : memref<1x1xf32, #tpu.memory_space<smem>>
    %add3A_60 = arith.addf %get3A_59, %reduce_sum3A_48 : f32
    %swap3A = arith.constant 0 : index
    %swap3A_61 = arith.constant 0 : index
    %swap3A_62 = memref.load %arg9[%swap3A, %swap3A_61] : memref<1x1xf32, #tpu.memory_space<smem>>
    memref.store %add3A_60, %arg9[%swap3A, %swap3A_61] : memref<1x1xf32, #tpu.memory_space<smem>>
    %get3A_63 = arith.constant 0 : index
    %get3A_64 = arith.constant 0 : index
    %get3A_65 = memref.load %arg10[%get3A_63, %get3A_64] : memref<1x1xf32, #tpu.memory_space<smem>>
    %add3A_66 = arith.addf %get3A_65, %reduce_sum3A_53 : f32
    %swap3A_67 = arith.constant 0 : index
    %swap3A_68 = arith.constant 0 : index
    %swap3A_69 = memref.load %arg10[%swap3A_67, %swap3A_68] : memref<1x1xf32, #tpu.memory_space<smem>>
    memref.store %add3A_66, %arg10[%swap3A_67, %swap3A_68] : memref<1x1xf32, #tpu.memory_space<smem>>
    return
  }
  func.func @transform_0(%arg0: i32) -> (i32, i32) {
    %c0_i32 = arith.constant 0 : i32
    %c0_i32_0 = arith.constant 0 : i32
    return %arg0, %c0_i32 : i32, i32
  }
  func.func @transform_1(%arg0: i32) -> (i32, i32) {
    %c0_i32 = arith.constant 0 : i32
    %c0_i32_0 = arith.constant 0 : i32
    return %arg0, %c0_i32 : i32, i32
  }
  func.func @transform_2(%arg0: i32) -> (i32, i32) {
    %c0_i32 = arith.constant 0 : i32
    %c0_i32_0 = arith.constant 0 : i32
    return %arg0, %c0_i32 : i32, i32
  }
  func.func @transform_3(%arg0: i32) -> (i32, i32) {
    %c0_i32 = arith.constant 0 : i32
    %c0_i32_0 = arith.constant 0 : i32
    return %arg0, %c0_i32 : i32, i32
  }
  func.func @transform_4(%arg0: i32) -> (i32, i32) {
    %c0_i32 = arith.constant 0 : i32
    %c0_i32_0 = arith.constant 0 : i32
    return %arg0, %c0_i32 : i32, i32
  }
  func.func @transform_5(%arg0: i32) -> (i32, i32) {
    %c0_i32 = arith.constant 0 : i32
    %c0_i32_0 = arith.constant 0 : i32
    return %arg0, %c0_i32 : i32, i32
  }
  func.func @transform_6(%arg0: i32) -> (i32, i32) {
    %c0_i32 = arith.constant 0 : i32
    %c0_i32_0 = arith.constant 0 : i32
    return %arg0, %c0_i32 : i32, i32
  }
  func.func @transform_7(%arg0: i32) -> (i32, i32) {
    %c0_i32 = arith.constant 0 : i32
    %c0_i32_0 = arith.constant 0 : i32
    return %arg0, %c0_i32 : i32, i32
  }
  func.func @transform_8(%arg0: i32) -> (i32, i32) {
    %c0_i32 = arith.constant 0 : i32
    %c0_i32_0 = arith.constant 0 : i32
    %c0_i32_1 = arith.constant 0 : i32
    return %c0_i32, %c0_i32_0 : i32, i32
  }
  func.func @transform_9(%arg0: i32) -> (i32, i32) {
    %c0_i32 = arith.constant 0 : i32
    %c0_i32_0 = arith.constant 0 : i32
    %c0_i32_1 = arith.constant 0 : i32
    return %c0_i32, %c0_i32_0 : i32, i32
  }
}

</mosaic_0001>

<sc_bundles>
// kernel: kernel.6.cloned.1.call-start
scs
__scs_entry_jumppad:
0x0: {  	(pc) =	sbr.rel $0x88, $3  }
0x1: {  	(tag) =	ssettag $0x0;
	lr =	simm.s32 $0x1  }
0x2: {  	[smem:$0x3F98] =	sst lr;
	_ =	strace $0xD0000000  }
0x3: {  	_ = 	snop  }
0x4: {  	_ = 	snop  }
0x5: {  	_ = 	snop  }
0x6: {  	_ = 	snop  }
0x7: {  	_ = 	snop  }
__scs_overlays_trampoline_lowered:
0x8: {  	[smem:$0x3FA7] =	sst s0  }
0x9: {  	[smem:$0x3FA8] =	sst s1  }
0xa: {  	[smem:$0x3FA9] =	sst s2  }
0xb: {  	[smem:$0x3FAA] =	sst s3  }
0xc: {  	[smem:$0x3FAB] =	sst s4  }
0xd: {  	[smem:$0x3FAC] =	sst s5  }
0xe: {  	[smem:$0x3FAD] =	sst s6  }
0xf: {  	[smem:$0x3FAE] =	sst s7  }
0x10: {  	[smem:$0x3FAF] =	sst s8  }
0x11: {  	[smem:$0x3FB0] =	sst s9;
	s0 =	simm.s32 @!p0 $0x0  }
0x12: {  	s1 =	sld [smem:$0x3F96];
	s0 =	simm.s32 @p0 $0x1  }
0x13: {  	[smem:$0x3FB1] =	sst s0;
	s0 =	simm.s32 @!p1 $0x0  }
0x14: {  	s2 =	sld [smem:$0x3F95];
	s0 =	simm.s32 @p1 $0x1  }
0x15: {  	[smem:$0x3FB2] =	sst s0;
	s0 =	simm.s32 @!p2 $0x0  }
0x16: {  	s3 =	sld [smem:$0x3FDB];
	s0 =	simm.s32 @p2 $0x1  }
0x17: {  	s4 =	simm.s32 $0x1BF5;
	[smem:$0x3FB4] =	sst s0  }
0x18: {  	s0 =	sld [smem:$0x3F97];
	_ =	swait.ge [sflag:s4], $0x0  }
0x19: {  	s7 =	sld [smem:$0x3F98]  }
0x1a: {  	s8 =	sadd.s32 $0xFFFFE003, lr  }
0x1b: {  	s9 =	sadd.s32 $0xFFFFFEF7, lr;
	s5 =	simm.s32 $0xFFFFFFFF;
	p2 =	slt.u32 s8, $0xFFFFF086  }
0x1c: {  	p1 =	slt.u32 s9, $0xF7A;
	s5 =	simm.s32 @!p2 $0x0  }
0x1d: {  	s5 =	simm.s32 @p1 $0x1;
	p0 =	seq.s32 s7, s2  }
0x1e: {  	s7 =	smul.u32 @!p0 $0xF7A, s2;
	p2 =	seq.s32 @!p0 s5, $0x0  }
0x1f: {  	s9 =	smul.u32 $0xF7A, s1;
	s8 =	simm.s32 @!p0 $0x1BF5;
	p2 =	por !p2, p0  }
0x20: {  	[sflag:s8] =	ssyncset.s32 @!p0 $0xFFFFF086;
	s6 =	sadd.s32 @!p0 s3, s7;
	s7 =	simm.s32 @!p0 $0x108  }
0x21: {  	s3 =	sadd.s32 s3, s9;
	s6 =	sadd.s32 @!p0 $0x88, s6;
	s7 =	simm.s32 @p2 $0x1082  }
0x22: {  	[simem:s7], [sflag:s8] =	dma.local @!p0 [hbm:s6], $0xF7A  }
0x23: {  	s9 =	sor.u32 $0xD0000000, s2;
	s6 =	simm.s32 $0x108;
	_ =	swait.ge @!p0 [sflag:s8], $0x0  }
0x24: {  	s3 =	sadd.s32 $0x88, s3;
	s6 =	simm.s32 @!p1 $0x1082;
	[sflag:s4] =	ssyncset.s32 $0xFFFFF086  }
0x25: {  	[simem:s6], [sflag:s4] =	dma.local [hbm:s3], $0xF7A  }
0x26: {  	[smem:$0x3F98] =	sst s1;
	(tag) =	ssettag s2;
	_ =	strace s9  }
0x27: {  	s1 =	sld [smem:$0x3FA8]  }
0x28: {  	s2 =	sld [smem:$0x3FA9]  }
0x29: {  	s4 =	sld [smem:$0x3FAB]  }
0x2a: {  	p0 =	seq.s32 s5, $0x0;
	s5 =	sld [smem:$0x3FAC]  }
0x2b: {  	s6 =	sld [smem:$0x3FAD]  }
0x2c: {  	s7 =	sld [smem:$0x3FAE]  }
0x2d: {  	s3 =	simm.s32 $0x108;
	s8 =	sld [smem:$0x3FAF]  }
0x2e: {  	s3 =	simm.s32 @!p0 $0x1082;
	s9 =	sld [smem:$0x3FB0]  }
0x2f: {  	lr =	sadd.s32 s0, s3;
	s0 =	sld [smem:$0x3FA7]  }
0x30: {  	s3 =	sld [smem:$0x3FAA]  }
0x31: {  	[smem:$0x3FB3] =	sst s10  }
0x32: {  	s10 =	sld [smem:$0x3FB1];
	_ =	sdelay $0x3  }
0x33: {  	p0 =	seq.s32 s10, $0x1;
	s10 =	sld [smem:$0x3FB3];
	_ =	sdelay $0x3  }
0x34: {  	[smem:$0x3FB3] =	sst s10  }
0x35: {  	s10 =	sld [smem:$0x3FB2];
	_ =	sdelay $0x3  }
0x36: {  	p1 =	seq.s32 s10, $0x1;
	s10 =	sld [smem:$0x3FB3];
	_ =	sdelay $0x3  }
0x37: {  	[smem:$0x3FB3] =	sst s10  }
0x38: {  	s10 =	sld [smem:$0x3FB4]  }
0x39: {  	_ = 	snop;
	(pc) =	sbr.ind lr, $3  }
0x3a: {  	_ = 	snop  }
0x3b: {  	_ = 	snop  }
0x3c: {  	p2 =	seq.s32 s10, $0x1;
	s10 =	sld [smem:$0x3FB3]  }
0x3d: {  	_ =	shalt  }
0x3e: {  	_ =	shalt  }
0x3f: {  	_ =	shalt  }
0x40: {  	_ =	shalt  }
0x41: {  	_ =	shalt  }
0x42: {  	_ =	shalt  }
0x43: {  	_ =	shalt  }
0x44: {  	_ =	shalt  }
0x45: {  	_ =	shalt  }
0x46: {  	_ =	shalt  }
0x47: {  	_ =	shalt  }
0x48: {  	_ =	shalt  }
0x49: {  	_ =	shalt  }
0x4a: {  	_ =	shalt  }
0x4b: {  	_ =	shalt  }
0x4c: {  	_ =	shalt  }
0x4d: {  	_ =	shalt  }
0x4e: {  	_ =	shalt  }
0x4f: {  	_ =	shalt  }
0x50: {  	_ =	shalt  }
0x51: {  	_ =	shalt  }
0x52: {  	_ =	shalt  }
0x53: {  	_ =	shalt  }
0x54: {  	_ =	shalt  }
0x55: {  	_ =	shalt  }
0x56: {  	_ =	shalt  }
0x57: {  	_ =	shalt  }
0x58: {  	_ =	shalt  }
0x59: {  	_ =	shalt  }
0x5a: {  	_ =	shalt  }
0x5b: {  	_ =	shalt  }
0x5c: {  	_ =	shalt  }
0x5d: {  	_ =	shalt  }
0x5e: {  	_ =	shalt  }
0x5f: {  	_ =	shalt  }
0x60: {  	_ =	shalt  }
0x61: {  	_ =	shalt  }
0x62: {  	_ =	shalt  }
0x63: {  	_ =	shalt  }
0x64: {  	_ =	shalt  }
0x65: {  	_ =	shalt  }
0x66: {  	_ =	shalt  }
0x67: {  	_ =	shalt  }
0x68: {  	_ =	shalt  }
0x69: {  	_ =	shalt  }
0x6a: {  	_ =	shalt  }
0x6b: {  	_ =	shalt  }
0x6c: {  	_ =	shalt  }
0x6d: {  	_ =	shalt  }
0x6e: {  	_ =	shalt  }
0x6f: {  	_ =	shalt  }
0x70: {  	_ =	shalt  }
0x71: {  	_ =	shalt  }
0x72: {  	_ =	shalt  }
0x73: {  	_ =	shalt  }
0x74: {  	_ =	shalt  }
0x75: {  	_ =	shalt  }
0x76: {  	_ =	shalt  }
0x77: {  	_ =	shalt  }
0x78: {  	_ =	shalt  }
0x79: {  	_ =	shalt  }
0x7a: {  	_ =	shalt  }
0x7b: {  	_ =	shalt  }
0x7c: {  	_ =	shalt  }
0x7d: {  	_ =	shalt  }
0x7e: {  	_ =	shalt  }
0x7f: {  	_ =	shalt  }
0x80: {  	_ =	shalt  }
0x81: {  	_ =	shalt  }
0x82: {  	_ =	shalt  }
0x83: {  	_ =	shalt  }
0x84: {  	_ =	shalt  }
0x85: {  	_ =	shalt  }
0x86: {  	_ =	shalt  }
0x87: {  	_ =	shalt  }
.Lfunc_end0:
.L_simem_size_0:
called_computation_lowered:
.L_overlay_start_0:
0x88: {  	s2 =	sld [smem:$0x3FD9]  }
0x89: {  	s3 =	sld [smem:$0x3FFE];
	_ =	sdelay $0x1  }
0x8a: {  	s1 =	srdreg.scid  }
0x8b: {  	s0 =	sand.u32 $0x1, s1  }
0x8c: {  	s17 =	sshll.u32 s0, $0xA;
	s2 =	sadd.s32 s3, s2  }
0x8d: {  	s2 =	sadd.s32 s2, s17  }
0x8e: {  	[smem:$0x3FBF] =	sst s2  }
0x8f: {  	_ = 	snop  }
0x90: {  	s2 =	sld [smem:$0x3FC6];
	(tm) =	ssettm $0x1  }
0x91: {  	s18 =	sld [smem:$0x3FFB];
	_ =	sdelay $0x3  }
0x92: {  	_ =	strace s18  }
0x93: {  	s3 =	sld [smem:$0x3FFC];
	_ =	sdelay $0x3  }
0x94: {  	_ =	strace s3  }
0x95: {  	s3 =	sld [smem:$0x3FFD];
	_ =	sdelay $0x3  }
0x96: {  	_ =	strace s3  }
0x97: {  	_ =	strace $0x8FFFFFFF  }
0x98: {  	s19 =	sld [smem:$0x3FDB];
	_ =	sdelay $0x1  }
0x99: {  	s4 =	simm.s32 $_scs_section_size  }
0x9a: {  	s5 =	simm.s32 $_size__tile_overlayer_lowered;
	s6 =	simm.s32 $_tile_overlayer_lowered  }
0x9b: {  	s22 =	simm.s32 $0x1BFF;
	s21 =	sshll.u32 s6, $0x1;
	s3 =	sadd.s32 s4, s19  }
0x9c: {  	s7 =	simm.s32 $0x0;
	s20 =	sshll.u32 s5, $0x1;
	s5 =	sadd.s32 s21, s3  }
0x9d: {  	[timem:s7], [sflag:s22] =	dma.local [hbm:s5], s20  }
0x9e: {  	_ =	swait.ge [sflag:s22], s20  }
0x9f: {  	s4 =	ssub.s32 $0x0, s20;
	[sflag:s22] =	ssyncset.done $0x0  }
0xa0: {  	[sflag:s22] =	ssyncadd.s32 s4;
	_ =	sdelay $0x1  }
0xa1: {  	s23 =	simm.s32 $0x1B8B  }
0xa2: {  	_ =	swait.ge [sflag:s23], $0x1  }
0xa3: {  	[sflag:s23] =	ssyncset.done $0x0  }
0xa4: {  	s25 =	simm.s32 $0x1B8E;
	s24 =	sld [smem:$0x3FFE];
	[sflag:s23] =	ssyncadd.s32 $0xFFFFFFFF  }
0xa5: {  	s26 =	simm.s32 $execute0_lowered;
	[smem:$0x3FD2] =	sst s25  }
0xa6: {  	s5 =	sshll.u32 s26, $0x1;
	_ =	strace $0x80000046;
	[dreg:$0x1] =	wrdreg $0xFFFFFFFF  }
0xa7: {  	s28 =	simm.s32 $_size_execute0_lowered;
	s3 =	sadd.s32 s3, s5;
	[dreg:$0x0] =	wrdreg $0x0  }
0xa8: {  	s5 =	sshll.u32 s28, $0x1;
	[dreg:$0x2] =	wrdreg s3  }
0xa9: {  	[dreg:$0x3] =	wrdreg s5  }
0xaa: {  	[dreg:$0x4] =	wrdreg $0xC0  }
0xab: {  	_ =	task [dreg:s7], $0x5FFFF  }
0xac: {  	[dreg:$0x1] =	wrdreg $0xFFFFFFFF  }
0xad: {  	[dreg:$0x0] =	wrdreg $0x60  }
0xae: {  	[dreg:$0x2] =	wrdreg s24  }
0xaf: {  	[dreg:$0x3] =	wrdreg s2  }
0xb0: {  	[dreg:$0x4] =	wrdreg $0x9  }
0xb1: {  	_ =	task.clear_ibuf [dreg:s7], $0x5FFFF;
	_ =	strace $0x90000046  }
0xb2: {  	s29 =	simm.s32 $0x9;
	_ =	strace $0x80000048  }
0xb3: {  	_ =	swait.ge [sflag:s29], $0x1  }
0xb4: {  	[sflag:s29] =	ssyncadd.s32 $0xFFFFFFFF  }
0xb5: {  	_ =	strace $0x90000048  }
0xb6: {  	_ =	sfence  }
0xb7: {  	s30 =	sld [smem:$0x0];
	_ =	sdelay $0x2  }
0xb8: {  	s31 =	sshll.u32 s1, $0xD;
	s1 =	sshrl.u32 s1, $0x2  }
0xb9: {  	s3 =	sand.u32 $0x4000, s31;
	s1 =	sadd.s32 s1, s30  }
0xba: {  	s0 =	sor.u32 s3, s0;
	s1 =	sshll.u32 s1, $0x11  }
0xbb: {  	s0 =	sor.u32 s1, s0  }
0xbc: {  	s0 =	sadd.s32 $0x8F2B, s0  }
0xbd: {  	[sflag:s0] =	ssyncadd.remote.s32 $0x1  }
0xbe: {  	_ =	sfence.sel $0xFFFF  }
0xbf: {  	[dreg:$0x0] =	wrdreg $0xFFFFFFFF;
	(pc) =	sbr.abs _section_cstart, $3  }
0xc0: {  	[dreg:$0x1] =	wrdreg $0xFFFFFFFF  }
0xc1: {  	_ =	task.clear_ibuf [dreg:s7], $0x2FFFF;
	_ =	strace $0x9FFFFFFF  }
0xc2: {  	(tm) =	ssettm $0x7FFFFFFF  }
0xc3: {  	_ =	shalt  }
tec
execute0_lowered:
.L_overlay_start_1:
0x0: {  	(tag) =	ssettag $0x1  }
0x1: {  	s9 =	rddreg [dreg:$0x0]  }
0x2: {  	s1 =	rddreg [dreg:$0x1]  }
0x3: {  	s0 =	rddreg [dreg:$0x2];
	s2 =	simm.s32 $0x0  }
0x4: {  	s5 =	srdreg.scid;
	s3 =	stileid.u32;
	s12 =	simm.s32 $0x1000  }
0x5: {  	s13 =	simm.s32 $0x2000;
	s14 =	simm.s32 $0x3000;
	s15 =	simm.s32 $0x4000  }
0x6: {  	[smem:$0x7FF] =	sst s2;
	s4 =	sadd.s32 $0x4E00, s9;
	s7 =	sand.u32 $0x1, s5  }
0x7: {  	v0 =	vlaneseq.u32;
	s5 =	sadd.s32 $0x44E00, s9;
	s10 =	sshll.u32 s3, $0x1;
	s6 =	sadd.s32 $0x84E00, s9  }
0x8: {  	v1 =	vand.u32 $0x1, v0;
	v0 =	vmul.u32 $0x4, v0;
	_ =	strace $0x80000047;
	s8 =	ssub.s32 $0x2, s7;
	s16 =	sor.u32 s7, s10  }
0x9: {  	s7 =	sadd.s32 $0xC4E00, s9;
	v1 =	vmul.u32 $0x4, v1;
	s9 =	sadd.s32 $0x1C4E00, s9;
	s11 =	sshrl.u32 s8, $0x1  }
0xa: {  	v2 =	vor.u32 $0x1, v0;
	p0 =	sne.s32 s16, $0x0;
	s31 =	ssub.s32 s8, s11;
	s8 =	sshll.u32 s16, $0x10  }
0xb: {  	v3 =	vor.u32 $0x2, v0;
	v4 =	vor.u32 $0x3, v0;
	s11 =	simm.s32 $0x1;
	v1 =	vor.u32 $0xFFFFFFF8, v1;
	s16 =	simm.s32 $0x0;
	s10 =	smax.u32 s31, $0x1  }
.LBB2_1:
0xc: {  	s17 =	simm.s32 $0x0  }
.LBB2_2:
0xd: {  	s18 =	sshll.u32 s17, $0xC  }
0xe: {  	s18 =	sadd.s32 s8, s18  }
0xf: {  	s20 =	sshrl.u32 s18, $0x3  }
0x10: {  	s19 =	simm.s32 $0x0;
	s21 =	sadd.s32 s4, s20  }
0x11: {  	[tilespmem:s19], [sflag:$0x1] =	stream.linear.gather [hbm4b:s21+s19], $0x1000, $0x38;
	[tilespmem:$0x8000] =	vst v63  }
0x12: {  	_ =	swait.ge [sflag:s11], $0x1000  }
0x13: {  	[sflag:s11] =	ssyncset.done $0x0  }
0x14: {  	s30 =	sadd.s32 s5, s20;
	[sflag:s11] =	ssyncadd.s32 $0xFFFFF000  }
0x15: {  	[tilespmem:s12], [sflag:$0x1] =	stream.linear.gather [hbm4b:s30+s19], $0x1000, $0x38;
	[tilespmem:$0x8000] =	vst v63  }
0x16: {  	_ =	swait.ge [sflag:s11], $0x1000  }
0x17: {  	[sflag:s11] =	ssyncset.done $0x0  }
0x18: {  	s31 =	sadd.s32 s6, s20;
	[sflag:s11] =	ssyncadd.s32 $0xFFFFF000  }
0x19: {  	[tilespmem:s13], [sflag:$0x1] =	stream.linear.gather [hbm4b:s31+s19], $0x1000, $0x38;
	[tilespmem:$0x8000] =	vst v63  }
0x1a: {  	_ =	swait.ge [sflag:s11], $0x1000  }
0x1b: {  	[sflag:s11] =	ssyncset.done $0x0  }
0x1c: {  	s20 =	sadd.s32 s1, s20;
	[sflag:s11] =	ssyncadd.s32 $0xFFFFF000  }
0x1d: {  	[tilespmem:s14], [sflag:$0x1] =	stream.linear.gather [hbm4b:s20+s19], $0x1000, $0x38;
	[tilespmem:$0x8000] =	vst v63  }
0x1e: {  	_ =	swait.ge [sflag:s11], $0x1000  }
0x1f: {  	[sflag:s11] =	ssyncset.done $0x0  }
0x20: {  	v5 =	vor.u32 s19, v0;
	s21 =	simm.s32 $0x40;
	s20 =	simm.s32 $0x0;
	[sflag:s11] =	ssyncadd.s32 $0xFFFFF000  }
.LBB2_3:
0x21: {  	p1 =	sne.s32 s21, $0x3FC0;
	v6 =	vld [tilespmem:s20+$0x0];
	v5 =	vand.u32 v1, v5;
	_ =	sdelay $0x4  }
0x22: {  	[tilespmem:v5+s15+$0x0] =	vst.idx.msk $0xffff, v6  }
0x23: {  	v6 =	vor.u32 s19, v2;
	v5 =	vld [tilespmem:s20+$0x1000];
	_ =	sdelay $0x4  }
0x24: {  	[tilespmem:v6+s15+$0x0] =	vst.idx.msk $0xffff, v5  }
0x25: {  	v6 =	vor.u32 s19, v3;
	v5 =	vld [tilespmem:s20+$0x2000];
	_ =	sdelay $0x4  }
0x26: {  	[tilespmem:v6+s15+$0x0] =	vst.idx.msk $0xffff, v5  }
0x27: {  	v7 =	vor.u32 s19, v4;
	s19 =	smov.u32 s21;
	v6 =	vld [tilespmem:s20+$0x3000]  }
.Ltmp0:
0x28: {  	(pc) =	sbr.rel @p1 .LBB2_3-.Ltmp0, $2  }
0x29: {  	_ =	sdelay $0x2  }
0x2a: {  	s21 =	sadd.s32 $0x40, s21;
	v5 =	vor.u32 s19, v0;
	s20 =	sshra.s32 s19, $0x2;
	[tilespmem:v7+s15+$0x0] =	vst.idx.msk $0xffff, v6  }
0x2b: {  	v6 =	vld [tilespmem:s20+$0x0];
	v5 =	vand.u32 v1, v5;
	_ =	sdelay $0x4  }
0x2c: {  	[tilespmem:v5+s15+$0x0] =	vst.idx.msk $0xffff, v6  }
0x2d: {  	v6 =	vor.u32 s19, v2;
	v5 =	vld [tilespmem:s20+$0x1000];
	_ =	sdelay $0x4  }
0x2e: {  	[tilespmem:v6+s15+$0x0] =	vst.idx.msk $0xffff, v5  }
0x2f: {  	v6 =	vor.u32 s19, v3;
	v5 =	vld [tilespmem:s20+$0x2000];
	_ =	sdelay $0x4  }
0x30: {  	[tilespmem:v6+s15+$0x0] =	vst.idx.msk $0xffff, v5  }
0x31: {  	v6 =	vor.u32 s19, v4;
	v5 =	vld [tilespmem:s20+$0x3000];
	_ =	sdelay $0x2  }
0x32: {  	s17 =	sadd.s32 $0x1, s17  }
0x33: {  	s18 =	sshrl.u32 s18, $0x1;
	p1 =	sne.s32 s17, $0x10  }
.Ltmp1:
0x34: {  	s18 =	sadd.s32 s7, s18;
	[tilespmem:v6+s15+$0x0] =	vst.idx.msk $0xffff, v5;
	(pc) =	sbr.rel @p1 .LBB2_2-.Ltmp1, $4  }
0x35: {  	[hbm4b:s18+s2] =	stream.linear.scatter [tilespmem:s15], [sflag:$0x1], $0x4000, $0x38;
	[tilespmem:$0x8000] =	vst v63  }
0x36: {  	_ =	swait.ge [sflag:s11], $0x4000  }
0x37: {  	[sflag:s11] =	ssyncset.done $0x0  }
0x38: {  	[sflag:s11] =	ssyncadd.s32 $0xFFFFC000  }
0x39: {  	v5 =	vimm.f32 @!p0 $0.0e+00  }
0x3a: {  	[tilespmem:$0x4000] =	vst @!p0 v5  }
0x3b: {  	[tilespmem:$0x4010] =	vst @!p0 v5  }
0x3c: {  	s16 =	sadd.s32 $0x1, s16;
	[tilespmem:$0x4020] =	vst @!p0 v5  }
0x3d: {  	s17 =	simm.s32 @!p0 $0x0;
	s18 =	simm.s32 @!p0 $0x4000;
	[tilespmem:$0x4030] =	vst @!p0 v5;
	p1 =	sne.s32 s16, s10  }
0x3e: {  	[hbm4b:s9+s17] =	stream.linear.scatter @!p0 [tilespmem:s18], [sflag:$0x1], $0x40, $0x38;
	[tilespmem:$0x8000] =	vst v63  }
.Ltmp2:
0x3f: {  	_ = 	snop;
	(pc) =	sbr.rel @p1 .LBB2_1-.Ltmp2, $4  }
0x40: {  	s17 =	simm.s32 @!p0 $0x1  }
0x41: {  	_ =	swait.ge @!p0 [sflag:s17], $0x40  }
0x42: {  	[sflag:s17] =	ssyncset.done @!p0 $0x0  }
0x43: {  	[sflag:s17] =	ssyncadd.s32 @!p0 $0xFFFFFFC0  }
0x44: {  	_ =	sfence.sel $0x180000  }
0x45: {  	[bflag:$0x0] =	sbarrier.arrive $0xFFFF  }
0x46: {  	p0 =	sne.s32 s3, $0x0;
	_ =	strace $0x90000047  }
0x47: {  	s0 =	sadd.s32 @!p0 $0x100000, s0;
	[bflag:$0x2] =	sbarrier.arrive $0xFFFF  }
0x48: {  	[sflag:s0] =	ssyncadd.tile.s32 @!p0 $0x1;
	_ =	shalt  }
.Lfunc_end2:
_tile_overlayer_lowered:
.L_overlay_start_2:
0x49: {  	(tag) =	ssettag $0x2  }
0x4a: {  	s0 =	rddreg [dreg:$0x0];
	s2 =	stileid.u32  }
0x4b: {  	s1 =	rddreg [dreg:$0x1];
	p0 =	sne.s32 s2, $0x0  }
0x4c: {  	s3 =	rddreg [dreg:$0x2];
	[bflag:$0x3] =	sbarrier.arrive $0xFFFF;
	s2 =	simm.s32 @!p0 $0x1C01  }
0x4d: {  	[timem:s3], [sflag:s2] =	dma.local @!p0 [hbm:s0], s1  }
0x4e: {  	s0 =	simm.s32 @!p0 $0x1  }
0x4f: {  	_ =	swait.ge @!p0 [sflag:s0], s1  }
0x50: {  	s1 =	ssub.s32 @!p0 $0x0, s1;
	[sflag:s0] =	ssyncset.done @!p0 $0x0  }
0x51: {  	[sflag:s0] =	ssyncadd.s32 @!p0 s1  }
0x52: {  	[bflag:$0x3] =	sbarrier.arrive $0xFFFF  }
0x53: {  	_ =	shalt  }

// kernel: kernel.9.cloned.1.call-start
scs
__scs_entry_jumppad:
0x0: {  	(pc) =	sbr.rel $0x88, $3  }
0x1: {  	(tag) =	ssettag $0x0;
	lr =	simm.s32 $0x1  }
0x2: {  	[smem:$0x3F98] =	sst lr;
	_ =	strace $0xD0000000  }
0x3: {  	_ = 	snop  }
0x4: {  	_ = 	snop  }
0x5: {  	_ = 	snop  }
0x6: {  	_ = 	snop  }
0x7: {  	_ = 	snop  }
__scs_overlays_trampoline_lowered:
0x8: {  	[smem:$0x3FA7] =	sst s0  }
0x9: {  	[smem:$0x3FA8] =	sst s1  }
0xa: {  	[smem:$0x3FA9] =	sst s2  }
0xb: {  	[smem:$0x3FAA] =	sst s3  }
0xc: {  	[smem:$0x3FAB] =	sst s4  }
0xd: {  	[smem:$0x3FAC] =	sst s5  }
0xe: {  	[smem:$0x3FAD] =	sst s6  }
0xf: {  	[smem:$0x3FAE] =	sst s7  }
0x10: {  	[smem:$0x3FAF] =	sst s8  }
0x11: {  	[smem:$0x3FB0] =	sst s9;
	s0 =	simm.s32 @!p0 $0x0  }
0x12: {  	s1 =	sld [smem:$0x3F96];
	s0 =	simm.s32 @p0 $0x1  }
0x13: {  	[smem:$0x3FB1] =	sst s0;
	s0 =	simm.s32 @!p1 $0x0  }
0x14: {  	s2 =	sld [smem:$0x3F95];
	s0 =	simm.s32 @p1 $0x1  }
0x15: {  	[smem:$0x3FB2] =	sst s0;
	s0 =	simm.s32 @!p2 $0x0  }
0x16: {  	s3 =	sld [smem:$0x3FDB];
	s0 =	simm.s32 @p2 $0x1  }
0x17: {  	s4 =	simm.s32 $0x1BF5;
	[smem:$0x3FB4] =	sst s0  }
0x18: {  	s0 =	sld [smem:$0x3F97];
	_ =	swait.ge [sflag:s4], $0x0  }
0x19: {  	s7 =	sld [smem:$0x3F98]  }
0x1a: {  	s8 =	sadd.s32 $0xFFFFE003, lr  }
0x1b: {  	s9 =	sadd.s32 $0xFFFFFEF7, lr;
	s5 =	simm.s32 $0xFFFFFFFF;
	p2 =	slt.u32 s8, $0xFFFFF086  }
0x1c: {  	p1 =	slt.u32 s9, $0xF7A;
	s5 =	simm.s32 @!p2 $0x0  }
0x1d: {  	s5 =	simm.s32 @p1 $0x1;
	p0 =	seq.s32 s7, s2  }
0x1e: {  	s7 =	smul.u32 @!p0 $0xF7A, s2;
	p2 =	seq.s32 @!p0 s5, $0x0  }
0x1f: {  	s9 =	smul.u32 $0xF7A, s1;
	s8 =	simm.s32 @!p0 $0x1BF5;
	p2 =	por !p2, p0  }
0x20: {  	[sflag:s8] =	ssyncset.s32 @!p0 $0xFFFFF086;
	s6 =	sadd.s32 @!p0 s3, s7;
	s7 =	simm.s32 @!p0 $0x108  }
0x21: {  	s3 =	sadd.s32 s3, s9;
	s6 =	sadd.s32 @!p0 $0x88, s6;
	s7 =	simm.s32 @p2 $0x1082  }
0x22: {  	[simem:s7], [sflag:s8] =	dma.local @!p0 [hbm:s6], $0xF7A  }
0x23: {  	s9 =	sor.u32 $0xD0000000, s2;
	s6 =	simm.s32 $0x108;
	_ =	swait.ge @!p0 [sflag:s8], $0x0  }
0x24: {  	s3 =	sadd.s32 $0x88, s3;
	s6 =	simm.s32 @!p1 $0x1082;
	[sflag:s4] =	ssyncset.s32 $0xFFFFF086  }
0x25: {  	[simem:s6], [sflag:s4] =	dma.local [hbm:s3], $0xF7A  }
0x26: {  	[smem:$0x3F98] =	sst s1;
	(tag) =	ssettag s2;
	_ =	strace s9  }
0x27: {  	s1 =	sld [smem:$0x3FA8]  }
0x28: {  	s2 =	sld [smem:$0x3FA9]  }
0x29: {  	s4 =	sld [smem:$0x3FAB]  }
0x2a: {  	p0 =	seq.s32 s5, $0x0;
	s5 =	sld [smem:$0x3FAC]  }
0x2b: {  	s6 =	sld [smem:$0x3FAD]  }
0x2c: {  	s7 =	sld [smem:$0x3FAE]  }
0x2d: {  	s3 =	simm.s32 $0x108;
	s8 =	sld [smem:$0x3FAF]  }
0x2e: {  	s3 =	simm.s32 @!p0 $0x1082;
	s9 =	sld [smem:$0x3FB0]  }
0x2f: {  	lr =	sadd.s32 s0, s3;
	s0 =	sld [smem:$0x3FA7]  }
0x30: {  	s3 =	sld [smem:$0x3FAA]  }
0x31: {  	[smem:$0x3FB3] =	sst s10  }
0x32: {  	s10 =	sld [smem:$0x3FB1];
	_ =	sdelay $0x3  }
0x33: {  	p0 =	seq.s32 s10, $0x1;
	s10 =	sld [smem:$0x3FB3];
	_ =	sdelay $0x3  }
0x34: {  	[smem:$0x3FB3] =	sst s10  }
0x35: {  	s10 =	sld [smem:$0x3FB2];
	_ =	sdelay $0x3  }
0x36: {  	p1 =	seq.s32 s10, $0x1;
	s10 =	sld [smem:$0x3FB3];
	_ =	sdelay $0x3  }
0x37: {  	[smem:$0x3FB3] =	sst s10  }
0x38: {  	s10 =	sld [smem:$0x3FB4]  }
0x39: {  	_ = 	snop;
	(pc) =	sbr.ind lr, $3  }
0x3a: {  	_ = 	snop  }
0x3b: {  	_ = 	snop  }
0x3c: {  	p2 =	seq.s32 s10, $0x1;
	s10 =	sld [smem:$0x3FB3]  }
0x3d: {  	_ =	shalt  }
0x3e: {  	_ =	shalt  }
0x3f: {  	_ =	shalt  }
0x40: {  	_ =	shalt  }
0x41: {  	_ =	shalt  }
0x42: {  	_ =	shalt  }
0x43: {  	_ =	shalt  }
0x44: {  	_ =	shalt  }
0x45: {  	_ =	shalt  }
0x46: {  	_ =	shalt  }
0x47: {  	_ =	shalt  }
0x48: {  	_ =	shalt  }
0x49: {  	_ =	shalt  }
0x4a: {  	_ =	shalt  }
0x4b: {  	_ =	shalt  }
0x4c: {  	_ =	shalt  }
0x4d: {  	_ =	shalt  }
0x4e: {  	_ =	shalt  }
0x4f: {  	_ =	shalt  }
0x50: {  	_ =	shalt  }
0x51: {  	_ =	shalt  }
0x52: {  	_ =	shalt  }
0x53: {  	_ =	shalt  }
0x54: {  	_ =	shalt  }
0x55: {  	_ =	shalt  }
0x56: {  	_ =	shalt  }
0x57: {  	_ =	shalt  }
0x58: {  	_ =	shalt  }
0x59: {  	_ =	shalt  }
0x5a: {  	_ =	shalt  }
0x5b: {  	_ =	shalt  }
0x5c: {  	_ =	shalt  }
0x5d: {  	_ =	shalt  }
0x5e: {  	_ =	shalt  }
0x5f: {  	_ =	shalt  }
0x60: {  	_ =	shalt  }
0x61: {  	_ =	shalt  }
0x62: {  	_ =	shalt  }
0x63: {  	_ =	shalt  }
0x64: {  	_ =	shalt  }
0x65: {  	_ =	shalt  }
0x66: {  	_ =	shalt  }
0x67: {  	_ =	shalt  }
0x68: {  	_ =	shalt  }
0x69: {  	_ =	shalt  }
0x6a: {  	_ =	shalt  }
0x6b: {  	_ =	shalt  }
0x6c: {  	_ =	shalt  }
0x6d: {  	_ =	shalt  }
0x6e: {  	_ =	shalt  }
0x6f: {  	_ =	shalt  }
0x70: {  	_ =	shalt  }
0x71: {  	_ =	shalt  }
0x72: {  	_ =	shalt  }
0x73: {  	_ =	shalt  }
0x74: {  	_ =	shalt  }
0x75: {  	_ =	shalt  }
0x76: {  	_ =	shalt  }
0x77: {  	_ =	shalt  }
0x78: {  	_ =	shalt  }
0x79: {  	_ =	shalt  }
0x7a: {  	_ =	shalt  }
0x7b: {  	_ =	shalt  }
0x7c: {  	_ =	shalt  }
0x7d: {  	_ =	shalt  }
0x7e: {  	_ =	shalt  }
0x7f: {  	_ =	shalt  }
0x80: {  	_ =	shalt  }
0x81: {  	_ =	shalt  }
0x82: {  	_ =	shalt  }
0x83: {  	_ =	shalt  }
0x84: {  	_ =	shalt  }
0x85: {  	_ =	shalt  }
0x86: {  	_ =	shalt  }
0x87: {  	_ =	shalt  }
.Lfunc_end0:
.L_simem_size_0:
called_computation.1_lowered:
.L_overlay_start_0:
0x88: {  	s2 =	sld [smem:$0x3FD9]  }
0x89: {  	s3 =	sld [smem:$0x3FFE];
	_ =	sdelay $0x1  }
0x8a: {  	s1 =	srdreg.scid  }
0x8b: {  	s0 =	sand.u32 $0x1, s1  }
0x8c: {  	s16 =	sshll.u32 s0, $0xA;
	s2 =	sadd.s32 s3, s2  }
0x8d: {  	s2 =	sadd.s32 s2, s16  }
0x8e: {  	[smem:$0x3FBF] =	sst s2  }
0x8f: {  	_ = 	snop  }
0x90: {  	(tm) =	ssettm $0x1  }
0x91: {  	s17 =	sld [smem:$0x3FFB];
	_ =	sdelay $0x3  }
0x92: {  	_ =	strace s17  }
0x93: {  	s2 =	sld [smem:$0x3FFC];
	_ =	sdelay $0x3  }
0x94: {  	_ =	strace s2  }
0x95: {  	s2 =	sld [smem:$0x3FFD];
	_ =	sdelay $0x3  }
0x96: {  	_ =	strace s2  }
0x97: {  	_ =	strace $0x8FFFFFFF  }
0x98: {  	s18 =	sld [smem:$0x3FDB];
	_ =	sdelay $0x1  }
0x99: {  	s19 =	simm.s32 $_scs_section_size  }
0x9a: {  	s4 =	simm.s32 $_size__tile_overlayer_lowered;
	s5 =	simm.s32 $_tile_overlayer_lowered  }
0x9b: {  	s22 =	simm.s32 $0x1BFF;
	s21 =	sshll.u32 s5, $0x1;
	s2 =	sadd.s32 s19, s18  }
0x9c: {  	s6 =	simm.s32 $0x0;
	s20 =	sshll.u32 s4, $0x1;
	s4 =	sadd.s32 s21, s2  }
0x9d: {  	[timem:s6], [sflag:s22] =	dma.local [hbm:s4], s20  }
0x9e: {  	_ =	swait.ge [sflag:s22], s20  }
0x9f: {  	s3 =	ssub.s32 $0x0, s20;
	[sflag:s22] =	ssyncset.done $0x0  }
0xa0: {  	[sflag:s22] =	ssyncadd.s32 s3;
	_ =	sdelay $0x1  }
0xa1: {  	s23 =	simm.s32 $0x1B8B  }
0xa2: {  	_ =	swait.ge [sflag:s23], $0x1  }
0xa3: {  	[sflag:s23] =	ssyncset.done $0x0  }
0xa4: {  	s25 =	simm.s32 $0x1B8E;
	s24 =	sld [smem:$0x3FFE];
	[sflag:s23] =	ssyncadd.s32 $0xFFFFFFFF  }
0xa5: {  	s26 =	simm.s32 $execute0_lowered;
	[smem:$0x3FD2] =	sst s25  }
0xa6: {  	s4 =	sshll.u32 s26, $0x1;
	_ =	strace $0x80000049;
	[dreg:$0x1] =	wrdreg $0xFFFFFFFF  }
0xa7: {  	s28 =	simm.s32 $_size_execute0_lowered;
	s2 =	sadd.s32 s2, s4;
	[dreg:$0x0] =	wrdreg $0x0  }
0xa8: {  	s4 =	sshll.u32 s28, $0x1;
	[dreg:$0x2] =	wrdreg s2  }
0xa9: {  	[dreg:$0x3] =	wrdreg s4  }
0xaa: {  	[dreg:$0x4] =	wrdreg $0xC0  }
0xab: {  	_ =	task [dreg:s6], $0x5FFFF  }
0xac: {  	[dreg:$0x1] =	wrdreg $0xFFFFFFFF  }
0xad: {  	[dreg:$0x0] =	wrdreg $0x60  }
0xae: {  	[dreg:$0x2] =	wrdreg s24  }
0xaf: {  	[dreg:$0x3] =	wrdreg $0x9  }
0xb0: {  	_ =	task.clear_ibuf [dreg:s6], $0x4FFFF;
	_ =	strace $0x90000049  }
0xb1: {  	s29 =	simm.s32 $0x9;
	_ =	strace $0x8000004B  }
0xb2: {  	_ =	swait.ge [sflag:s29], $0x1  }
0xb3: {  	[sflag:s29] =	ssyncadd.s32 $0xFFFFFFFF  }
0xb4: {  	_ =	strace $0x9000004B  }
0xb5: {  	_ =	sfence  }
0xb6: {  	s30 =	sld [smem:$0x0];
	_ =	sdelay $0x2  }
0xb7: {  	s31 =	sshll.u32 s1, $0xD;
	s1 =	sshrl.u32 s1, $0x2  }
0xb8: {  	s3 =	sand.u32 $0x4000, s31;
	s1 =	sadd.s32 s1, s30  }
0xb9: {  	s0 =	sor.u32 s3, s0;
	s1 =	sshll.u32 s1, $0x11  }
0xba: {  	s0 =	sor.u32 s1, s0  }
0xbb: {  	s0 =	sadd.s32 $0x8F2B, s0  }
0xbc: {  	[sflag:s0] =	ssyncadd.remote.s32 $0x1  }
0xbd: {  	_ =	sfence.sel $0xFFFF  }
0xbe: {  	[dreg:$0x0] =	wrdreg $0xFFFFFFFF;
	(pc) =	sbr.abs _section_cstart, $3  }
0xbf: {  	[dreg:$0x1] =	wrdreg $0xFFFFFFFF  }
0xc0: {  	_ =	task.clear_ibuf [dreg:s6], $0x2FFFF;
	_ =	strace $0x9FFFFFFF  }
0xc1: {  	(tm) =	ssettm $0x7FFFFFFF  }
tec
execute0_lowered:
.L_overlay_start_1:
0x0: {  	(tag) =	ssettag $0x1  }
0x1: {  	s0 =	rddreg [dreg:$0x0]  }
0x2: {  	s1 =	simm.s32 $0x0;
	s7 =	srdreg.scid;
	s12 =	stileid.u32  }
0x3: {  	s16 =	simm.s32 $0x2;
	s22 =	simm.s32 $0x80;
	s24 =	simm.s32 $0x2800  }
0x4: {  	s25 =	simm.s32 $0x4800;
	s28 =	simm.s32 $0x6800;
	s31 =	simm.s32 $0x8800  }
0x5: {  	s18 =	simm.s32 $0xAC00;
	s19 =	simm.s32 $0xB000;
	s20 =	simm.s32 $0xB400  }
0x6: {  	[smem:$0x7FF] =	sst s1;
	s2 =	sadd.s32 $0xC4E00, s0;
	s3 =	sadd.s32 $0x1C5000, s0  }
0x7: {  	s4 =	sadd.s32 $0x1E4000, s0;
	s5 =	sadd.s32 $0x203000, s0;
	s6 =	sadd.s32 $0x241000, s0  }
0x8: {  	s8 =	sadd.s32 $0x260000, s0;
	s9 =	sadd.s32 $0x222000, s0;
	s7 =	sand.u32 $0x1, s7  }
0x9: {  	s10 =	sadd.s32 $0x4E00, s0;
	s11 =	sadd.s32 $0x23E00, s0;
	s14 =	ssub.s32 $0x2, s7  }
0xa: {  	s13 =	sshll.u32 s12, $0x1;
	s12 =	sadd.s32 $0x42E00, s0;
	s15 =	sshrl.u32 s14, $0x1  }
0xb: {  	_ =	strace $0x8000004A;
	s7 =	sor.u32 s7, s13;
	s30 =	ssub.s32 s14, s15  }
0xc: {  	v0 =	vlaneseq.u32;
	s13 =	sadd.s32 $0x61E00, s0;
	s14 =	smul.u32 $0x7C00, s7;
	s0 =	smax.u32 s30, $0x1  }
0xd: {  	v0 =	vmul.u32 $0x8, v0;
	s15 =	simm.s32 $0x1;
	s7 =	simm.s32 $0x0;
	[dreg:$0x2] =	wrdreg s0  }
.LBB2_1:
0xe: {  	[dreg:$0x3] =	wrdreg s7;
	s21 =	simm.s32 $0x0  }
.LBB2_2:
0xf: {  	s0 =	sshll.u32 s21, $0xA  }
0x10: {  	s0 =	sadd.s32 s14, s0  }
0x11: {  	s23 =	sshrl.u32 s0, $0x3  }
0x12: {  	s7 =	simm.s32 $0x0;
	s0 =	sadd.s32 s3, s23  }
0x13: {  	[tilespmem:s7], [sflag:$0x2] =	stream.linear.gather [hbm4b:s0+s7], $0x400, $0x38;
	[tilespmem:$0xB800] =	vst v63  }
0x14: {  	_ =	swait.ge [sflag:s16], $0x400  }
0x15: {  	[sflag:s16] =	ssyncset.done $0x0  }
0x16: {  	s17 =	simm.s32 $0x400;
	s30 =	sadd.s32 s4, s23;
	[sflag:s16] =	ssyncadd.s32 $0xFFFFFC00  }
0x17: {  	[tilespmem:s17], [sflag:$0x2] =	stream.linear.gather [hbm4b:s30+s7], $0x400, $0x38;
	[tilespmem:$0xB800] =	vst v63  }
0x18: {  	_ =	swait.ge [sflag:s16], $0x400  }
0x19: {  	[sflag:s16] =	ssyncset.done $0x0  }
0x1a: {  	s26 =	simm.s32 $0x1800;
	s17 =	sadd.s32 s5, s23;
	[sflag:s16] =	ssyncadd.s32 $0xFFFFFC00  }
0x1b: {  	[tilespmem:s26], [sflag:$0x2] =	stream.linear.gather [hbm4b:s17+s7], $0x400, $0x38;
	[tilespmem:$0xB800] =	vst v63  }
0x1c: {  	_ =	swait.ge [sflag:s16], $0x400  }
0x1d: {  	[sflag:s16] =	ssyncset.done $0x0  }
0x1e: {  	s29 =	sadd.s32 s6, s23;
	s30 =	simm.s32 $0x1C00;
	[sflag:s16] =	ssyncadd.s32 $0xFFFFFC00  }
0x1f: {  	[tilespmem:s30], [sflag:$0x2] =	stream.linear.gather [hbm4b:s29+s7], $0x400, $0x38;
	[tilespmem:$0xB800] =	vst v63  }
0x20: {  	_ =	swait.ge [sflag:s16], $0x400  }
0x21: {  	[sflag:s16] =	ssyncset.done $0x0  }
0x22: {  	s17 =	sadd.s32 s8, s23;
	s26 =	simm.s32 $0x2000;
	[sflag:s16] =	ssyncadd.s32 $0xFFFFFC00  }
0x23: {  	[tilespmem:s26], [sflag:$0x2] =	stream.linear.gather [hbm4b:s17+s7], $0x400, $0x38;
	[tilespmem:$0xB800] =	vst v63  }
0x24: {  	_ =	swait.ge [sflag:s16], $0x400  }
0x25: {  	[sflag:s16] =	ssyncset.done $0x0  }
0x26: {  	s29 =	sadd.s32 s9, s23;
	s30 =	simm.s32 $0x2400;
	[sflag:s16] =	ssyncadd.s32 $0xFFFFFC00  }
0x27: {  	[tilespmem:s30], [sflag:$0x2] =	stream.linear.gather [hbm4b:s29+s7], $0x400, $0x38;
	[tilespmem:$0xB800] =	vst v63  }
0x28: {  	_ =	swait.ge [sflag:s16], $0x400  }
0x29: {  	[sflag:s16] =	ssyncset.done $0x0  }
0x2a: {  	s7 =	simm.s32 $0x0;
	[sflag:s16] =	ssyncadd.s32 $0xFFFFFC00  }
0x2b: {  	v3 =	vld [tilespmem:s7+$0x400]  }
0x2c: {  	v4 =	vld [tilespmem:s7+$0x0];
	_ =	sdelay $0x3  }
0x2d: {  	s0 =	simm.s32 $0x10  }
0x2e: {  	v1 =	vld [tilespmem:s0+$0x400];
	v5 =	vshra.s32 v3, $0x1;
	v6 =	vshra.s32 v4, $0x1;
	v4 =	vadd.s32 $0x1, v4  }
0x2f: {  	v2 =	vld [tilespmem:s0+$0x0];
	vm0 =	vgt.s32 v5, $0x0;
	v4 =	vshra.s32 v4, $0x1  }
0x30: {  	vm1 =	vgt.s32 v6, $0x0;
	v5 =	vnsel vm0, $0x0, v5;
	[tilespmem:s7+$0xC00] =	vst v4  }
0x31: {  	v3 =	vadd.s32 $0x1, v3;
	v6 =	vnsel vm1, $0x0, v6;
	[tilespmem:s7+$0x1000] =	vst v5  }
0x32: {  	s26 =	simm.s32 $0x80;
	v3 =	vshra.s32 v3, $0x1;
	[tilespmem:s7+$0x800] =	vst v6  }
.LBB2_3:
0x33: {  	s29 =	sshra.s32 s26, $0x2;
	p0 =	sne.s32 s26, $0xFC0;
	s26 =	sadd.s32 $0x40, s26;
	v4 =	vshra.s32 v1, $0x1;
	v5 =	vadd.s32 $0x1, v1;
	[tilespmem:s7+$0x1400] =	vst v3  }
.Ltmp0:
0x34: {  	s7 =	smov.u32 s0;
	v1 =	vld [tilespmem:s29+$0x400];
	v3 =	vshra.s32 v2, $0x1;
	v6 =	vadd.s32 $0x1, v2;
	vm0 =	vgt.s32 v4, $0x0;
	s0 =	smov.u32 s29;
	(pc) =	sbr.rel @p0 .LBB2_3-.Ltmp0, $4  }
0x35: {  	v2 =	vld [tilespmem:s0+$0x0];
	vm1 =	vgt.s32 v3, $0x0;
	v6 =	vshra.s32 v6, $0x1;
	v4 =	vnsel vm0, $0x0, v4  }
0x36: {  	v7 =	vnsel vm1, $0x0, v3;
	v3 =	vshra.s32 v5, $0x1;
	[tilespmem:s7+$0x1000] =	vst v4  }
0x37: {  	[tilespmem:s7+$0x800] =	vst v7  }
0x38: {  	[tilespmem:s7+$0xC00] =	vst v6  }
0x39: {  	v4 =	vshra.s32 v1, $0x1;
	v1 =	vadd.s32 $0x1, v1  }
0x3a: {  	[tilespmem:s7+$0x1400] =	vst v3;
	vm0 =	vgt.s32 v4, $0x0;
	v1 =	vshra.s32 v1, $0x1  }
0x3b: {  	v5 =	vshra.s32 v2, $0x1;
	v2 =	vadd.s32 $0x1, v2;
	v3 =	vnsel vm0, $0x0, v4;
	[tilespmem:s0+$0x1400] =	vst v1  }
0x3c: {  	vm1 =	vgt.s32 v5, $0x0;
	v2 =	vshra.s32 v2, $0x1;
	[tilespmem:s0+$0x1000] =	vst v3  }
0x3d: {  	v4 =	vnsel vm1, $0x0, v5;
	[tilespmem:s0+$0xC00] =	vst v2  }
0x3e: {  	s7 =	simm.s32 $0x800;
	[tilespmem:s0+$0x800] =	vst v4  }
0x3f: {  	[tilespmem:s24], [sflag:$0x1] =	stream.indirect.gather [hbm4b:s2+s22], $0x8, s7, s22, $0xb8;
	[tilespmem:$0xB800] =	vst v63  }
0x40: {  	s17 =	simm.s32 $0x880;
	s26 =	simm.s32 $0x2C00  }
0x41: {  	[tilespmem:s26], [sflag:$0x1] =	stream.indirect.gather [hbm4b:s2+s22], $0x8, s17, s22, $0xb8;
	[tilespmem:$0xB800] =	vst v63  }
0x42: {  	s17 =	simm.s32 $0x900;
	s26 =	simm.s32 $0x3000  }
0x43: {  	[tilespmem:s26], [sflag:$0x1] =	stream.indirect.gather [hbm4b:s2+s22], $0x8, s17, s22, $0xb8;
	[tilespmem:$0xB800] =	vst v63  }
0x44: {  	s17 =	simm.s32 $0x980;
	s26 =	simm.s32 $0x3400  }
0x45: {  	[tilespmem:s26], [sflag:$0x1] =	stream.indirect.gather [hbm4b:s2+s22], $0x8, s17, s22, $0xb8;
	[tilespmem:$0xB800] =	vst v63  }
0x46: {  	s17 =	simm.s32 $0xA00;
	s26 =	simm.s32 $0x3800  }
0x47: {  	[tilespmem:s26], [sflag:$0x1] =	stream.indirect.gather [hbm4b:s2+s22], $0x8, s17, s22, $0xb8;
	[tilespmem:$0xB800] =	vst v63  }
0x48: {  	s17 =	simm.s32 $0xA80;
	s26 =	simm.s32 $0x3C00  }
0x49: {  	[tilespmem:s26], [sflag:$0x1] =	stream.indirect.gather [hbm4b:s2+s22], $0x8, s17, s22, $0xb8;
	[tilespmem:$0xB800] =	vst v63  }
0x4a: {  	s17 =	simm.s32 $0xB00;
	s26 =	simm.s32 $0x4000  }
0x4b: {  	[tilespmem:s26], [sflag:$0x1] =	stream.indirect.gather [hbm4b:s2+s22], $0x8, s17, s22, $0xb8;
	[tilespmem:$0xB800] =	vst v63  }
0x4c: {  	s17 =	simm.s32 $0xB80;
	s26 =	simm.s32 $0x4400  }
0x4d: {  	[tilespmem:s26], [sflag:$0x1] =	stream.indirect.gather [hbm4b:s2+s22], $0x8, s17, s22, $0xb8;
	[tilespmem:$0xB800] =	vst v63  }
0x4e: {  	s7 =	simm.s32 $0xC00  }
0x4f: {  	[tilespmem:s25], [sflag:$0x1] =	stream.indirect.gather [hbm4b:s2+s22], $0x8, s7, s22, $0xb8;
	[tilespmem:$0xB800] =	vst v63  }
0x50: {  	s17 =	simm.s32 $0xC80;
	s26 =	simm.s32 $0x4C00  }
0x51: {  	[tilespmem:s26], [sflag:$0x1] =	stream.indirect.gather [hbm4b:s2+s22], $0x8, s17, s22, $0xb8;
	[tilespmem:$0xB800] =	vst v63  }
0x52: {  	s17 =	simm.s32 $0xD00;
	s26 =	simm.s32 $0x5000  }
0x53: {  	[tilespmem:s26], [sflag:$0x1] =	stream.indirect.gather [hbm4b:s2+s22], $0x8, s17, s22, $0xb8;
	[tilespmem:$0xB800] =	vst v63  }
0x54: {  	s17 =	simm.s32 $0xD80;
	s26 =	simm.s32 $0x5400  }
0x55: {  	[tilespmem:s26], [sflag:$0x1] =	stream.indirect.gather [hbm4b:s2+s22], $0x8, s17, s22, $0xb8;
	[tilespmem:$0xB800] =	vst v63  }
0x56: {  	s17 =	simm.s32 $0xE00;
	s26 =	simm.s32 $0x5800  }
0x57: {  	[tilespmem:s26], [sflag:$0x1] =	stream.indirect.gather [hbm4b:s2+s22], $0x8, s17, s22, $0xb8;
	[tilespmem:$0xB800] =	vst v63  }
0x58: {  	s17 =	simm.s32 $0xE80;
	s26 =	simm.s32 $0x5C00  }
0x59: {  	[tilespmem:s26], [sflag:$0x1] =	stream.indirect.gather [hbm4b:s2+s22], $0x8, s17, s22, $0xb8;
	[tilespmem:$0xB800] =	vst v63  }
0x5a: {  	s17 =	simm.s32 $0xF00;
	s26 =	simm.s32 $0x6000  }
0x5b: {  	[tilespmem:s26], [sflag:$0x1] =	stream.indirect.gather [hbm4b:s2+s22], $0x8, s17, s22, $0xb8;
	[tilespmem:$0xB800] =	vst v63  }
0x5c: {  	s17 =	simm.s32 $0xF80;
	s26 =	simm.s32 $0x6400  }
0x5d: {  	[tilespmem:s26], [sflag:$0x1] =	stream.indirect.gather [hbm4b:s2+s22], $0x8, s17, s22, $0xb8;
	[tilespmem:$0xB800] =	vst v63  }
0x5e: {  	s7 =	simm.s32 $0x1000  }
0x5f: {  	[tilespmem:s28], [sflag:$0x1] =	stream.indirect.gather [hbm4b:s2+s22], $0x8, s7, s22, $0xb8;
	[tilespmem:$0xB800] =	vst v63  }
0x60: {  	s17 =	simm.s32 $0x1080;
	s26 =	simm.s32 $0x6C00  }
0x61: {  	[tilespmem:s26], [sflag:$0x1] =	stream.indirect.gather [hbm4b:s2+s22], $0x8, s17, s22, $0xb8;
	[tilespmem:$0xB800] =	vst v63  }
0x62: {  	s17 =	simm.s32 $0x1100;
	s26 =	simm.s32 $0x7000  }
0x63: {  	[tilespmem:s26], [sflag:$0x1] =	stream.indirect.gather [hbm4b:s2+s22], $0x8, s17, s22, $0xb8;
	[tilespmem:$0xB800] =	vst v63  }
0x64: {  	s17 =	simm.s32 $0x1180;
	s26 =	simm.s32 $0x7400  }
0x65: {  	[tilespmem:s26], [sflag:$0x1] =	stream.indirect.gather [hbm4b:s2+s22], $0x8, s17, s22, $0xb8;
	[tilespmem:$0xB800] =	vst v63  }
0x66: {  	s17 =	simm.s32 $0x1200;
	s26 =	simm.s32 $0x7800  }
0x67: {  	[tilespmem:s26], [sflag:$0x1] =	stream.indirect.gather [hbm4b:s2+s22], $0x8, s17, s22, $0xb8;
	[tilespmem:$0xB800] =	vst v63  }
0x68: {  	s17 =	simm.s32 $0x1280;
	s26 =	simm.s32 $0x7C00  }
0x69: {  	[tilespmem:s26], [sflag:$0x1] =	stream.indirect.gather [hbm4b:s2+s22], $0x8, s17, s22, $0xb8;
	[tilespmem:$0xB800] =	vst v63  }
0x6a: {  	s17 =	simm.s32 $0x1300;
	s26 =	simm.s32 $0x8000  }
0x6b: {  	[tilespmem:s26], [sflag:$0x1] =	stream.indirect.gather [hbm4b:s2+s22], $0x8, s17, s22, $0xb8;
	[tilespmem:$0xB800] =	vst v63  }
0x6c: {  	s17 =	simm.s32 $0x1380;
	s26 =	simm.s32 $0x8400  }
0x6d: {  	[tilespmem:s26], [sflag:$0x1] =	stream.indirect.gather [hbm4b:s2+s22], $0x8, s17, s22, $0xb8;
	[tilespmem:$0xB800] =	vst v63  }
0x6e: {  	s7 =	simm.s32 $0x1400  }
0x6f: {  	[tilespmem:s31], [sflag:$0x1] =	stream.indirect.gather [hbm4b:s2+s22], $0x8, s7, s22, $0xb8;
	[tilespmem:$0xB800] =	vst v63  }
0x70: {  	s17 =	simm.s32 $0x1480;
	s26 =	simm.s32 $0x8C00  }
0x71: {  	[tilespmem:s26], [sflag:$0x1] =	stream.indirect.gather [hbm4b:s2+s22], $0x8, s17, s22, $0xb8;
	[tilespmem:$0xB800] =	vst v63  }
0x72: {  	s17 =	simm.s32 $0x1500;
	s26 =	simm.s32 $0x9000  }
0x73: {  	[tilespmem:s26], [sflag:$0x1] =	stream.indirect.gather [hbm4b:s2+s22], $0x8, s17, s22, $0xb8;
	[tilespmem:$0xB800] =	vst v63  }
0x74: {  	s17 =	simm.s32 $0x1580;
	s26 =	simm.s32 $0x9400  }
0x75: {  	[tilespmem:s26], [sflag:$0x1] =	stream.indirect.gather [hbm4b:s2+s22], $0x8, s17, s22, $0xb8;
	[tilespmem:$0xB800] =	vst v63  }
0x76: {  	s17 =	simm.s32 $0x1600;
	s26 =	simm.s32 $0x9800  }
0x77: {  	[tilespmem:s26], [sflag:$0x1] =	stream.indirect.gather [hbm4b:s2+s22], $0x8, s17, s22, $0xb8;
	[tilespmem:$0xB800] =	vst v63  }
0x78: {  	s17 =	simm.s32 $0x1680;
	s26 =	simm.s32 $0x9C00  }
0x79: {  	[tilespmem:s26], [sflag:$0x1] =	stream.indirect.gather [hbm4b:s2+s22], $0x8, s17, s22, $0xb8;
	[tilespmem:$0xB800] =	vst v63  }
0x7a: {  	s17 =	simm.s32 $0x1700;
	s26 =	simm.s32 $0xA000  }
0x7b: {  	[tilespmem:s26], [sflag:$0x1] =	stream.indirect.gather [hbm4b:s2+s22], $0x8, s17, s22, $0xb8;
	[tilespmem:$0xB800] =	vst v63  }
0x7c: {  	s17 =	simm.s32 $0x1780;
	s26 =	simm.s32 $0xA400  }
0x7d: {  	[tilespmem:s26], [sflag:$0x1] =	stream.indirect.gather [hbm4b:s2+s22], $0x8, s17, s22, $0xb8;
	[tilespmem:$0xB800] =	vst v63  }
0x7e: {  	_ =	swait.ge [sflag:s15], $0x400  }
0x7f: {  	[sflag:s15] =	ssyncset.done $0x0  }
0x80: {  	[sflag:s15] =	ssyncadd.s32 $0xFFFFFC00  }
0x81: {  	_ =	swait.ge [sflag:s15], $0x400  }
0x82: {  	[sflag:s15] =	ssyncset.done $0x0  }
0x83: {  	[sflag:s15] =	ssyncadd.s32 $0xFFFFFC00  }
0x84: {  	_ =	swait.ge [sflag:s15], $0x400  }
0x85: {  	[sflag:s15] =	ssyncset.done $0x0  }
0x86: {  	[sflag:s15] =	ssyncadd.s32 $0xFFFFFC00  }
0x87: {  	_ =	swait.ge [sflag:s15], $0x400  }
0x88: {  	[sflag:s15] =	ssyncset.done $0x0  }
0x89: {  	[sflag:s15] =	ssyncadd.s32 $0xFFFFFC00  }
0x8a: {  	_ =	swait.ge [sflag:s15], $0x400  }
0x8b: {  	[sflag:s15] =	ssyncset.done $0x0  }
0x8c: {  	[sflag:s15] =	ssyncadd.s32 $0xFFFFFC00  }
0x8d: {  	_ =	swait.ge [sflag:s15], $0x400  }
0x8e: {  	[sflag:s15] =	ssyncset.done $0x0  }
0x8f: {  	[sflag:s15] =	ssyncadd.s32 $0xFFFFFC00  }
0x90: {  	_ =	swait.ge [sflag:s15], $0x400  }
0x91: {  	[sflag:s15] =	ssyncset.done $0x0  }
0x92: {  	[sflag:s15] =	ssyncadd.s32 $0xFFFFFC00  }
0x93: {  	_ =	swait.ge [sflag:s15], $0x400  }
0x94: {  	[sflag:s15] =	ssyncset.done $0x0  }
0x95: {  	[sflag:s15] =	ssyncadd.s32 $0xFFFFFC00  }
0x96: {  	_ =	swait.ge [sflag:s15], $0x400  }
0x97: {  	[sflag:s15] =	ssyncset.done $0x0  }
0x98: {  	[sflag:s15] =	ssyncadd.s32 $0xFFFFFC00  }
0x99: {  	_ =	swait.ge [sflag:s15], $0x400  }
0x9a: {  	[sflag:s15] =	ssyncset.done $0x0  }
0x9b: {  	[sflag:s15] =	ssyncadd.s32 $0xFFFFFC00  }
0x9c: {  	_ =	swait.ge [sflag:s15], $0x400  }
0x9d: {  	[sflag:s15] =	ssyncset.done $0x0  }
0x9e: {  	[sflag:s15] =	ssyncadd.s32 $0xFFFFFC00  }
0x9f: {  	_ =	swait.ge [sflag:s15], $0x400  }
0xa0: {  	[sflag:s15] =	ssyncset.done $0x0  }
0xa1: {  	[sflag:s15] =	ssyncadd.s32 $0xFFFFFC00  }
0xa2: {  	_ =	swait.ge [sflag:s15], $0x400  }
0xa3: {  	[sflag:s15] =	ssyncset.done $0x0  }
0xa4: {  	[sflag:s15] =	ssyncadd.s32 $0xFFFFFC00  }
0xa5: {  	_ =	swait.ge [sflag:s15], $0x400  }
0xa6: {  	[sflag:s15] =	ssyncset.done $0x0  }
0xa7: {  	[sflag:s15] =	ssyncadd.s32 $0xFFFFFC00  }
0xa8: {  	_ =	swait.ge [sflag:s15], $0x400  }
0xa9: {  	[sflag:s15] =	ssyncset.done $0x0  }
0xaa: {  	[sflag:s15] =	ssyncadd.s32 $0xFFFFFC00  }
0xab: {  	_ =	swait.ge [sflag:s15], $0x400  }
0xac: {  	[sflag:s15] =	ssyncset.done $0x0  }
0xad: {  	[sflag:s15] =	ssyncadd.s32 $0xFFFFFC00  }
0xae: {  	_ =	swait.ge [sflag:s15], $0x400  }
0xaf: {  	[sflag:s15] =	ssyncset.done $0x0  }
0xb0: {  	[sflag:s15] =	ssyncadd.s32 $0xFFFFFC00  }
0xb1: {  	_ =	swait.ge [sflag:s15], $0x400  }
0xb2: {  	[sflag:s15] =	ssyncset.done $0x0  }
0xb3: {  	[sflag:s15] =	ssyncadd.s32 $0xFFFFFC00  }
0xb4: {  	_ =	swait.ge [sflag:s15], $0x400  }
0xb5: {  	[sflag:s15] =	ssyncset.done $0x0  }
0xb6: {  	[sflag:s15] =	ssyncadd.s32 $0xFFFFFC00  }
0xb7: {  	_ =	swait.ge [sflag:s15], $0x400  }
0xb8: {  	[sflag:s15] =	ssyncset.done $0x0  }
0xb9: {  	[sflag:s15] =	ssyncadd.s32 $0xFFFFFC00  }
0xba: {  	_ =	swait.ge [sflag:s15], $0x400  }
0xbb: {  	[sflag:s15] =	ssyncset.done $0x0  }
0xbc: {  	[sflag:s15] =	ssyncadd.s32 $0xFFFFFC00  }
0xbd: {  	_ =	swait.ge [sflag:s15], $0x400  }
0xbe: {  	[sflag:s15] =	ssyncset.done $0x0  }
0xbf: {  	[sflag:s15] =	ssyncadd.s32 $0xFFFFFC00  }
0xc0: {  	_ =	swait.ge [sflag:s15], $0x400  }
0xc1: {  	[sflag:s15] =	ssyncset.done $0x0  }
0xc2: {  	[sflag:s15] =	ssyncadd.s32 $0xFFFFFC00  }
0xc3: {  	_ =	swait.ge [sflag:s15], $0x400  }
0xc4: {  	[sflag:s15] =	ssyncset.done $0x0  }
0xc5: {  	[sflag:s15] =	ssyncadd.s32 $0xFFFFFC00  }
0xc6: {  	_ =	swait.ge [sflag:s15], $0x400  }
0xc7: {  	[sflag:s15] =	ssyncset.done $0x0  }
0xc8: {  	[sflag:s15] =	ssyncadd.s32 $0xFFFFFC00  }
0xc9: {  	_ =	swait.ge [sflag:s15], $0x400  }
0xca: {  	[sflag:s15] =	ssyncset.done $0x0  }
0xcb: {  	[sflag:s15] =	ssyncadd.s32 $0xFFFFFC00  }
0xcc: {  	_ =	swait.ge [sflag:s15], $0x400  }
0xcd: {  	[sflag:s15] =	ssyncset.done $0x0  }
0xce: {  	[sflag:s15] =	ssyncadd.s32 $0xFFFFFC00  }
0xcf: {  	_ =	swait.ge [sflag:s15], $0x400  }
0xd0: {  	[sflag:s15] =	ssyncset.done $0x0  }
0xd1: {  	[sflag:s15] =	ssyncadd.s32 $0xFFFFFC00  }
0xd2: {  	_ =	swait.ge [sflag:s15], $0x400  }
0xd3: {  	[sflag:s15] =	ssyncset.done $0x0  }
0xd4: {  	[sflag:s15] =	ssyncadd.s32 $0xFFFFFC00  }
0xd5: {  	_ =	swait.ge [sflag:s15], $0x400  }
0xd6: {  	[sflag:s15] =	ssyncset.done $0x0  }
0xd7: {  	[sflag:s15] =	ssyncadd.s32 $0xFFFFFC00  }
0xd8: {  	_ =	swait.ge [sflag:s15], $0x400  }
0xd9: {  	[sflag:s15] =	ssyncset.done $0x0  }
0xda: {  	[sflag:s15] =	ssyncadd.s32 $0xFFFFFC00  }
0xdb: {  	_ =	swait.ge [sflag:s15], $0x400  }
0xdc: {  	[sflag:s15] =	ssyncset.done $0x0  }
0xdd: {  	s26 =	simm.s32 $0x0;
	[sflag:s15] =	ssyncadd.s32 $0xFFFFFC00  }
0xde: {  	v1 =	vld [tilespmem:s26+$0x0];
	_ =	sdelay $0x3  }
0xdf: {  	v2 =	vmov s26  }
0xe0: {  	v2 =	vshll.u32 v2, $0x3;
	v1 =	vshll.u32 v1, $0x2  }
0xe1: {  	v2 =	vor.u32 v0, v2;
	v1 =	vand.u32 $0x4, v1  }
0xe2: {  	v3 =	vor.u32 v2, v1;
	v1 =	vsub.s32 v2, v1  }
0xe3: {  	v2 =	vadd.s32 $0x4, v1  }
0xe4: {  	s29 =	simm.s32 $0x2000  }
0xe5: {  	v4 =	vld [tilespmem:s29+$0xFFFFF800]  }
0xe6: {  	v7 =	vld [tilespmem:s29+$0xFFFFFC00]  }
0xe7: {  	v5 =	vld.idx.msk [tilespmem:v3+s24+$0x0], $0xffff  }
0xe8: {  	v6 =	vld.idx.msk [tilespmem:v2+s25+$0x0], $0xffff  }
0xe9: {  	v9 =	vld [tilespmem:s29+$0x0]  }
0xea: {  	v8 =	vld.idx.msk [tilespmem:v3+s28+$0x0], $0xffff  }
0xeb: {  	v10 =	vld [tilespmem:s29+$0x400]  }
0xec: {  	v2 =	vld.idx.msk [tilespmem:v2+s31+$0x0], $0xffff  }
0xed: {  	v5 =	vmul.f32 v5, v4;
	v6 =	vmul.f32 v6, v7;
	_ =	sdelay $0x1  }
0xee: {  	v59 =	vmul.f32 v8, v9;
	v5 =	vadd.f32 v6, v5;
	_ =	sdelay $0x1  }
0xef: {  	v60 =	vor.u32 $0x1, v3;
	v2 =	vmul.f32 v2, v10;
	v5 =	vadd.f32 v59, v5  }
0xf0: {  	v61 =	vadd.s32 $0x5, v1  }
0xf1: {  	v2 =	vadd.f32 v2, v5  }
0xf2: {  	s30 =	simm.s32 $0xB000  }
0xf3: {  	[tilespmem:s30+$0xFFFFF800] =	vst v2  }
0xf4: {  	v2 =	vld.idx.msk [tilespmem:v60+s24+$0x0], $0xffff  }
0xf5: {  	v5 =	vld.idx.msk [tilespmem:v61+s25+$0x0], $0xffff;
	_ =	sdelay $0x1  }
0xf6: {  	v6 =	vld.idx.msk [tilespmem:v60+s28+$0x0], $0xffff;
	_ =	sdelay $0x1  }
0xf7: {  	v8 =	vld.idx.msk [tilespmem:v61+s31+$0x0], $0xffff  }
0xf8: {  	v2 =	vmul.f32 v2, v4;
	v5 =	vmul.f32 v5, v7;
	_ =	sdelay $0x1  }
0xf9: {  	v2 =	vadd.f32 v5, v2;
	v5 =	vmul.f32 v6, v9;
	_ =	sdelay $0x1  }
0xfa: {  	v62 =	vor.u32 $0x2, v3;
	v2 =	vadd.f32 v5, v2;
	v5 =	vmul.f32 v8, v10  }
0xfb: {  	v1 =	vadd.s32 $0x6, v1  }
0xfc: {  	v2 =	vadd.f32 v5, v2;
	_ =	sdelay $0x1  }
0xfd: {  	[tilespmem:s30+$0xFFFFFC00] =	vst v2  }
0xfe: {  	v2 =	vld.idx.msk [tilespmem:v62+s24+$0x0], $0xffff  }
0xff: {  	v5 =	vld.idx.msk [tilespmem:v1+s25+$0x0], $0xffff;
	_ =	sdelay $0x1  }
0x100: {  	v6 =	vld.idx.msk [tilespmem:v62+s28+$0x0], $0xffff;
	_ =	sdelay $0x1  }
0x101: {  	v1 =	vld.idx.msk [tilespmem:v1+s31+$0x0], $0xffff  }
0x102: {  	v2 =	vmul.f32 v2, v4;
	v5 =	vmul.f32 v5, v7;
	_ =	sdelay $0x1  }
0x103: {  	v2 =	vadd.f32 v5, v2;
	v5 =	vmul.f32 v6, v9;
	_ =	sdelay $0x1  }
0x104: {  	v1 =	vmul.f32 v1, v10;
	v2 =	vadd.f32 v5, v2;
	v5 =	vor.u32 $0x3, v3  }
0x105: {  	v3 =	vxor.u32 $0x7, v3  }
0x106: {  	v1 =	vadd.f32 v1, v2;
	_ =	sdelay $0x1  }
0x107: {  	[tilespmem:s30+$0x0] =	vst v1  }
0x108: {  	v1 =	vld.idx.msk [tilespmem:v5+s24+$0x0], $0xffff  }
0x109: {  	v2 =	vld.idx.msk [tilespmem:v3+s25+$0x0], $0xffff;
	_ =	sdelay $0x1  }
0x10a: {  	v5 =	vld.idx.msk [tilespmem:v5+s28+$0x0], $0xffff  }
0x10b: {  	v63 =	vld.idx.msk [tilespmem:v3+s31+$0x0], $0xffff;
	_ =	sdelay $0x1  }
0x10c: {  	v1 =	vmul.f32 v1, v4;
	v3 =	vmul.f32 v2, v7;
	_ =	sdelay $0x1  }
0x10d: {  	v2 =	vmul.f32 v5, v9;
	v3 =	vadd.f32 v3, v1  }
0x10e: {  	s0 =	simm.s32 $0x10;
	s7 =	simm.s32 $0xB000;
	v1 =	vmul.f32 v63, v10  }
.LBB2_5:
0x10f: {  	v2 =	vadd.f32 v2, v3;
	s26 =	sadd.s32 $0x10, s26;
	s30 =	sadd.s32 $0x10, s30;
	s29 =	sadd.s32 $0x10, s29  }
0x110: {  	p0 =	sne.s32 s0, $0x3F0;
	s17 =	smov.u32 s0;
	s0 =	sadd.s32 $0x10, s0  }
0x111: {  	v1 =	vadd.f32 v1, v2;
	_ =	sdelay $0x1  }
0x112: {  	[tilespmem:s7+$0x400] =	vst v1;
	s7 =	smov.u32 s30  }
0x113: {  	v1 =	vld [tilespmem:s26+$0x0];
	_ =	sdelay $0x3  }
0x114: {  	v2 =	vmov s17  }
0x115: {  	v2 =	vshll.u32 v2, $0x3;
	v1 =	vshll.u32 v1, $0x2  }
0x116: {  	v2 =	vor.u32 v0, v2;
	v1 =	vand.u32 $0x4, v1  }
0x117: {  	v3 =	vor.u32 v2, v1;
	v1 =	vsub.s32 v2, v1  }
0x118: {  	v2 =	vadd.s32 $0x4, v1;
	_ =	sdelay $0x2  }
0x119: {  	v4 =	vld [tilespmem:s29+$0xFFFFF800]  }
0x11a: {  	v5 =	vld.idx.msk [tilespmem:v3+s24+$0x0], $0xffff  }
0x11b: {  	v6 =	vld.idx.msk [tilespmem:v2+s25+$0x0], $0xffff  }
0x11c: {  	v7 =	vld [tilespmem:s29+$0xFFFFFC00]  }
0x11d: {  	v8 =	vld.idx.msk [tilespmem:v3+s28+$0x0], $0xffff  }
0x11e: {  	v9 =	vld [tilespmem:s29+$0x0]  }
0x11f: {  	v2 =	vld.idx.msk [tilespmem:v2+s31+$0x0], $0xffff  }
0x120: {  	v5 =	vmul.f32 v5, v4;
	v10 =	vld [tilespmem:s29+$0x400]  }
0x121: {  	v6 =	vmul.f32 v6, v7;
	_ =	sdelay $0x1  }
0x122: {  	v5 =	vadd.f32 v6, v5;
	v6 =	vmul.f32 v8, v9;
	_ =	sdelay $0x1  }
0x123: {  	v5 =	vadd.f32 v6, v5;
	v2 =	vmul.f32 v2, v10;
	v6 =	vor.u32 $0x1, v3  }
0x124: {  	v8 =	vadd.s32 $0x5, v1  }
0x125: {  	v2 =	vadd.f32 v2, v5;
	_ =	sdelay $0x1  }
0x126: {  	[tilespmem:s30+$0xFFFFF800] =	vst v2  }
0x127: {  	v2 =	vld.idx.msk [tilespmem:v6+s24+$0x0], $0xffff  }
0x128: {  	v5 =	vld.idx.msk [tilespmem:v8+s25+$0x0], $0xffff;
	_ =	sdelay $0x1  }
0x129: {  	v6 =	vld.idx.msk [tilespmem:v6+s28+$0x0], $0xffff;
	_ =	sdelay $0x1  }
0x12a: {  	v8 =	vld.idx.msk [tilespmem:v8+s31+$0x0], $0xffff;
	_ =	sdelay $0x1  }
0x12b: {  	v2 =	vmul.f32 v2, v4;
	v5 =	vmul.f32 v5, v7;
	_ =	sdelay $0x1  }
0x12c: {  	v2 =	vadd.f32 v5, v2;
	v5 =	vmul.f32 v6, v9;
	_ =	sdelay $0x1  }
0x12d: {  	v6 =	vor.u32 $0x2, v3;
	v2 =	vadd.f32 v5, v2;
	v5 =	vmul.f32 v8, v10  }
0x12e: {  	v1 =	vadd.s32 $0x6, v1  }
0x12f: {  	v2 =	vadd.f32 v5, v2;
	_ =	sdelay $0x1  }
0x130: {  	[tilespmem:s30+$0xFFFFFC00] =	vst v2  }
0x131: {  	v2 =	vld.idx.msk [tilespmem:v6+s24+$0x0], $0xffff  }
0x132: {  	v5 =	vld.idx.msk [tilespmem:v1+s25+$0x0], $0xffff;
	_ =	sdelay $0x1  }
0x133: {  	v6 =	vld.idx.msk [tilespmem:v6+s28+$0x0], $0xffff;
	_ =	sdelay $0x1  }
0x134: {  	v1 =	vld.idx.msk [tilespmem:v1+s31+$0x0], $0xffff;
	_ =	sdelay $0x1  }
0x135: {  	v2 =	vmul.f32 v2, v4;
	v5 =	vmul.f32 v5, v7;
	_ =	sdelay $0x1  }
0x136: {  	v2 =	vadd.f32 v5, v2;
	v5 =	vmul.f32 v6, v9;
	_ =	sdelay $0x1  }
0x137: {  	v2 =	vadd.f32 v5, v2;
	v1 =	vmul.f32 v1, v10;
	v5 =	vor.u32 $0x3, v3  }
0x138: {  	v3 =	vxor.u32 $0x7, v3  }
0x139: {  	v1 =	vadd.f32 v1, v2;
	_ =	sdelay $0x1  }
0x13a: {  	[tilespmem:s30+$0x0] =	vst v1  }
0x13b: {  	v1 =	vld.idx.msk [tilespmem:v5+s24+$0x0], $0xffff  }
0x13c: {  	v2 =	vld.idx.msk [tilespmem:v3+s25+$0x0], $0xffff  }
0x13d: {  	v5 =	vld.idx.msk [tilespmem:v5+s28+$0x0], $0xffff  }
0x13e: {  	v6 =	vld.idx.msk [tilespmem:v3+s31+$0x0], $0xffff;
	_ =	sdelay $0x2  }
.Ltmp1:
0x13f: {  	v1 =	vmul.f32 v1, v4;
	(pc) =	sbr.rel @p0 .LBB2_5-.Ltmp1, $4  }
0x140: {  	v3 =	vmul.f32 v2, v7  }
0x141: {  	v2 =	vmul.f32 v5, v9  }
0x142: {  	v3 =	vadd.f32 v3, v1  }
0x143: {  	v1 =	vmul.f32 v6, v10  }
0x144: {  	v2 =	vadd.f32 v2, v3;
	_ =	sdelay $0x1  }
0x145: {  	v1 =	vadd.f32 v1, v2;
	_ =	sdelay $0x1  }
0x146: {  	s0 =	sadd.s32 s10, s23;
	s17 =	simm.s32 $0xA800;
	[tilespmem:s7+$0x400] =	vst v1  }
0x147: {  	[hbm4b:s0+s1] =	stream.linear.scatter [tilespmem:s17], [sflag:$0x2], $0x400, $0x38;
	[tilespmem:$0xB800] =	vst v63  }
0x148: {  	_ =	swait.ge [sflag:s16], $0x400  }
0x149: {  	[sflag:s16] =	ssyncset.done $0x0  }
0x14a: {  	s26 =	sadd.s32 s11, s23;
	[sflag:s16] =	ssyncadd.s32 $0xFFFFFC00  }
0x14b: {  	[hbm4b:s26+s1] =	stream.linear.scatter [tilespmem:s18], [sflag:$0x2], $0x400, $0x38;
	[tilespmem:$0xB800] =	vst v63  }
0x14c: {  	_ =	swait.ge [sflag:s16], $0x400  }
0x14d: {  	[sflag:s16] =	ssyncset.done $0x0  }
0x14e: {  	s29 =	sadd.s32 s12, s23;
	[sflag:s16] =	ssyncadd.s32 $0xFFFFFC00  }
0x14f: {  	[hbm4b:s29+s1] =	stream.linear.scatter [tilespmem:s19], [sflag:$0x2], $0x400, $0x38;
	[tilespmem:$0xB800] =	vst v63  }
0x150: {  	s21 =	sadd.s32 $0x1, s21;
	_ =	swait.ge [sflag:s16], $0x400  }
0x151: {  	p0 =	sne.s32 s21, $0x1F;
	[sflag:s16] =	ssyncset.done $0x0  }
.Ltmp2:
0x152: {  	s30 =	sadd.s32 s13, s23;
	[sflag:s16] =	ssyncadd.s32 $0xFFFFFC00;
	(pc) =	sbr.rel @p0 .LBB2_2-.Ltmp2, $4  }
0x153: {  	[hbm4b:s30+s1] =	stream.linear.scatter [tilespmem:s20], [sflag:$0x2], $0x400, $0x38;
	[tilespmem:$0xB800] =	vst v63  }
0x154: {  	_ =	swait.ge [sflag:s16], $0x400  }
0x155: {  	[sflag:s16] =	ssyncset.done $0x0  }
0x156: {  	[sflag:s16] =	ssyncadd.s32 $0xFFFFFC00  }
0x157: {  	s7 =	rddreg [dreg:$0x3]  }
0x158: {  	s0 =	rddreg [dreg:$0x2];
	s7 =	sadd.s32 $0x1, s7  }
0x159: {  	p0 =	sne.s32 s7, s0  }
.Ltmp3:
0x15a: {  	_ = 	snop;
	(pc) =	sbr.rel @p0 .LBB2_1-.Ltmp3, $1  }
0x15b: {  	_ =	sdelay $0x3  }
0x15c: {  	_ =	sfence.sel $0x180000  }
0x15d: {  	[bflag:$0x0] =	sbarrier.arrive $0xFFFF  }
0x15e: {  	_ =	strace $0x9000004A  }
0x15f: {  	s0 =	stileid.u32;
	[bflag:$0x2] =	sbarrier.arrive $0xFFFF  }
0x160: {  	p0 =	sne.s32 s0, $0x0;
	s0 =	rddreg [dreg:$0x1]  }
0x161: {  	s0 =	sadd.s32 @!p0 $0x100000, s0  }
0x162: {  	[sflag:s0] =	ssyncadd.tile.s32 @!p0 $0x1;
	_ =	shalt  }
.Lfunc_end2:
_tile_overlayer_lowered:
.L_overlay_start_2:
0x163: {  	(tag) =	ssettag $0x2  }
0x164: {  	s0 =	rddreg [dreg:$0x0];
	s2 =	stileid.u32  }
0x165: {  	s1 =	rddreg [dreg:$0x1];
	p0 =	sne.s32 s2, $0x0  }
0x166: {  	s3 =	rddreg [dreg:$0x2];
	[bflag:$0x3] =	sbarrier.arrive $0xFFFF;
	s2 =	simm.s32 @!p0 $0x1C02  }
0x167: {  	[timem:s3], [sflag:s2] =	dma.local @!p0 [hbm:s0], s1  }
0x168: {  	s0 =	simm.s32 @!p0 $0x2  }
0x169: {  	_ =	swait.ge @!p0 [sflag:s0], s1  }
0x16a: {  	s1 =	ssub.s32 @!p0 $0x0, s1;
	[sflag:s0] =	ssyncset.done @!p0 $0x0  }
0x16b: {  	[sflag:s0] =	ssyncadd.s32 @!p0 s1  }
0x16c: {  	[bflag:$0x3] =	sbarrier.arrive $0xFFFF  }
0x16d: {  	_ =	shalt  }

</sc_bundles>
